<compile_context>
chip_gen: v7x
topology: tpu7x:2x2x1
jax: 0.10.2.dev20260603
libtpu: 0.0.44.dev20260713+nightly
codegen_flags: <defaults>
</compile_context>

<pallas_src>
import jax
import jax.numpy as jnp
from jax import lax
from jax.experimental import pallas as pl
from jax.experimental.pallas import tpu as pltpu
from jax.experimental.pallas import tpu_sc as plsc

_N = 512
_DIN = 16
_H = 128
_E = _N * _N
_B = 4096
_NB = _E // _B

_NW = 32
_EPW = _E // _NW
_CH = 128
_NCH = _EPW // _CH


def _stats_kernel(ea_ref, dstc_ref, stats_ref, cnt_ref):
    i = pl.program_id(0)

    @pl.when(i == 0)
    def _init():
        stats_ref[0, 0] = 0.0
        stats_ref[0, 1] = 0.0
        cnt_ref[...] = jnp.zeros_like(cnt_ref)

    ea = ea_ref[...]
    stats_ref[0, 0] += jnp.sum(ea)
    stats_ref[0, 1] += jnp.sum(ea * ea)
    one = jnp.bfloat16(1.0)
    zero = jnp.bfloat16(0.0)
    dst = jnp.broadcast_to(dstc_ref[0].astype(jnp.int16), (_B, _N))
    iota_b = jax.lax.broadcasted_iota(jnp.int16, (_B, _N), 1)
    ohd = jnp.where(iota_b == dst, one, zero)
    ones8 = jnp.full((8, _B), one)
    cnt_ref[...] += jnp.dot(ones8, ohd,
                            preferred_element_type=jnp.float32)


def _sigx_kernel(ea_ref, lnw_ref, lnb_ref, wcat_ref, ms_ref, x_ref):
    mu = ms_ref[0, 0]
    rstd = ms_ref[0, 1]
    y = (ea_ref[...] - mu) * rstd * lnw_ref[...] + lnb_ref[...]
    sig = jax.nn.sigmoid(y)
    x_ref[...] = jnp.dot(sig, wcat_ref[...],
                         preferred_element_type=jnp.float32)


def _gh_kernel(acc2_ref, inv_ref, whht_ref, bco_ref, g_ref, h_ref):
    h = (acc2_ref[0] + acc2_ref[1]) * inv_ref[...]
    h_ref[...] = h
    g_ref[...] = jnp.dot(h, whht_ref[...],
                         preferred_element_type=jnp.float32) + bco_ref[...]


def _tanh_kernel(x_ref, gg_ref, m_ref):
    m_ref[...] = jnp.tanh(x_ref[...] + gg_ref[...])


def _cbt_kernel(ofull_ref, oblk_ref, out_ref):
    o = ofull_ref[0]
    oi = oblk_ref[0]
    jc = min(128, _N)
    for j in range(_N // jc):
        oj = o[j * jc:(j + 1) * jc, :]
        d = jnp.sum(jnp.abs(oi[:, None, :] - oj[None, :, :]), axis=2)
        out_ref[0, :, j * jc:(j + 1) * jc] = d


def _sc_gather_body(g_hbm, idx_hbm, out_hbm, idx_v, rows_a, rows_b,
                    sem_a, sem_b):
    wid = lax.axis_index("s") * 2 + lax.axis_index("c")
    pltpu.sync_copy(idx_hbm.at[wid], idx_v)

    def body(j, carry):
        b0 = wid * _EPW + (2 * j) * _CH
        b1 = b0 + _CH
        cp0 = pltpu.async_copy(g_hbm.at[idx_v.at[2 * j]], rows_a, sem_a)
        cp1 = pltpu.async_copy(g_hbm.at[idx_v.at[2 * j + 1]], rows_b, sem_b)
        cp0.wait()
        pltpu.sync_copy(rows_a, out_hbm.at[pl.ds(b0, _CH)])
        cp1.wait()
        pltpu.sync_copy(rows_b, out_hbm.at[pl.ds(b1, _CH)])
        return carry

    lax.fori_loop(0, _NCH // 2, body, 0)


def _sc_scatter_body(m_hbm, idx_hbm, zeros_hbm, out_hbm,
                     idx_v, rows_a, rows_b, acc_s, sem_a, sem_b):
    c = lax.axis_index("c")
    s = lax.axis_index("s")
    wid = s * 2 + c

    @pl.when(s == 0)
    def _zero():
        pltpu.sync_copy(zeros_hbm, acc_s)

    plsc.subcore_barrier()
    pltpu.sync_copy(idx_hbm.at[wid], idx_v)

    def body(j, carry):
        b0 = wid * _EPW + (2 * j) * _CH
        b1 = b0 + _CH
        cp0 = pltpu.async_copy(m_hbm.at[pl.ds(b0, _CH)], rows_a, sem_a)
        cp1 = pltpu.async_copy(m_hbm.at[pl.ds(b1, _CH)], rows_b, sem_b)
        cp0.wait()
        pltpu.sync_copy(rows_a, acc_s.at[idx_v.at[2 * j]], add=True)
        cp1.wait()
        pltpu.sync_copy(rows_b, acc_s.at[idx_v.at[2 * j + 1]], add=True)
        return carry

    lax.fori_loop(0, _NCH // 2, body, 0)
    plsc.subcore_barrier()

    @pl.when(s == 0)
    def _out():
        pltpu.sync_copy(acc_s, out_hbm.at[c])


def kernel(edge_attr, edge_index, ln_w, ln_b, W_ih0, W_hh0, b_ih0, b_hh0,
           W_ih1, W_hh1, b_ih1, b_hh1, W_ih2, W_hh2, b_ih2, b_hh2):
    f32 = jnp.float32
    src = edge_index[0].astype(jnp.int32)
    dst = edge_index[1].astype(jnp.int32)
    dstc = dst.reshape(_NB, _B, 1)
    srcw = src.reshape(_NW, _NCH, _CH)
    dstw = dst.reshape(_NW, _NCH, _CH)

    wcat = jnp.zeros((_DIN, _H), f32)
    whht = jnp.zeros((_H, _H), f32)
    bco = jnp.zeros((1, _H), f32)
    off = 0
    for W_ih, W_hh, b_ih, b_hh in ((W_ih0, W_hh0, b_ih0, b_hh0),
                                   (W_ih1, W_hh1, b_ih1, b_hh1),
                                   (W_ih2, W_hh2, b_ih2, b_hh2)):
        h = W_ih.shape[0]
        wcat = wcat.at[:, off:off + h].set(W_ih.T)
        whht = whht.at[off:off + h, off:off + h].set(W_hh.T)
        bco = bco.at[0, off:off + h].set(b_ih + b_hh)
        off += h

    stats, cnt8 = pl.pallas_call(
        _stats_kernel,
        grid=(_NB,),
        in_specs=[
            pl.BlockSpec((_B, _DIN), lambda i: (i, 0)),
            pl.BlockSpec((1, _B, 1), lambda i: (i, 0, 0)),
        ],
        out_specs=[
            pl.BlockSpec(memory_space=pltpu.SMEM),
            pl.BlockSpec((8, _N), lambda i: (0, 0)),
        ],
        out_shape=[
            jax.ShapeDtypeStruct((1, 2), f32),
            jax.ShapeDtypeStruct((8, _N), f32),
        ],
        interpret=False,
    )(edge_attr, dstc)

    nelem = float(_E * _DIN)
    mu = stats[0, 0] / nelem
    var = stats[0, 1] / nelem - mu * mu
    rstd = jax.lax.rsqrt(var + 1e-5)
    musig = jnp.stack([mu, rstd]).reshape(1, 2)
    inv = (1.0 / jnp.maximum(cnt8[0], 1.0)).reshape(_N, 1)

    x_all = pl.pallas_call(
        _sigx_kernel,
        grid=(_NB,),
        in_specs=[
            pl.BlockSpec((_B, _DIN), lambda i: (i, 0)),
            pl.BlockSpec((_B, _DIN), lambda i: (i, 0)),
            pl.BlockSpec((_B, _DIN), lambda i: (i, 0)),
            pl.BlockSpec((_DIN, _H), lambda i: (0, 0)),
            pl.BlockSpec(memory_space=pltpu.SMEM),
        ],
        out_specs=pl.BlockSpec((_B, _H), lambda i: (i, 0)),
        out_shape=jax.ShapeDtypeStruct((_E, _H), f32),
        interpret=False,
    )(edge_attr, ln_w, ln_b, wcat, musig)

    gh = pl.pallas_call(
        _gh_kernel,
        out_shape=[
            jax.ShapeDtypeStruct((_N, _H), f32),
            jax.ShapeDtypeStruct((_N, _H), f32),
        ],
        interpret=False,
    )

    tanh_k = pl.pallas_call(
        _tanh_kernel,
        grid=(_NB,),
        in_specs=[
            pl.BlockSpec((_B, _H), lambda i: (i, 0)),
            pl.BlockSpec((_B, _H), lambda i: (i, 0)),
        ],
        out_specs=pl.BlockSpec((_B, _H), lambda i: (i, 0)),
        out_shape=jax.ShapeDtypeStruct((_E, _H), f32),
        interpret=False,
    )

    mesh = plsc.VectorSubcoreMesh(core_axis_name="c", subcore_axis_name="s")
    sc_gather = pl.kernel(
        _sc_gather_body,
        mesh=mesh,
        out_type=jax.ShapeDtypeStruct((_E, _H), f32),
        scratch_types=[
            pltpu.VMEM((_NCH, _CH), jnp.int32),
            pltpu.VMEM((_CH, _H), f32),
            pltpu.VMEM((_CH, _H), f32),
            pltpu.SemaphoreType.DMA,
            pltpu.SemaphoreType.DMA,
        ],
    )
    sc_scatter = pl.kernel(
        _sc_scatter_body,
        mesh=mesh,
        out_type=jax.ShapeDtypeStruct((2, _N, _H), f32),
        scratch_types=[
            pltpu.VMEM((_NCH, _CH), jnp.int32),
            pltpu.VMEM((_CH, _H), f32),
            pltpu.VMEM((_CH, _H), f32),
            pltpu.VMEM_SHARED((_N, _H), f32),
            pltpu.SemaphoreType.DMA,
            pltpu.SemaphoreType.DMA,
        ],
    )

    zeros_nh = jnp.zeros((_N, _H), f32)
    acc2 = jnp.zeros((2, _N, _H), f32)
    hs = []
    for _ in range(3):
        g, h_cur = gh(acc2, inv, whht, bco)
        hs.append(h_cur)
        gg = sc_gather(g, srcw)
        m = tanh_k(x_all, gg)
        acc2 = sc_scatter(m, dstw, zeros_nh)
    _, h3 = gh(acc2, inv, whht, bco)

    houts = jnp.stack([h3, hs[2]])

    rb = 64
    cbt = pl.pallas_call(
        _cbt_kernel,
        grid=(2, _N // rb),
        in_specs=[
            pl.BlockSpec((1, _N, _H), lambda t, i: (t, 0, 0)),
            pl.BlockSpec((1, rb, _H), lambda t, i: (t, i, 0)),
        ],
        out_specs=pl.BlockSpec((1, rb, _N), lambda t, i: (t, i, 0)),
        out_shape=jax.ShapeDtypeStruct((2, _N, _N), f32),
        interpret=False,
    )(houts, houts)

    return cbt

# --- scband reference (transcript-rebuilt; emitter-appended) ---
"""Pipeline reference for scband-remi-net-45672682226318 (READ-ONLY COPY).

The authoritative reference and input builder live on the scoring server;
editing this copy changes nothing except your own understanding.
"""

import jax, jax.numpy as jnp
import numpy as np

N = 512
D_IN = 16
HID = [36, 24, 5]
E = N * N


def setup_inputs(seed: int = 0) -> dict:
    key = jax.random.key(seed)
    ks = jax.random.split(key, 16)
    inp = {}
    inp["edge_attr"] = jax.random.normal(ks[0], (E, D_IN), dtype=jnp.float32)
    src = jax.random.randint(ks[1], (E,), 0, N)
    dst = jax.random.randint(ks[2], (E,), 0, N)
    inp["edge_index"] = jnp.stack([src, dst])
    inp["ln_w"] = jnp.ones((E, D_IN), dtype=jnp.float32)
    inp["ln_b"] = jnp.zeros((E, D_IN), dtype=jnp.float32)
    ki = 3
    for ci, h in enumerate(HID):
        s = 1.0 / np.sqrt(h)
        inp["W_ih%d" % ci] = jax.random.uniform(ks[ki], (h, D_IN), minval=-s, maxval=s, dtype=jnp.float32); ki += 1
        inp["W_hh%d" % ci] = jax.random.uniform(ks[ki], (h, h), minval=-s, maxval=s, dtype=jnp.float32); ki += 1
        inp["b_ih%d" % ci] = jax.random.uniform(ks[ki], (h,), minval=-s, maxval=s, dtype=jnp.float32); ki += 1
        inp["b_hh%d" % ci] = jax.random.uniform(ks[ki], (h,), minval=-s, maxval=s, dtype=jnp.float32); ki += 1
    return inp


def _layernorm_all(x, w, b, eps=1e-5):
    # torch LayerNorm([E, D_IN]) on a 2-D [E, D_IN] tensor normalizes over all elements
    mu = jnp.mean(x)
    var = jnp.mean((x - mu) ** 2)
    return (x - mu) / jnp.sqrt(var + eps) * w + b


def _rnn_conv(h, src, dst, ea, W_ih, W_hh, b_ih, b_hh):
    # DoubleRNNConv (PyG MessagePassing, aggr='mean'):
    # message = RNNCell(edge_attr, x_j); aggregate mean at dst
    hj = h[src]
    m = jnp.tanh(ea @ W_ih.T + b_ih + hj @ W_hh.T + b_hh)
    num = jax.ops.segment_sum(m, dst, num_segments=N)
    cnt = jax.ops.segment_sum(jnp.ones((m.shape[0],), m.dtype), dst, num_segments=N)
    return num / jnp.maximum(cnt, 1.0)[:, None]


def _cbt(out):
    # sum_k |out[j,k] - out[i,k]|  -> [N, N]
    return jnp.sum(jnp.abs(out[None, :, :] - out[:, None, :]), axis=2)


def reference(edge_attr, edge_index, ln_w, ln_b, W_ih0, W_hh0, b_ih0, b_hh0, W_ih1, W_hh1, b_ih1, b_hh1, W_ih2, W_hh2, b_ih2, b_hh2):
    time_points, cycles, stop_point = 2, 1, 0
    src = edge_index[0]
    dst = edge_index[1]
    ea = jax.nn.sigmoid(_layernorm_all(edge_attr, ln_w, ln_b))
    hid1 = jnp.zeros((N, HID[0]), jnp.float32)
    hid2 = jnp.zeros((N, HID[1]), jnp.float32)
    hid3 = jnp.zeros((N, HID[2]), jnp.float32)
    cbts = []
    for t in range(time_points):
        hid1 = _rnn_conv(hid1, src, dst, ea, W_ih0, W_hh0, b_ih0, b_hh0)
        hid2 = _rnn_conv(hid2, src, dst, ea, W_ih1, W_hh1, b_ih1, b_hh1)
        hid3 = _rnn_conv(hid3, src, dst, ea, W_ih2, W_hh2, b_ih2, b_hh2)
        out = jnp.concatenate((hid1, hid2, hid3), axis=1)
        cbts.append(_cbt(out))
    for c in range(cycles):
        last_cycle = (c == cycles - 1)
        for t in range(time_points):
            hid1 = _rnn_conv(hid1, src, dst, ea, W_ih0, W_hh0, b_ih0, b_hh0)
            hid2 = _rnn_conv(hid2, src, dst, ea, W_ih1, W_hh1, b_ih1, b_hh1)
            hid3 = _rnn_conv(hid3, src, dst, ea, W_ih2, W_hh2, b_ih2, b_hh2)
            out = jnp.concatenate((hid1, hid2, hid3), axis=1)
            cbts[t] = _cbt(out)
            if last_cycle and t == stop_point:
                break
    return jnp.stack(cbts)

if __name__ == "__main__":
    import jax
    _d = setup_inputs()
    print(jax.jit(kernel)(*tuple(_d.values())))

</pallas_src>

<mosaic_0001>
#map = affine_map<(d0, d1) -> (0, 0)>
#map1 = affine_map<(d0, d1) -> (0, 0, 0)>
module attributes {stable_mosaic.version = 14 : i64} {
  func.func @_sc_scatter_body(%arg0: i32, %arg1: i32, %arg2: memref<262144x128xf32, #tpu.memory_space<hbm>>, %arg3: memref<32x64x128xi32, #tpu.memory_space<hbm>>, %arg4: memref<512x128xf32, #tpu.memory_space<hbm>>, %arg5: memref<2x512x128xf32, #tpu.memory_space<hbm>>, %arg6: memref<64x128xi32, #tpu.memory_space<vmem>>, %arg7: memref<128x128xf32, #tpu.memory_space<vmem>>, %arg8: memref<128x128xf32, #tpu.memory_space<vmem>>, %arg9: memref<512x128xf32, #tpu.memory_space<vmem_shared>>, %arg10: memref<!tpu.dma_semaphore, #tpu.memory_space<semaphore_mem>>, %arg11: memref<!tpu.dma_semaphore, #tpu.memory_space<semaphore_mem>>) attributes {dimension_semantics = [#tpu.dimension_semantics<core_parallel>, #tpu.dimension_semantics<subcore_parallel>], iteration_bounds = array<i64: 2, 16>, scalar_prefetch = 0 : i64, scratch_operands = 6 : i64, tpu.core_type = #tpu.core_type<sc_vector_subcore>, window_params = [{transform_indices = #map}, {transform_indices = #map1}, {transform_indices = #map}, {transform_indices = #map1}]} {
    %mul3A = arith.constant 2 : i32
    %mul3A_0 = arith.muli %arg1, %mul3A : i32
    %add3A = arith.addi %mul3A_0, %arg0 : i32
    %eq3A = arith.constant 0 : i32
    %eq3A_1 = arith.cmpi eq, %arg1, %eq3A : i32
    %convert_element_type3A = arith.extui %eq3A_1 : i1 to i32
    %cond3A = arith.constant 0 : i32
    %cond3A_2 = arith.cmpi ne, %convert_element_type3A, %cond3A : i32
    scf.if %cond3A_2 {
      "tpu.region"() ({
        %run_scoped3A = tpu.sem_alloc : memref<!tpu.dma_semaphore, #tpu.memory_space<semaphore_mem>>
        tpu.enqueue_dma source(%arg4 : memref<512x128xf32, #tpu.memory_space<hbm>>) target(%arg9 : memref<512x128xf32, #tpu.memory_space<vmem_shared>>) target_semaphore(%run_scoped3A : memref<!tpu.dma_semaphore, #tpu.memory_space<semaphore_mem>>)
        tpu.wait_dma2 semaphore(%run_scoped3A : memref<!tpu.dma_semaphore, #tpu.memory_space<semaphore_mem>>) src(%arg4 : memref<512x128xf32, #tpu.memory_space<hbm>>) dst(%arg9 : memref<512x128xf32, #tpu.memory_space<vmem_shared>>)
        tpu.yield
      }) : () -> ()
    } else {
    }
    %barrier3A = arith.constant 0 : index
    tpu.barrier barrier_id(%barrier3A)
    "tpu.region"() ({
      %run_scoped3A = tpu.sem_alloc : memref<!tpu.dma_semaphore, #tpu.memory_space<semaphore_mem>>
      %dma_start3A = arith.constant 0 : i32
      %dma_start3A_14 = arith.constant 0 : i32
      %dma_start3A_15 = tpu.memref_slice %arg3[%add3A, %dma_start3A, %dma_start3A_14] : memref<32x64x128xi32, #tpu.memory_space<hbm>> -> memref<1x64x128xi32, #tpu.memory_space<hbm>>
      %dma_start3A_16 = tpu.memref_squeeze %dma_start3A_15 : memref<1x64x128xi32, #tpu.memory_space<hbm>> -> memref<64x128xi32, #tpu.memory_space<hbm>>
      %dma_start3A_17 = arith.constant 0 : i32
      %dma_start3A_18 = arith.constant 0 : i32
      %dma_start3A_19 = tpu.memref_slice %arg3[%add3A, %dma_start3A_17, %dma_start3A_18] : memref<32x64x128xi32, #tpu.memory_space<hbm>> -> memref<1x64x128xi32, #tpu.memory_space<hbm>>
      %dma_start3A_20 = tpu.memref_squeeze %dma_start3A_19 : memref<1x64x128xi32, #tpu.memory_space<hbm>> -> memref<64x128xi32, #tpu.memory_space<hbm>>
      tpu.enqueue_dma source(%dma_start3A_20 : memref<64x128xi32, #tpu.memory_space<hbm>>) target(%arg6 : memref<64x128xi32, #tpu.memory_space<vmem>>) target_semaphore(%run_scoped3A : memref<!tpu.dma_semaphore, #tpu.memory_space<semaphore_mem>>)
      %dma_wait3A = arith.constant 0 : i32
      %dma_wait3A_21 = arith.constant 0 : i32
      %dma_wait3A_22 = tpu.memref_slice %arg3[%add3A, %dma_wait3A, %dma_wait3A_21] : memref<32x64x128xi32, #tpu.memory_space<hbm>> -> memref<1x64x128xi32, #tpu.memory_space<hbm>>
      %dma_wait3A_23 = tpu.memref_squeeze %dma_wait3A_22 : memref<1x64x128xi32, #tpu.memory_space<hbm>> -> memref<64x128xi32, #tpu.memory_space<hbm>>
      %dma_wait3A_24 = arith.constant 0 : i32
      %dma_wait3A_25 = arith.constant 0 : i32
      %dma_wait3A_26 = tpu.memref_slice %arg3[%add3A, %dma_wait3A_24, %dma_wait3A_25] : memref<32x64x128xi32, #tpu.memory_space<hbm>> -> memref<1x64x128xi32, #tpu.memory_space<hbm>>
      %dma_wait3A_27 = tpu.memref_squeeze %dma_wait3A_26 : memref<1x64x128xi32, #tpu.memory_space<hbm>> -> memref<64x128xi32, #tpu.memory_space<hbm>>
      tpu.wait_dma2 semaphore(%run_scoped3A : memref<!tpu.dma_semaphore, #tpu.memory_space<semaphore_mem>>) src(%dma_wait3A_27 : memref<64x128xi32, #tpu.memory_space<hbm>>) dst(%arg6 : memref<64x128xi32, #tpu.memory_space<vmem>>)
      tpu.yield
    }) : () -> ()
    %scan3A = arith.constant 0 : i32
    %scan3A_3 = arith.constant 0 : i32
    %scan3A_4 = arith.constant 32 : i32
    %scan3A_5 = arith.addi %scan3A_3, %scan3A_4 : i32
    %scan3A_6 = arith.constant 1 : i32
    scf.for %scan3A_14 = %scan3A_3 to %scan3A_5 step %scan3A_6  : i32 {
      %mul3A_15 = arith.constant 8192 : i32
      %mul3A_16 = arith.muli %add3A, %mul3A_15 : i32
      %mul3A_17 = arith.constant 2 : i32
      %mul3A_18 = arith.muli %mul3A_17, %scan3A_14 : i32
      %mul3A_19 = arith.constant 128 : i32
      %mul3A_20 = arith.muli %mul3A_18, %mul3A_19 : i32
      %add3A_21 = arith.addi %mul3A_16, %mul3A_20 : i32
      %add3A_22 = arith.constant 128 : i32
      %add3A_23 = arith.addi %add3A_21, %add3A_22 : i32
      %dma_start3A = arith.constant 0 : i32
      %dma_start3A_24 = tpu.memref_slice %arg2[%add3A_21, %dma_start3A] : memref<262144x128xf32, #tpu.memory_space<hbm>> -> memref<128x128xf32, #tpu.memory_space<hbm>>
      %dma_start3A_25 = arith.constant 0 : i32
      %dma_start3A_26 = tpu.memref_slice %arg2[%add3A_21, %dma_start3A_25] : memref<262144x128xf32, #tpu.memory_space<hbm>> -> memref<128x128xf32, #tpu.memory_space<hbm>>
      tpu.enqueue_dma source(%dma_start3A_26 : memref<128x128xf32, #tpu.memory_space<hbm>>) target(%arg7 : memref<128x128xf32, #tpu.memory_space<vmem>>) target_semaphore(%arg10 : memref<!tpu.dma_semaphore, #tpu.memory_space<semaphore_mem>>)
      %dma_start3A_27 = arith.constant 0 : i32
      %dma_start3A_28 = tpu.memref_slice %arg2[%add3A_23, %dma_start3A_27] : memref<262144x128xf32, #tpu.memory_space<hbm>> -> memref<128x128xf32, #tpu.memory_space<hbm>>
      %dma_start3A_29 = arith.constant 0 : i32
      %dma_start3A_30 = tpu.memref_slice %arg2[%add3A_23, %dma_start3A_29] : memref<262144x128xf32, #tpu.memory_space<hbm>> -> memref<128x128xf32, #tpu.memory_space<hbm>>
      tpu.enqueue_dma source(%dma_start3A_30 : memref<128x128xf32, #tpu.memory_space<hbm>>) target(%arg8 : memref<128x128xf32, #tpu.memory_space<vmem>>) target_semaphore(%arg11 : memref<!tpu.dma_semaphore, #tpu.memory_space<semaphore_mem>>)
      %dma_wait3A = arith.constant 0 : i32
      %dma_wait3A_31 = tpu.memref_slice %arg2[%add3A_21, %dma_wait3A] : memref<262144x128xf32, #tpu.memory_space<hbm>> -> memref<128x128xf32, #tpu.memory_space<hbm>>
      %dma_wait3A_32 = arith.constant 0 : i32
      %dma_wait3A_33 = tpu.memref_slice %arg2[%add3A_21, %dma_wait3A_32] : memref<262144x128xf32, #tpu.memory_space<hbm>> -> memref<128x128xf32, #tpu.memory_space<hbm>>
      tpu.wait_dma2 semaphore(%arg10 : memref<!tpu.dma_semaphore, #tpu.memory_space<semaphore_mem>>) src(%dma_wait3A_33 : memref<128x128xf32, #tpu.memory_space<hbm>>) dst(%arg7 : memref<128x128xf32, #tpu.memory_space<vmem>>)
      %mul3A_34 = arith.constant 2 : i32
      %mul3A_35 = arith.muli %mul3A_34, %scan3A_14 : i32
      "tpu.region"() ({
        %run_scoped3A = tpu.sem_alloc : memref<!tpu.dma_semaphore, #tpu.memory_space<semaphore_mem>>
        %dma_start3A_44 = arith.constant 0 : i32
        %dma_start3A_45 = tpu.memref_slice %arg6[%mul3A_35, %dma_start3A_44] : memref<64x128xi32, #tpu.memory_space<vmem>> -> memref<1x128xi32, #tpu.memory_space<vmem>>
        %dma_start3A_46 = tpu.memref_squeeze %dma_start3A_45 : memref<1x128xi32, #tpu.memory_space<vmem>> -> memref<128xi32, #tpu.memory_space<vmem>>
        %dma_start3A_47 = arith.constant 0 : i32
        %dma_start3A_48 = arith.constant 0 : i32
        %dma_start3A_49 = tpu.memref_slice %arg9[%dma_start3A_47, %dma_start3A_48] : memref<512x128xf32, #tpu.memory_space<vmem_shared>> -> memref<512x128xf32, #tpu.memory_space<vmem_shared>>
        tpu.enqueue_indirect_dma source(%arg7 : memref<128x128xf32, #tpu.memory_space<vmem>>) target(%dma_start3A_49 : memref<512x128xf32, #tpu.memory_space<vmem_shared>>) offsets(%dma_start3A_46 : memref<128xi32, #tpu.memory_space<vmem>>) semaphore(%run_scoped3A : memref<!tpu.dma_semaphore, #tpu.memory_space<semaphore_mem>>) {add = true}
        %dma_wait3A_50 = arith.constant 0 : i32
        %dma_wait3A_51 = tpu.memref_slice %arg6[%mul3A_35, %dma_wait3A_50] : memref<64x128xi32, #tpu.memory_space<vmem>> -> memref<1x128xi32, #tpu.memory_space<vmem>>
        %dma_wait3A_52 = tpu.memref_squeeze %dma_wait3A_51 : memref<1x128xi32, #tpu.memory_space<vmem>> -> memref<128xi32, #tpu.memory_space<vmem>>
        %dma_wait3A_53 = arith.constant 0 : i32
        %dma_wait3A_54 = arith.constant 0 : i32
        %dma_wait3A_55 = tpu.memref_slice %arg9[%dma_wait3A_53, %dma_wait3A_54] : memref<512x128xf32, #tpu.memory_space<vmem_shared>> -> memref<512x128xf32, #tpu.memory_space<vmem_shared>>
        tpu.wait_indirect_dma semaphore(%run_scoped3A : memref<!tpu.dma_semaphore, #tpu.memory_space<semaphore_mem>>) src(%arg7 : memref<128x128xf32, #tpu.memory_space<vmem>>) dst(%dma_wait3A_55 : memref<512x128xf32, #tpu.memory_space<vmem_shared>>)
        tpu.yield
      }) : () -> ()
      %dma_wait3A_36 = arith.constant 0 : i32
      %dma_wait3A_37 = tpu.memref_slice %arg2[%add3A_23, %dma_wait3A_36] : memref<262144x128xf32, #tpu.memory_space<hbm>> -> memref<128x128xf32, #tpu.memory_space<hbm>>
      %dma_wait3A_38 = arith.constant 0 : i32
      %dma_wait3A_39 = tpu.memref_slice %arg2[%add3A_23, %dma_wait3A_38] : memref<262144x128xf32, #tpu.memory_space<hbm>> -> memref<128x128xf32, #tpu.memory_space<hbm>>
      tpu.wait_dma2 semaphore(%arg11 : memref<!tpu.dma_semaphore, #tpu.memory_space<semaphore_mem>>) src(%dma_wait3A_39 : memref<128x128xf32, #tpu.memory_space<hbm>>) dst(%arg8 : memref<128x128xf32, #tpu.memory_space<vmem>>)
      %mul3A_40 = arith.constant 2 : i32
      %mul3A_41 = arith.muli %mul3A_40, %scan3A_14 : i32
      %add3A_42 = arith.constant 1 : i32
      %add3A_43 = arith.addi %mul3A_41, %add3A_42 : i32
      "tpu.region"() ({
        %run_scoped3A = tpu.sem_alloc : memref<!tpu.dma_semaphore, #tpu.memory_space<semaphore_mem>>
        %dma_start3A_44 = arith.constant 0 : i32
        %dma_start3A_45 = tpu.memref_slice %arg6[%add3A_43, %dma_start3A_44] : memref<64x128xi32, #tpu.memory_space<vmem>> -> memref<1x128xi32, #tpu.memory_space<vmem>>
        %dma_start3A_46 = tpu.memref_squeeze %dma_start3A_45 : memref<1x128xi32, #tpu.memory_space<vmem>> -> memref<128xi32, #tpu.memory_space<vmem>>
        %dma_start3A_47 = arith.constant 0 : i32
        %dma_start3A_48 = arith.constant 0 : i32
        %dma_start3A_49 = tpu.memref_slice %arg9[%dma_start3A_47, %dma_start3A_48] : memref<512x128xf32, #tpu.memory_space<vmem_shared>> -> memref<512x128xf32, #tpu.memory_space<vmem_shared>>
        tpu.enqueue_indirect_dma source(%arg8 : memref<128x128xf32, #tpu.memory_space<vmem>>) target(%dma_start3A_49 : memref<512x128xf32, #tpu.memory_space<vmem_shared>>) offsets(%dma_start3A_46 : memref<128xi32, #tpu.memory_space<vmem>>) semaphore(%run_scoped3A : memref<!tpu.dma_semaphore, #tpu.memory_space<semaphore_mem>>) {add = true}
        %dma_wait3A_50 = arith.constant 0 : i32
        %dma_wait3A_51 = tpu.memref_slice %arg6[%add3A_43, %dma_wait3A_50] : memref<64x128xi32, #tpu.memory_space<vmem>> -> memref<1x128xi32, #tpu.memory_space<vmem>>
        %dma_wait3A_52 = tpu.memref_squeeze %dma_wait3A_51 : memref<1x128xi32, #tpu.memory_space<vmem>> -> memref<128xi32, #tpu.memory_space<vmem>>
        %dma_wait3A_53 = arith.constant 0 : i32
        %dma_wait3A_54 = arith.constant 0 : i32
        %dma_wait3A_55 = tpu.memref_slice %arg9[%dma_wait3A_53, %dma_wait3A_54] : memref<512x128xf32, #tpu.memory_space<vmem_shared>> -> memref<512x128xf32, #tpu.memory_space<vmem_shared>>
        tpu.wait_indirect_dma semaphore(%run_scoped3A : memref<!tpu.dma_semaphore, #tpu.memory_space<semaphore_mem>>) src(%arg8 : memref<128x128xf32, #tpu.memory_space<vmem>>) dst(%dma_wait3A_55 : memref<512x128xf32, #tpu.memory_space<vmem_shared>>)
        tpu.yield
      }) : () -> ()
    }
    %scan3A_7 = arith.constant 32 : i32
    %barrier3A_8 = arith.constant 0 : index
    tpu.barrier barrier_id(%barrier3A_8)
    %eq3A_9 = arith.constant 0 : i32
    %eq3A_10 = arith.cmpi eq, %arg1, %eq3A_9 : i32
    %convert_element_type3A_11 = arith.extui %eq3A_10 : i1 to i32
    %cond3A_12 = arith.constant 0 : i32
    %cond3A_13 = arith.cmpi ne, %convert_element_type3A_11, %cond3A_12 : i32
    scf.if %cond3A_13 {
      "tpu.region"() ({
        %run_scoped3A = tpu.sem_alloc : memref<!tpu.dma_semaphore, #tpu.memory_space<semaphore_mem>>
        %dma_start3A = arith.constant 0 : i32
        %dma_start3A_14 = arith.constant 0 : i32
        %dma_start3A_15 = tpu.memref_slice %arg5[%arg0, %dma_start3A, %dma_start3A_14] : memref<2x512x128xf32, #tpu.memory_space<hbm>> -> memref<1x512x128xf32, #tpu.memory_space<hbm>>
        %dma_start3A_16 = tpu.memref_squeeze %dma_start3A_15 : memref<1x512x128xf32, #tpu.memory_space<hbm>> -> memref<512x128xf32, #tpu.memory_space<hbm>>
        tpu.enqueue_dma source(%arg9 : memref<512x128xf32, #tpu.memory_space<vmem_shared>>) target(%dma_start3A_16 : memref<512x128xf32, #tpu.memory_space<hbm>>) target_semaphore(%run_scoped3A : memref<!tpu.dma_semaphore, #tpu.memory_space<semaphore_mem>>)
        %dma_wait3A = arith.constant 0 : i32
        %dma_wait3A_17 = arith.constant 0 : i32
        %dma_wait3A_18 = tpu.memref_slice %arg5[%arg0, %dma_wait3A, %dma_wait3A_17] : memref<2x512x128xf32, #tpu.memory_space<hbm>> -> memref<1x512x128xf32, #tpu.memory_space<hbm>>
        %dma_wait3A_19 = tpu.memref_squeeze %dma_wait3A_18 : memref<1x512x128xf32, #tpu.memory_space<hbm>> -> memref<512x128xf32, #tpu.memory_space<hbm>>
        tpu.wait_dma2 semaphore(%run_scoped3A : memref<!tpu.dma_semaphore, #tpu.memory_space<semaphore_mem>>) src(%arg9 : memref<512x128xf32, #tpu.memory_space<vmem_shared>>) dst(%dma_wait3A_19 : memref<512x128xf32, #tpu.memory_space<hbm>>)
        tpu.yield
      }) : () -> ()
    } else {
    }
    return
  }
}

#map = affine_map<(d0, d1) -> (0, 0)>
#map1 = affine_map<(d0, d1) -> (0, 0, 0)>
module attributes {stable_mosaic.version = 14 : i64} {
  func.func @_sc_gather_body(%arg0: i32, %arg1: i32, %arg2: memref<512x128xf32, #tpu.memory_space<hbm>>, %arg3: memref<32x64x128xi32, #tpu.memory_space<hbm>>, %arg4: memref<262144x128xf32, #tpu.memory_space<hbm>>, %arg5: memref<64x128xi32, #tpu.memory_space<vmem>>, %arg6: memref<128x128xf32, #tpu.memory_space<vmem>>, %arg7: memref<128x128xf32, #tpu.memory_space<vmem>>, %arg8: memref<!tpu.dma_semaphore, #tpu.memory_space<semaphore_mem>>, %arg9: memref<!tpu.dma_semaphore, #tpu.memory_space<semaphore_mem>>) attributes {dimension_semantics = [#tpu.dimension_semantics<core_parallel>, #tpu.dimension_semantics<subcore_parallel>], iteration_bounds = array<i64: 2, 16>, scalar_prefetch = 0 : i64, scratch_operands = 5 : i64, tpu.core_type = #tpu.core_type<sc_vector_subcore>, window_params = [{transform_indices = #map}, {transform_indices = #map1}, {transform_indices = #map}]} {
    %mul3A = arith.constant 2 : i32
    %mul3A_0 = arith.muli %arg1, %mul3A : i32
    %add3A = arith.addi %mul3A_0, %arg0 : i32
    "tpu.region"() ({
      %run_scoped3A = tpu.sem_alloc : memref<!tpu.dma_semaphore, #tpu.memory_space<semaphore_mem>>
      %dma_start3A = arith.constant 0 : i32
      %dma_start3A_6 = arith.constant 0 : i32
      %dma_start3A_7 = tpu.memref_slice %arg3[%add3A, %dma_start3A, %dma_start3A_6] : memref<32x64x128xi32, #tpu.memory_space<hbm>> -> memref<1x64x128xi32, #tpu.memory_space<hbm>>
      %dma_start3A_8 = tpu.memref_squeeze %dma_start3A_7 : memref<1x64x128xi32, #tpu.memory_space<hbm>> -> memref<64x128xi32, #tpu.memory_space<hbm>>
      %dma_start3A_9 = arith.constant 0 : i32
      %dma_start3A_10 = arith.constant 0 : i32
      %dma_start3A_11 = tpu.memref_slice %arg3[%add3A, %dma_start3A_9, %dma_start3A_10] : memref<32x64x128xi32, #tpu.memory_space<hbm>> -> memref<1x64x128xi32, #tpu.memory_space<hbm>>
      %dma_start3A_12 = tpu.memref_squeeze %dma_start3A_11 : memref<1x64x128xi32, #tpu.memory_space<hbm>> -> memref<64x128xi32, #tpu.memory_space<hbm>>
      tpu.enqueue_dma source(%dma_start3A_12 : memref<64x128xi32, #tpu.memory_space<hbm>>) target(%arg5 : memref<64x128xi32, #tpu.memory_space<vmem>>) target_semaphore(%run_scoped3A : memref<!tpu.dma_semaphore, #tpu.memory_space<semaphore_mem>>)
      %dma_wait3A = arith.constant 0 : i32
      %dma_wait3A_13 = arith.constant 0 : i32
      %dma_wait3A_14 = tpu.memref_slice %arg3[%add3A, %dma_wait3A, %dma_wait3A_13] : memref<32x64x128xi32, #tpu.memory_space<hbm>> -> memref<1x64x128xi32, #tpu.memory_space<hbm>>
      %dma_wait3A_15 = tpu.memref_squeeze %dma_wait3A_14 : memref<1x64x128xi32, #tpu.memory_space<hbm>> -> memref<64x128xi32, #tpu.memory_space<hbm>>
      %dma_wait3A_16 = arith.constant 0 : i32
      %dma_wait3A_17 = arith.constant 0 : i32
      %dma_wait3A_18 = tpu.memref_slice %arg3[%add3A, %dma_wait3A_16, %dma_wait3A_17] : memref<32x64x128xi32, #tpu.memory_space<hbm>> -> memref<1x64x128xi32, #tpu.memory_space<hbm>>
      %dma_wait3A_19 = tpu.memref_squeeze %dma_wait3A_18 : memref<1x64x128xi32, #tpu.memory_space<hbm>> -> memref<64x128xi32, #tpu.memory_space<hbm>>
      tpu.wait_dma2 semaphore(%run_scoped3A : memref<!tpu.dma_semaphore, #tpu.memory_space<semaphore_mem>>) src(%dma_wait3A_19 : memref<64x128xi32, #tpu.memory_space<hbm>>) dst(%arg5 : memref<64x128xi32, #tpu.memory_space<vmem>>)
      tpu.yield
    }) : () -> ()
    %scan3A = arith.constant 0 : i32
    %scan3A_1 = arith.constant 0 : i32
    %scan3A_2 = arith.constant 32 : i32
    %scan3A_3 = arith.addi %scan3A_1, %scan3A_2 : i32
    %scan3A_4 = arith.constant 1 : i32
    scf.for %scan3A_6 = %scan3A_1 to %scan3A_3 step %scan3A_4  : i32 {
      %mul3A_7 = arith.constant 8192 : i32
      %mul3A_8 = arith.muli %add3A, %mul3A_7 : i32
      %mul3A_9 = arith.constant 2 : i32
      %mul3A_10 = arith.muli %mul3A_9, %scan3A_6 : i32
      %mul3A_11 = arith.constant 128 : i32
      %mul3A_12 = arith.muli %mul3A_10, %mul3A_11 : i32
      %add3A_13 = arith.addi %mul3A_8, %mul3A_12 : i32
      %add3A_14 = arith.constant 128 : i32
      %add3A_15 = arith.addi %add3A_13, %add3A_14 : i32
      %mul3A_16 = arith.constant 2 : i32
      %mul3A_17 = arith.muli %mul3A_16, %scan3A_6 : i32
      %dma_start3A = arith.constant 0 : i32
      %dma_start3A_18 = tpu.memref_slice %arg5[%mul3A_17, %dma_start3A] : memref<64x128xi32, #tpu.memory_space<vmem>> -> memref<1x128xi32, #tpu.memory_space<vmem>>
      %dma_start3A_19 = tpu.memref_squeeze %dma_start3A_18 : memref<1x128xi32, #tpu.memory_space<vmem>> -> memref<128xi32, #tpu.memory_space<vmem>>
      %dma_start3A_20 = arith.constant 0 : i32
      %dma_start3A_21 = arith.constant 0 : i32
      %dma_start3A_22 = tpu.memref_slice %arg2[%dma_start3A_20, %dma_start3A_21] : memref<512x128xf32, #tpu.memory_space<hbm>> -> memref<512x128xf32, #tpu.memory_space<hbm>>
      tpu.enqueue_indirect_dma source(%dma_start3A_22 : memref<512x128xf32, #tpu.memory_space<hbm>>) target(%arg6 : memref<128x128xf32, #tpu.memory_space<vmem>>) offsets(%dma_start3A_19 : memref<128xi32, #tpu.memory_space<vmem>>) semaphore(%arg8 : memref<!tpu.dma_semaphore, #tpu.memory_space<semaphore_mem>>)
      %mul3A_23 = arith.constant 2 : i32
      %mul3A_24 = arith.muli %mul3A_23, %scan3A_6 : i32
      %add3A_25 = arith.constant 1 : i32
      %add3A_26 = arith.addi %mul3A_24, %add3A_25 : i32
      %dma_start3A_27 = arith.constant 0 : i32
      %dma_start3A_28 = tpu.memref_slice %arg5[%add3A_26, %dma_start3A_27] : memref<64x128xi32, #tpu.memory_space<vmem>> -> memref<1x128xi32, #tpu.memory_space<vmem>>
      %dma_start3A_29 = tpu.memref_squeeze %dma_start3A_28 : memref<1x128xi32, #tpu.memory_space<vmem>> -> memref<128xi32, #tpu.memory_space<vmem>>
      %dma_start3A_30 = arith.constant 0 : i32
      %dma_start3A_31 = arith.constant 0 : i32
      %dma_start3A_32 = tpu.memref_slice %arg2[%dma_start3A_30, %dma_start3A_31] : memref<512x128xf32, #tpu.memory_space<hbm>> -> memref<512x128xf32, #tpu.memory_space<hbm>>
      tpu.enqueue_indirect_dma source(%dma_start3A_32 : memref<512x128xf32, #tpu.memory_space<hbm>>) target(%arg7 : memref<128x128xf32, #tpu.memory_space<vmem>>) offsets(%dma_start3A_29 : memref<128xi32, #tpu.memory_space<vmem>>) semaphore(%arg9 : memref<!tpu.dma_semaphore, #tpu.memory_space<semaphore_mem>>)
      %dma_wait3A = arith.constant 0 : i32
      %dma_wait3A_33 = tpu.memref_slice %arg5[%mul3A_17, %dma_wait3A] : memref<64x128xi32, #tpu.memory_space<vmem>> -> memref<1x128xi32, #tpu.memory_space<vmem>>
      %dma_wait3A_34 = tpu.memref_squeeze %dma_wait3A_33 : memref<1x128xi32, #tpu.memory_space<vmem>> -> memref<128xi32, #tpu.memory_space<vmem>>
      %dma_wait3A_35 = arith.constant 0 : i32
      %dma_wait3A_36 = arith.constant 0 : i32
      %dma_wait3A_37 = tpu.memref_slice %arg2[%dma_wait3A_35, %dma_wait3A_36] : memref<512x128xf32, #tpu.memory_space<hbm>> -> memref<512x128xf32, #tpu.memory_space<hbm>>
      tpu.wait_indirect_dma semaphore(%arg8 : memref<!tpu.dma_semaphore, #tpu.memory_space<semaphore_mem>>) src(%dma_wait3A_37 : memref<512x128xf32, #tpu.memory_space<hbm>>) dst(%arg6 : memref<128x128xf32, #tpu.memory_space<vmem>>)
      "tpu.region"() ({
        %run_scoped3A = tpu.sem_alloc : memref<!tpu.dma_semaphore, #tpu.memory_space<semaphore_mem>>
        %dma_start3A_44 = arith.constant 0 : i32
        %dma_start3A_45 = tpu.memref_slice %arg4[%add3A_13, %dma_start3A_44] : memref<262144x128xf32, #tpu.memory_space<hbm>> -> memref<128x128xf32, #tpu.memory_space<hbm>>
        %dma_start3A_46 = arith.constant 0 : i32
        %dma_start3A_47 = tpu.memref_slice %arg4[%add3A_13, %dma_start3A_46] : memref<262144x128xf32, #tpu.memory_space<hbm>> -> memref<128x128xf32, #tpu.memory_space<hbm>>
        tpu.enqueue_dma source(%arg6 : memref<128x128xf32, #tpu.memory_space<vmem>>) target(%dma_start3A_47 : memref<128x128xf32, #tpu.memory_space<hbm>>) target_semaphore(%run_scoped3A : memref<!tpu.dma_semaphore, #tpu.memory_space<semaphore_mem>>)
        %dma_wait3A_48 = arith.constant 0 : i32
        %dma_wait3A_49 = tpu.memref_slice %arg4[%add3A_13, %dma_wait3A_48] : memref<262144x128xf32, #tpu.memory_space<hbm>> -> memref<128x128xf32, #tpu.memory_space<hbm>>
        %dma_wait3A_50 = arith.constant 0 : i32
        %dma_wait3A_51 = tpu.memref_slice %arg4[%add3A_13, %dma_wait3A_50] : memref<262144x128xf32, #tpu.memory_space<hbm>> -> memref<128x128xf32, #tpu.memory_space<hbm>>
        tpu.wait_dma2 semaphore(%run_scoped3A : memref<!tpu.dma_semaphore, #tpu.memory_space<semaphore_mem>>) src(%arg6 : memref<128x128xf32, #tpu.memory_space<vmem>>) dst(%dma_wait3A_51 : memref<128x128xf32, #tpu.memory_space<hbm>>)
        tpu.yield
      }) : () -> ()
      %dma_wait3A_38 = arith.constant 0 : i32
      %dma_wait3A_39 = tpu.memref_slice %arg5[%add3A_26, %dma_wait3A_38] : memref<64x128xi32, #tpu.memory_space<vmem>> -> memref<1x128xi32, #tpu.memory_space<vmem>>
      %dma_wait3A_40 = tpu.memref_squeeze %dma_wait3A_39 : memref<1x128xi32, #tpu.memory_space<vmem>> -> memref<128xi32, #tpu.memory_space<vmem>>
      %dma_wait3A_41 = arith.constant 0 : i32
      %dma_wait3A_42 = arith.constant 0 : i32
      %dma_wait3A_43 = tpu.memref_slice %arg2[%dma_wait3A_41, %dma_wait3A_42] : memref<512x128xf32, #tpu.memory_space<hbm>> -> memref<512x128xf32, #tpu.memory_space<hbm>>
      tpu.wait_indirect_dma semaphore(%arg9 : memref<!tpu.dma_semaphore, #tpu.memory_space<semaphore_mem>>) src(%dma_wait3A_43 : memref<512x128xf32, #tpu.memory_space<hbm>>) dst(%arg7 : memref<128x128xf32, #tpu.memory_space<vmem>>)
      "tpu.region"() ({
        %run_scoped3A = tpu.sem_alloc : memref<!tpu.dma_semaphore, #tpu.memory_space<semaphore_mem>>
        %dma_start3A_44 = arith.constant 0 : i32
        %dma_start3A_45 = tpu.memref_slice %arg4[%add3A_15, %dma_start3A_44] : memref<262144x128xf32, #tpu.memory_space<hbm>> -> memref<128x128xf32, #tpu.memory_space<hbm>>
        %dma_start3A_46 = arith.constant 0 : i32
        %dma_start3A_47 = tpu.memref_slice %arg4[%add3A_15, %dma_start3A_46] : memref<262144x128xf32, #tpu.memory_space<hbm>> -> memref<128x128xf32, #tpu.memory_space<hbm>>
        tpu.enqueue_dma source(%arg7 : memref<128x128xf32, #tpu.memory_space<vmem>>) target(%dma_start3A_47 : memref<128x128xf32, #tpu.memory_space<hbm>>) target_semaphore(%run_scoped3A : memref<!tpu.dma_semaphore, #tpu.memory_space<semaphore_mem>>)
        %dma_wait3A_48 = arith.constant 0 : i32
        %dma_wait3A_49 = tpu.memref_slice %arg4[%add3A_15, %dma_wait3A_48] : memref<262144x128xf32, #tpu.memory_space<hbm>> -> memref<128x128xf32, #tpu.memory_space<hbm>>
        %dma_wait3A_50 = arith.constant 0 : i32
        %dma_wait3A_51 = tpu.memref_slice %arg4[%add3A_15, %dma_wait3A_50] : memref<262144x128xf32, #tpu.memory_space<hbm>> -> memref<128x128xf32, #tpu.memory_space<hbm>>
        tpu.wait_dma2 semaphore(%run_scoped3A : memref<!tpu.dma_semaphore, #tpu.memory_space<semaphore_mem>>) src(%arg7 : memref<128x128xf32, #tpu.memory_space<vmem>>) dst(%dma_wait3A_51 : memref<128x128xf32, #tpu.memory_space<hbm>>)
        tpu.yield
      }) : () -> ()
    }
    %scan3A_5 = arith.constant 32 : i32
    return
  }
}

#map = affine_map<(d0, d1) -> (0, 0)>
#map1 = affine_map<(d0, d1) -> (0, 0, 0)>
module attributes {stable_mosaic.version = 14 : i64} {
  func.func @_sc_scatter_body(%arg0: i32, %arg1: i32, %arg2: memref<262144x128xf32, #tpu.memory_space<hbm>>, %arg3: memref<32x64x128xi32, #tpu.memory_space<hbm>>, %arg4: memref<512x128xf32, #tpu.memory_space<hbm>>, %arg5: memref<2x512x128xf32, #tpu.memory_space<hbm>>, %arg6: memref<64x128xi32, #tpu.memory_space<vmem>>, %arg7: memref<128x128xf32, #tpu.memory_space<vmem>>, %arg8: memref<128x128xf32, #tpu.memory_space<vmem>>, %arg9: memref<512x128xf32, #tpu.memory_space<vmem_shared>>, %arg10: memref<!tpu.dma_semaphore, #tpu.memory_space<semaphore_mem>>, %arg11: memref<!tpu.dma_semaphore, #tpu.memory_space<semaphore_mem>>) attributes {dimension_semantics = [#tpu.dimension_semantics<core_parallel>, #tpu.dimension_semantics<subcore_parallel>], iteration_bounds = array<i64: 2, 16>, scalar_prefetch = 0 : i64, scratch_operands = 6 : i64, tpu.core_type = #tpu.core_type<sc_vector_subcore>, window_params = [{transform_indices = #map}, {transform_indices = #map1}, {transform_indices = #map}, {transform_indices = #map1}]} {
    %mul3A = arith.constant 2 : i32
    %mul3A_0 = arith.muli %arg1, %mul3A : i32
    %add3A = arith.addi %mul3A_0, %arg0 : i32
    %eq3A = arith.constant 0 : i32
    %eq3A_1 = arith.cmpi eq, %arg1, %eq3A : i32
    %convert_element_type3A = arith.extui %eq3A_1 : i1 to i32
    %cond3A = arith.constant 0 : i32
    %cond3A_2 = arith.cmpi ne, %convert_element_type3A, %cond3A : i32
    scf.if %cond3A_2 {
      "tpu.region"() ({
        %run_scoped3A = tpu.sem_alloc : memref<!tpu.dma_semaphore, #tpu.memory_space<semaphore_mem>>
        tpu.enqueue_dma source(%arg4 : memref<512x128xf32, #tpu.memory_space<hbm>>) target(%arg9 : memref<512x128xf32, #tpu.memory_space<vmem_shared>>) target_semaphore(%run_scoped3A : memref<!tpu.dma_semaphore, #tpu.memory_space<semaphore_mem>>)
        tpu.wait_dma2 semaphore(%run_scoped3A : memref<!tpu.dma_semaphore, #tpu.memory_space<semaphore_mem>>) src(%arg4 : memref<512x128xf32, #tpu.memory_space<hbm>>) dst(%arg9 : memref<512x128xf32, #tpu.memory_space<vmem_shared>>)
        tpu.yield
      }) : () -> ()
    } else {
    }
    %barrier3A = arith.constant 0 : index
    tpu.barrier barrier_id(%barrier3A)
    "tpu.region"() ({
      %run_scoped3A = tpu.sem_alloc : memref<!tpu.dma_semaphore, #tpu.memory_space<semaphore_mem>>
      %dma_start3A = arith.constant 0 : i32
      %dma_start3A_14 = arith.constant 0 : i32
      %dma_start3A_15 = tpu.memref_slice %arg3[%add3A, %dma_start3A, %dma_start3A_14] : memref<32x64x128xi32, #tpu.memory_space<hbm>> -> memref<1x64x128xi32, #tpu.memory_space<hbm>>
      %dma_start3A_16 = tpu.memref_squeeze %dma_start3A_15 : memref<1x64x128xi32, #tpu.memory_space<hbm>> -> memref<64x128xi32, #tpu.memory_space<hbm>>
      %dma_start3A_17 = arith.constant 0 : i32
      %dma_start3A_18 = arith.constant 0 : i32
      %dma_start3A_19 = tpu.memref_slice %arg3[%add3A, %dma_start3A_17, %dma_start3A_18] : memref<32x64x128xi32, #tpu.memory_space<hbm>> -> memref<1x64x128xi32, #tpu.memory_space<hbm>>
      %dma_start3A_20 = tpu.memref_squeeze %dma_start3A_19 : memref<1x64x128xi32, #tpu.memory_space<hbm>> -> memref<64x128xi32, #tpu.memory_space<hbm>>
      tpu.enqueue_dma source(%dma_start3A_20 : memref<64x128xi32, #tpu.memory_space<hbm>>) target(%arg6 : memref<64x128xi32, #tpu.memory_space<vmem>>) target_semaphore(%run_scoped3A : memref<!tpu.dma_semaphore, #tpu.memory_space<semaphore_mem>>)
      %dma_wait3A = arith.constant 0 : i32
      %dma_wait3A_21 = arith.constant 0 : i32
      %dma_wait3A_22 = tpu.memref_slice %arg3[%add3A, %dma_wait3A, %dma_wait3A_21] : memref<32x64x128xi32, #tpu.memory_space<hbm>> -> memref<1x64x128xi32, #tpu.memory_space<hbm>>
      %dma_wait3A_23 = tpu.memref_squeeze %dma_wait3A_22 : memref<1x64x128xi32, #tpu.memory_space<hbm>> -> memref<64x128xi32, #tpu.memory_space<hbm>>
      %dma_wait3A_24 = arith.constant 0 : i32
      %dma_wait3A_25 = arith.constant 0 : i32
      %dma_wait3A_26 = tpu.memref_slice %arg3[%add3A, %dma_wait3A_24, %dma_wait3A_25] : memref<32x64x128xi32, #tpu.memory_space<hbm>> -> memref<1x64x128xi32, #tpu.memory_space<hbm>>
      %dma_wait3A_27 = tpu.memref_squeeze %dma_wait3A_26 : memref<1x64x128xi32, #tpu.memory_space<hbm>> -> memref<64x128xi32, #tpu.memory_space<hbm>>
      tpu.wait_dma2 semaphore(%run_scoped3A : memref<!tpu.dma_semaphore, #tpu.memory_space<semaphore_mem>>) src(%dma_wait3A_27 : memref<64x128xi32, #tpu.memory_space<hbm>>) dst(%arg6 : memref<64x128xi32, #tpu.memory_space<vmem>>)
      tpu.yield
    }) : () -> ()
    %scan3A = arith.constant 0 : i32
    %scan3A_3 = arith.constant 0 : i32
    %scan3A_4 = arith.constant 32 : i32
    %scan3A_5 = arith.addi %scan3A_3, %scan3A_4 : i32
    %scan3A_6 = arith.constant 1 : i32
    scf.for %scan3A_14 = %scan3A_3 to %scan3A_5 step %scan3A_6  : i32 {
      %mul3A_15 = arith.constant 8192 : i32
      %mul3A_16 = arith.muli %add3A, %mul3A_15 : i32
      %mul3A_17 = arith.constant 2 : i32
      %mul3A_18 = arith.muli %mul3A_17, %scan3A_14 : i32
      %mul3A_19 = arith.constant 128 : i32
      %mul3A_20 = arith.muli %mul3A_18, %mul3A_19 : i32
      %add3A_21 = arith.addi %mul3A_16, %mul3A_20 : i32
      %add3A_22 = arith.constant 128 : i32
      %add3A_23 = arith.addi %add3A_21, %add3A_22 : i32
      %dma_start3A = arith.constant 0 : i32
      %dma_start3A_24 = tpu.memref_slice %arg2[%add3A_21, %dma_start3A] : memref<262144x128xf32, #tpu.memory_space<hbm>> -> memref<128x128xf32, #tpu.memory_space<hbm>>
      %dma_start3A_25 = arith.constant 0 : i32
      %dma_start3A_26 = tpu.memref_slice %arg2[%add3A_21, %dma_start3A_25] : memref<262144x128xf32, #tpu.memory_space<hbm>> -> memref<128x128xf32, #tpu.memory_space<hbm>>
      tpu.enqueue_dma source(%dma_start3A_26 : memref<128x128xf32, #tpu.memory_space<hbm>>) target(%arg7 : memref<128x128xf32, #tpu.memory_space<vmem>>) target_semaphore(%arg10 : memref<!tpu.dma_semaphore, #tpu.memory_space<semaphore_mem>>)
      %dma_start3A_27 = arith.constant 0 : i32
      %dma_start3A_28 = tpu.memref_slice %arg2[%add3A_23, %dma_start3A_27] : memref<262144x128xf32, #tpu.memory_space<hbm>> -> memref<128x128xf32, #tpu.memory_space<hbm>>
      %dma_start3A_29 = arith.constant 0 : i32
      %dma_start3A_30 = tpu.memref_slice %arg2[%add3A_23, %dma_start3A_29] : memref<262144x128xf32, #tpu.memory_space<hbm>> -> memref<128x128xf32, #tpu.memory_space<hbm>>
      tpu.enqueue_dma source(%dma_start3A_30 : memref<128x128xf32, #tpu.memory_space<hbm>>) target(%arg8 : memref<128x128xf32, #tpu.memory_space<vmem>>) target_semaphore(%arg11 : memref<!tpu.dma_semaphore, #tpu.memory_space<semaphore_mem>>)
      %dma_wait3A = arith.constant 0 : i32
      %dma_wait3A_31 = tpu.memref_slice %arg2[%add3A_21, %dma_wait3A] : memref<262144x128xf32, #tpu.memory_space<hbm>> -> memref<128x128xf32, #tpu.memory_space<hbm>>
      %dma_wait3A_32 = arith.constant 0 : i32
      %dma_wait3A_33 = tpu.memref_slice %arg2[%add3A_21, %dma_wait3A_32] : memref<262144x128xf32, #tpu.memory_space<hbm>> -> memref<128x128xf32, #tpu.memory_space<hbm>>
      tpu.wait_dma2 semaphore(%arg10 : memref<!tpu.dma_semaphore, #tpu.memory_space<semaphore_mem>>) src(%dma_wait3A_33 : memref<128x128xf32, #tpu.memory_space<hbm>>) dst(%arg7 : memref<128x128xf32, #tpu.memory_space<vmem>>)
      %mul3A_34 = arith.constant 2 : i32
      %mul3A_35 = arith.muli %mul3A_34, %scan3A_14 : i32
      "tpu.region"() ({
        %run_scoped3A = tpu.sem_alloc : memref<!tpu.dma_semaphore, #tpu.memory_space<semaphore_mem>>
        %dma_start3A_44 = arith.constant 0 : i32
        %dma_start3A_45 = tpu.memref_slice %arg6[%mul3A_35, %dma_start3A_44] : memref<64x128xi32, #tpu.memory_space<vmem>> -> memref<1x128xi32, #tpu.memory_space<vmem>>
        %dma_start3A_46 = tpu.memref_squeeze %dma_start3A_45 : memref<1x128xi32, #tpu.memory_space<vmem>> -> memref<128xi32, #tpu.memory_space<vmem>>
        %dma_start3A_47 = arith.constant 0 : i32
        %dma_start3A_48 = arith.constant 0 : i32
        %dma_start3A_49 = tpu.memref_slice %arg9[%dma_start3A_47, %dma_start3A_48] : memref<512x128xf32, #tpu.memory_space<vmem_shared>> -> memref<512x128xf32, #tpu.memory_space<vmem_shared>>
        tpu.enqueue_indirect_dma source(%arg7 : memref<128x128xf32, #tpu.memory_space<vmem>>) target(%dma_start3A_49 : memref<512x128xf32, #tpu.memory_space<vmem_shared>>) offsets(%dma_start3A_46 : memref<128xi32, #tpu.memory_space<vmem>>) semaphore(%run_scoped3A : memref<!tpu.dma_semaphore, #tpu.memory_space<semaphore_mem>>) {add = true}
        %dma_wait3A_50 = arith.constant 0 : i32
        %dma_wait3A_51 = tpu.memref_slice %arg6[%mul3A_35, %dma_wait3A_50] : memref<64x128xi32, #tpu.memory_space<vmem>> -> memref<1x128xi32, #tpu.memory_space<vmem>>
        %dma_wait3A_52 = tpu.memref_squeeze %dma_wait3A_51 : memref<1x128xi32, #tpu.memory_space<vmem>> -> memref<128xi32, #tpu.memory_space<vmem>>
        %dma_wait3A_53 = arith.constant 0 : i32
        %dma_wait3A_54 = arith.constant 0 : i32
        %dma_wait3A_55 = tpu.memref_slice %arg9[%dma_wait3A_53, %dma_wait3A_54] : memref<512x128xf32, #tpu.memory_space<vmem_shared>> -> memref<512x128xf32, #tpu.memory_space<vmem_shared>>
        tpu.wait_indirect_dma semaphore(%run_scoped3A : memref<!tpu.dma_semaphore, #tpu.memory_space<semaphore_mem>>) src(%arg7 : memref<128x128xf32, #tpu.memory_space<vmem>>) dst(%dma_wait3A_55 : memref<512x128xf32, #tpu.memory_space<vmem_shared>>)
        tpu.yield
      }) : () -> ()
      %dma_wait3A_36 = arith.constant 0 : i32
      %dma_wait3A_37 = tpu.memref_slice %arg2[%add3A_23, %dma_wait3A_36] : memref<262144x128xf32, #tpu.memory_space<hbm>> -> memref<128x128xf32, #tpu.memory_space<hbm>>
      %dma_wait3A_38 = arith.constant 0 : i32
      %dma_wait3A_39 = tpu.memref_slice %arg2[%add3A_23, %dma_wait3A_38] : memref<262144x128xf32, #tpu.memory_space<hbm>> -> memref<128x128xf32, #tpu.memory_space<hbm>>
      tpu.wait_dma2 semaphore(%arg11 : memref<!tpu.dma_semaphore, #tpu.memory_space<semaphore_mem>>) src(%dma_wait3A_39 : memref<128x128xf32, #tpu.memory_space<hbm>>) dst(%arg8 : memref<128x128xf32, #tpu.memory_space<vmem>>)
      %mul3A_40 = arith.constant 2 : i32
      %mul3A_41 = arith.muli %mul3A_40, %scan3A_14 : i32
      %add3A_42 = arith.constant 1 : i32
      %add3A_43 = arith.addi %mul3A_41, %add3A_42 : i32
      "tpu.region"() ({
        %run_scoped3A = tpu.sem_alloc : memref<!tpu.dma_semaphore, #tpu.memory_space<semaphore_mem>>
        %dma_start3A_44 = arith.constant 0 : i32
        %dma_start3A_45 = tpu.memref_slice %arg6[%add3A_43, %dma_start3A_44] : memref<64x128xi32, #tpu.memory_space<vmem>> -> memref<1x128xi32, #tpu.memory_space<vmem>>
        %dma_start3A_46 = tpu.memref_squeeze %dma_start3A_45 : memref<1x128xi32, #tpu.memory_space<vmem>> -> memref<128xi32, #tpu.memory_space<vmem>>
        %dma_start3A_47 = arith.constant 0 : i32
        %dma_start3A_48 = arith.constant 0 : i32
        %dma_start3A_49 = tpu.memref_slice %arg9[%dma_start3A_47, %dma_start3A_48] : memref<512x128xf32, #tpu.memory_space<vmem_shared>> -> memref<512x128xf32, #tpu.memory_space<vmem_shared>>
        tpu.enqueue_indirect_dma source(%arg8 : memref<128x128xf32, #tpu.memory_space<vmem>>) target(%dma_start3A_49 : memref<512x128xf32, #tpu.memory_space<vmem_shared>>) offsets(%dma_start3A_46 : memref<128xi32, #tpu.memory_space<vmem>>) semaphore(%run_scoped3A : memref<!tpu.dma_semaphore, #tpu.memory_space<semaphore_mem>>) {add = true}
        %dma_wait3A_50 = arith.constant 0 : i32
        %dma_wait3A_51 = tpu.memref_slice %arg6[%add3A_43, %dma_wait3A_50] : memref<64x128xi32, #tpu.memory_space<vmem>> -> memref<1x128xi32, #tpu.memory_space<vmem>>
        %dma_wait3A_52 = tpu.memref_squeeze %dma_wait3A_51 : memref<1x128xi32, #tpu.memory_space<vmem>> -> memref<128xi32, #tpu.memory_space<vmem>>
        %dma_wait3A_53 = arith.constant 0 : i32
        %dma_wait3A_54 = arith.constant 0 : i32
        %dma_wait3A_55 = tpu.memref_slice %arg9[%dma_wait3A_53, %dma_wait3A_54] : memref<512x128xf32, #tpu.memory_space<vmem_shared>> -> memref<512x128xf32, #tpu.memory_space<vmem_shared>>
        tpu.wait_indirect_dma semaphore(%run_scoped3A : memref<!tpu.dma_semaphore, #tpu.memory_space<semaphore_mem>>) src(%arg8 : memref<128x128xf32, #tpu.memory_space<vmem>>) dst(%dma_wait3A_55 : memref<512x128xf32, #tpu.memory_space<vmem_shared>>)
        tpu.yield
      }) : () -> ()
    }
    %scan3A_7 = arith.constant 32 : i32
    %barrier3A_8 = arith.constant 0 : index
    tpu.barrier barrier_id(%barrier3A_8)
    %eq3A_9 = arith.constant 0 : i32
    %eq3A_10 = arith.cmpi eq, %arg1, %eq3A_9 : i32
    %convert_element_type3A_11 = arith.extui %eq3A_10 : i1 to i32
    %cond3A_12 = arith.constant 0 : i32
    %cond3A_13 = arith.cmpi ne, %convert_element_type3A_11, %cond3A_12 : i32
    scf.if %cond3A_13 {
      "tpu.region"() ({
        %run_scoped3A = tpu.sem_alloc : memref<!tpu.dma_semaphore, #tpu.memory_space<semaphore_mem>>
        %dma_start3A = arith.constant 0 : i32
        %dma_start3A_14 = arith.constant 0 : i32
        %dma_start3A_15 = tpu.memref_slice %arg5[%arg0, %dma_start3A, %dma_start3A_14] : memref<2x512x128xf32, #tpu.memory_space<hbm>> -> memref<1x512x128xf32, #tpu.memory_space<hbm>>
        %dma_start3A_16 = tpu.memref_squeeze %dma_start3A_15 : memref<1x512x128xf32, #tpu.memory_space<hbm>> -> memref<512x128xf32, #tpu.memory_space<hbm>>
        tpu.enqueue_dma source(%arg9 : memref<512x128xf32, #tpu.memory_space<vmem_shared>>) target(%dma_start3A_16 : memref<512x128xf32, #tpu.memory_space<hbm>>) target_semaphore(%run_scoped3A : memref<!tpu.dma_semaphore, #tpu.memory_space<semaphore_mem>>)
        %dma_wait3A = arith.constant 0 : i32
        %dma_wait3A_17 = arith.constant 0 : i32
        %dma_wait3A_18 = tpu.memref_slice %arg5[%arg0, %dma_wait3A, %dma_wait3A_17] : memref<2x512x128xf32, #tpu.memory_space<hbm>> -> memref<1x512x128xf32, #tpu.memory_space<hbm>>
        %dma_wait3A_19 = tpu.memref_squeeze %dma_wait3A_18 : memref<1x512x128xf32, #tpu.memory_space<hbm>> -> memref<512x128xf32, #tpu.memory_space<hbm>>
        tpu.wait_dma2 semaphore(%run_scoped3A : memref<!tpu.dma_semaphore, #tpu.memory_space<semaphore_mem>>) src(%arg9 : memref<512x128xf32, #tpu.memory_space<vmem_shared>>) dst(%dma_wait3A_19 : memref<512x128xf32, #tpu.memory_space<hbm>>)
        tpu.yield
      }) : () -> ()
    } else {
    }
    return
  }
}

#map = affine_map<(d0, d1) -> (0, 0)>
#map1 = affine_map<(d0, d1) -> (0, 0, 0)>
module attributes {stable_mosaic.version = 14 : i64} {
  func.func @_sc_gather_body(%arg0: i32, %arg1: i32, %arg2: memref<512x128xf32, #tpu.memory_space<hbm>>, %arg3: memref<32x64x128xi32, #tpu.memory_space<hbm>>, %arg4: memref<262144x128xf32, #tpu.memory_space<hbm>>, %arg5: memref<64x128xi32, #tpu.memory_space<vmem>>, %arg6: memref<128x128xf32, #tpu.memory_space<vmem>>, %arg7: memref<128x128xf32, #tpu.memory_space<vmem>>, %arg8: memref<!tpu.dma_semaphore, #tpu.memory_space<semaphore_mem>>, %arg9: memref<!tpu.dma_semaphore, #tpu.memory_space<semaphore_mem>>) attributes {dimension_semantics = [#tpu.dimension_semantics<core_parallel>, #tpu.dimension_semantics<subcore_parallel>], iteration_bounds = array<i64: 2, 16>, scalar_prefetch = 0 : i64, scratch_operands = 5 : i64, tpu.core_type = #tpu.core_type<sc_vector_subcore>, window_params = [{transform_indices = #map}, {transform_indices = #map1}, {transform_indices = #map}]} {
    %mul3A = arith.constant 2 : i32
    %mul3A_0 = arith.muli %arg1, %mul3A : i32
    %add3A = arith.addi %mul3A_0, %arg0 : i32
    "tpu.region"() ({
      %run_scoped3A = tpu.sem_alloc : memref<!tpu.dma_semaphore, #tpu.memory_space<semaphore_mem>>
      %dma_start3A = arith.constant 0 : i32
      %dma_start3A_6 = arith.constant 0 : i32
      %dma_start3A_7 = tpu.memref_slice %arg3[%add3A, %dma_start3A, %dma_start3A_6] : memref<32x64x128xi32, #tpu.memory_space<hbm>> -> memref<1x64x128xi32, #tpu.memory_space<hbm>>
      %dma_start3A_8 = tpu.memref_squeeze %dma_start3A_7 : memref<1x64x128xi32, #tpu.memory_space<hbm>> -> memref<64x128xi32, #tpu.memory_space<hbm>>
      %dma_start3A_9 = arith.constant 0 : i32
      %dma_start3A_10 = arith.constant 0 : i32
      %dma_start3A_11 = tpu.memref_slice %arg3[%add3A, %dma_start3A_9, %dma_start3A_10] : memref<32x64x128xi32, #tpu.memory_space<hbm>> -> memref<1x64x128xi32, #tpu.memory_space<hbm>>
      %dma_start3A_12 = tpu.memref_squeeze %dma_start3A_11 : memref<1x64x128xi32, #tpu.memory_space<hbm>> -> memref<64x128xi32, #tpu.memory_space<hbm>>
      tpu.enqueue_dma source(%dma_start3A_12 : memref<64x128xi32, #tpu.memory_space<hbm>>) target(%arg5 : memref<64x128xi32, #tpu.memory_space<vmem>>) target_semaphore(%run_scoped3A : memref<!tpu.dma_semaphore, #tpu.memory_space<semaphore_mem>>)
      %dma_wait3A = arith.constant 0 : i32
      %dma_wait3A_13 = arith.constant 0 : i32
      %dma_wait3A_14 = tpu.memref_slice %arg3[%add3A, %dma_wait3A, %dma_wait3A_13] : memref<32x64x128xi32, #tpu.memory_space<hbm>> -> memref<1x64x128xi32, #tpu.memory_space<hbm>>
      %dma_wait3A_15 = tpu.memref_squeeze %dma_wait3A_14 : memref<1x64x128xi32, #tpu.memory_space<hbm>> -> memref<64x128xi32, #tpu.memory_space<hbm>>
      %dma_wait3A_16 = arith.constant 0 : i32
      %dma_wait3A_17 = arith.constant 0 : i32
      %dma_wait3A_18 = tpu.memref_slice %arg3[%add3A, %dma_wait3A_16, %dma_wait3A_17] : memref<32x64x128xi32, #tpu.memory_space<hbm>> -> memref<1x64x128xi32, #tpu.memory_space<hbm>>
      %dma_wait3A_19 = tpu.memref_squeeze %dma_wait3A_18 : memref<1x64x128xi32, #tpu.memory_space<hbm>> -> memref<64x128xi32, #tpu.memory_space<hbm>>
      tpu.wait_dma2 semaphore(%run_scoped3A : memref<!tpu.dma_semaphore, #tpu.memory_space<semaphore_mem>>) src(%dma_wait3A_19 : memref<64x128xi32, #tpu.memory_space<hbm>>) dst(%arg5 : memref<64x128xi32, #tpu.memory_space<vmem>>)
      tpu.yield
    }) : () -> ()
    %scan3A = arith.constant 0 : i32
    %scan3A_1 = arith.constant 0 : i32
    %scan3A_2 = arith.constant 32 : i32
    %scan3A_3 = arith.addi %scan3A_1, %scan3A_2 : i32
    %scan3A_4 = arith.constant 1 : i32
    scf.for %scan3A_6 = %scan3A_1 to %scan3A_3 step %scan3A_4  : i32 {
      %mul3A_7 = arith.constant 8192 : i32
      %mul3A_8 = arith.muli %add3A, %mul3A_7 : i32
      %mul3A_9 = arith.constant 2 : i32
      %mul3A_10 = arith.muli %mul3A_9, %scan3A_6 : i32
      %mul3A_11 = arith.constant 128 : i32
      %mul3A_12 = arith.muli %mul3A_10, %mul3A_11 : i32
      %add3A_13 = arith.addi %mul3A_8, %mul3A_12 : i32
      %add3A_14 = arith.constant 128 : i32
      %add3A_15 = arith.addi %add3A_13, %add3A_14 : i32
      %mul3A_16 = arith.constant 2 : i32
      %mul3A_17 = arith.muli %mul3A_16, %scan3A_6 : i32
      %dma_start3A = arith.constant 0 : i32
      %dma_start3A_18 = tpu.memref_slice %arg5[%mul3A_17, %dma_start3A] : memref<64x128xi32, #tpu.memory_space<vmem>> -> memref<1x128xi32, #tpu.memory_space<vmem>>
      %dma_start3A_19 = tpu.memref_squeeze %dma_start3A_18 : memref<1x128xi32, #tpu.memory_space<vmem>> -> memref<128xi32, #tpu.memory_space<vmem>>
      %dma_start3A_20 = arith.constant 0 : i32
      %dma_start3A_21 = arith.constant 0 : i32
      %dma_start3A_22 = tpu.memref_slice %arg2[%dma_start3A_20, %dma_start3A_21] : memref<512x128xf32, #tpu.memory_space<hbm>> -> memref<512x128xf32, #tpu.memory_space<hbm>>
      tpu.enqueue_indirect_dma source(%dma_start3A_22 : memref<512x128xf32, #tpu.memory_space<hbm>>) target(%arg6 : memref<128x128xf32, #tpu.memory_space<vmem>>) offsets(%dma_start3A_19 : memref<128xi32, #tpu.memory_space<vmem>>) semaphore(%arg8 : memref<!tpu.dma_semaphore, #tpu.memory_space<semaphore_mem>>)
      %mul3A_23 = arith.constant 2 : i32
      %mul3A_24 = arith.muli %mul3A_23, %scan3A_6 : i32
      %add3A_25 = arith.constant 1 : i32
      %add3A_26 = arith.addi %mul3A_24, %add3A_25 : i32
      %dma_start3A_27 = arith.constant 0 : i32
      %dma_start3A_28 = tpu.memref_slice %arg5[%add3A_26, %dma_start3A_27] : memref<64x128xi32, #tpu.memory_space<vmem>> -> memref<1x128xi32, #tpu.memory_space<vmem>>
      %dma_start3A_29 = tpu.memref_squeeze %dma_start3A_28 : memref<1x128xi32, #tpu.memory_space<vmem>> -> memref<128xi32, #tpu.memory_space<vmem>>
      %dma_start3A_30 = arith.constant 0 : i32
      %dma_start3A_31 = arith.constant 0 : i32
      %dma_start3A_32 = tpu.memref_slice %arg2[%dma_start3A_30, %dma_start3A_31] : memref<512x128xf32, #tpu.memory_space<hbm>> -> memref<512x128xf32, #tpu.memory_space<hbm>>
      tpu.enqueue_indirect_dma source(%dma_start3A_32 : memref<512x128xf32, #tpu.memory_space<hbm>>) target(%arg7 : memref<128x128xf32, #tpu.memory_space<vmem>>) offsets(%dma_start3A_29 : memref<128xi32, #tpu.memory_space<vmem>>) semaphore(%arg9 : memref<!tpu.dma_semaphore, #tpu.memory_space<semaphore_mem>>)
      %dma_wait3A = arith.constant 0 : i32
      %dma_wait3A_33 = tpu.memref_slice %arg5[%mul3A_17, %dma_wait3A] : memref<64x128xi32, #tpu.memory_space<vmem>> -> memref<1x128xi32, #tpu.memory_space<vmem>>
      %dma_wait3A_34 = tpu.memref_squeeze %dma_wait3A_33 : memref<1x128xi32, #tpu.memory_space<vmem>> -> memref<128xi32, #tpu.memory_space<vmem>>
      %dma_wait3A_35 = arith.constant 0 : i32
      %dma_wait3A_36 = arith.constant 0 : i32
      %dma_wait3A_37 = tpu.memref_slice %arg2[%dma_wait3A_35, %dma_wait3A_36] : memref<512x128xf32, #tpu.memory_space<hbm>> -> memref<512x128xf32, #tpu.memory_space<hbm>>
      tpu.wait_indirect_dma semaphore(%arg8 : memref<!tpu.dma_semaphore, #tpu.memory_space<semaphore_mem>>) src(%dma_wait3A_37 : memref<512x128xf32, #tpu.memory_space<hbm>>) dst(%arg6 : memref<128x128xf32, #tpu.memory_space<vmem>>)
      "tpu.region"() ({
        %run_scoped3A = tpu.sem_alloc : memref<!tpu.dma_semaphore, #tpu.memory_space<semaphore_mem>>
        %dma_start3A_44 = arith.constant 0 : i32
        %dma_start3A_45 = tpu.memref_slice %arg4[%add3A_13, %dma_start3A_44] : memref<262144x128xf32, #tpu.memory_space<hbm>> -> memref<128x128xf32, #tpu.memory_space<hbm>>
        %dma_start3A_46 = arith.constant 0 : i32
        %dma_start3A_47 = tpu.memref_slice %arg4[%add3A_13, %dma_start3A_46] : memref<262144x128xf32, #tpu.memory_space<hbm>> -> memref<128x128xf32, #tpu.memory_space<hbm>>
        tpu.enqueue_dma source(%arg6 : memref<128x128xf32, #tpu.memory_space<vmem>>) target(%dma_start3A_47 : memref<128x128xf32, #tpu.memory_space<hbm>>) target_semaphore(%run_scoped3A : memref<!tpu.dma_semaphore, #tpu.memory_space<semaphore_mem>>)
        %dma_wait3A_48 = arith.constant 0 : i32
        %dma_wait3A_49 = tpu.memref_slice %arg4[%add3A_13, %dma_wait3A_48] : memref<262144x128xf32, #tpu.memory_space<hbm>> -> memref<128x128xf32, #tpu.memory_space<hbm>>
        %dma_wait3A_50 = arith.constant 0 : i32
        %dma_wait3A_51 = tpu.memref_slice %arg4[%add3A_13, %dma_wait3A_50] : memref<262144x128xf32, #tpu.memory_space<hbm>> -> memref<128x128xf32, #tpu.memory_space<hbm>>
        tpu.wait_dma2 semaphore(%run_scoped3A : memref<!tpu.dma_semaphore, #tpu.memory_space<semaphore_mem>>) src(%arg6 : memref<128x128xf32, #tpu.memory_space<vmem>>) dst(%dma_wait3A_51 : memref<128x128xf32, #tpu.memory_space<hbm>>)
        tpu.yield
      }) : () -> ()
      %dma_wait3A_38 = arith.constant 0 : i32
      %dma_wait3A_39 = tpu.memref_slice %arg5[%add3A_26, %dma_wait3A_38] : memref<64x128xi32, #tpu.memory_space<vmem>> -> memref<1x128xi32, #tpu.memory_space<vmem>>
      %dma_wait3A_40 = tpu.memref_squeeze %dma_wait3A_39 : memref<1x128xi32, #tpu.memory_space<vmem>> -> memref<128xi32, #tpu.memory_space<vmem>>
      %dma_wait3A_41 = arith.constant 0 : i32
      %dma_wait3A_42 = arith.constant 0 : i32
      %dma_wait3A_43 = tpu.memref_slice %arg2[%dma_wait3A_41, %dma_wait3A_42] : memref<512x128xf32, #tpu.memory_space<hbm>> -> memref<512x128xf32, #tpu.memory_space<hbm>>
      tpu.wait_indirect_dma semaphore(%arg9 : memref<!tpu.dma_semaphore, #tpu.memory_space<semaphore_mem>>) src(%dma_wait3A_43 : memref<512x128xf32, #tpu.memory_space<hbm>>) dst(%arg7 : memref<128x128xf32, #tpu.memory_space<vmem>>)
      "tpu.region"() ({
        %run_scoped3A = tpu.sem_alloc : memref<!tpu.dma_semaphore, #tpu.memory_space<semaphore_mem>>
        %dma_start3A_44 = arith.constant 0 : i32
        %dma_start3A_45 = tpu.memref_slice %arg4[%add3A_15, %dma_start3A_44] : memref<262144x128xf32, #tpu.memory_space<hbm>> -> memref<128x128xf32, #tpu.memory_space<hbm>>
        %dma_start3A_46 = arith.constant 0 : i32
        %dma_start3A_47 = tpu.memref_slice %arg4[%add3A_15, %dma_start3A_46] : memref<262144x128xf32, #tpu.memory_space<hbm>> -> memref<128x128xf32, #tpu.memory_space<hbm>>
        tpu.enqueue_dma source(%arg7 : memref<128x128xf32, #tpu.memory_space<vmem>>) target(%dma_start3A_47 : memref<128x128xf32, #tpu.memory_space<hbm>>) target_semaphore(%run_scoped3A : memref<!tpu.dma_semaphore, #tpu.memory_space<semaphore_mem>>)
        %dma_wait3A_48 = arith.constant 0 : i32
        %dma_wait3A_49 = tpu.memref_slice %arg4[%add3A_15, %dma_wait3A_48] : memref<262144x128xf32, #tpu.memory_space<hbm>> -> memref<128x128xf32, #tpu.memory_space<hbm>>
        %dma_wait3A_50 = arith.constant 0 : i32
        %dma_wait3A_51 = tpu.memref_slice %arg4[%add3A_15, %dma_wait3A_50] : memref<262144x128xf32, #tpu.memory_space<hbm>> -> memref<128x128xf32, #tpu.memory_space<hbm>>
        tpu.wait_dma2 semaphore(%run_scoped3A : memref<!tpu.dma_semaphore, #tpu.memory_space<semaphore_mem>>) src(%arg7 : memref<128x128xf32, #tpu.memory_space<vmem>>) dst(%dma_wait3A_51 : memref<128x128xf32, #tpu.memory_space<hbm>>)
        tpu.yield
      }) : () -> ()
    }
    %scan3A_5 = arith.constant 32 : i32
    return
  }
}

#map = affine_map<(d0, d1) -> (0, 0)>
#map1 = affine_map<(d0, d1) -> (0, 0, 0)>
module attributes {stable_mosaic.version = 14 : i64} {
  func.func @_sc_gather_body(%arg0: i32, %arg1: i32, %arg2: memref<512x128xf32, #tpu.memory_space<hbm>>, %arg3: memref<32x64x128xi32, #tpu.memory_space<hbm>>, %arg4: memref<262144x128xf32, #tpu.memory_space<hbm>>, %arg5: memref<64x128xi32, #tpu.memory_space<vmem>>, %arg6: memref<128x128xf32, #tpu.memory_space<vmem>>, %arg7: memref<128x128xf32, #tpu.memory_space<vmem>>, %arg8: memref<!tpu.dma_semaphore, #tpu.memory_space<semaphore_mem>>, %arg9: memref<!tpu.dma_semaphore, #tpu.memory_space<semaphore_mem>>) attributes {dimension_semantics = [#tpu.dimension_semantics<core_parallel>, #tpu.dimension_semantics<subcore_parallel>], iteration_bounds = array<i64: 2, 16>, scalar_prefetch = 0 : i64, scratch_operands = 5 : i64, tpu.core_type = #tpu.core_type<sc_vector_subcore>, window_params = [{transform_indices = #map}, {transform_indices = #map1}, {transform_indices = #map}]} {
    %mul3A = arith.constant 2 : i32
    %mul3A_0 = arith.muli %arg1, %mul3A : i32
    %add3A = arith.addi %mul3A_0, %arg0 : i32
    "tpu.region"() ({
      %run_scoped3A = tpu.sem_alloc : memref<!tpu.dma_semaphore, #tpu.memory_space<semaphore_mem>>
      %dma_start3A = arith.constant 0 : i32
      %dma_start3A_6 = arith.constant 0 : i32
      %dma_start3A_7 = tpu.memref_slice %arg3[%add3A, %dma_start3A, %dma_start3A_6] : memref<32x64x128xi32, #tpu.memory_space<hbm>> -> memref<1x64x128xi32, #tpu.memory_space<hbm>>
      %dma_start3A_8 = tpu.memref_squeeze %dma_start3A_7 : memref<1x64x128xi32, #tpu.memory_space<hbm>> -> memref<64x128xi32, #tpu.memory_space<hbm>>
      %dma_start3A_9 = arith.constant 0 : i32
      %dma_start3A_10 = arith.constant 0 : i32
      %dma_start3A_11 = tpu.memref_slice %arg3[%add3A, %dma_start3A_9, %dma_start3A_10] : memref<32x64x128xi32, #tpu.memory_space<hbm>> -> memref<1x64x128xi32, #tpu.memory_space<hbm>>
      %dma_start3A_12 = tpu.memref_squeeze %dma_start3A_11 : memref<1x64x128xi32, #tpu.memory_space<hbm>> -> memref<64x128xi32, #tpu.memory_space<hbm>>
      tpu.enqueue_dma source(%dma_start3A_12 : memref<64x128xi32, #tpu.memory_space<hbm>>) target(%arg5 : memref<64x128xi32, #tpu.memory_space<vmem>>) target_semaphore(%run_scoped3A : memref<!tpu.dma_semaphore, #tpu.memory_space<semaphore_mem>>)
      %dma_wait3A = arith.constant 0 : i32
      %dma_wait3A_13 = arith.constant 0 : i32
      %dma_wait3A_14 = tpu.memref_slice %arg3[%add3A, %dma_wait3A, %dma_wait3A_13] : memref<32x64x128xi32, #tpu.memory_space<hbm>> -> memref<1x64x128xi32, #tpu.memory_space<hbm>>
      %dma_wait3A_15 = tpu.memref_squeeze %dma_wait3A_14 : memref<1x64x128xi32, #tpu.memory_space<hbm>> -> memref<64x128xi32, #tpu.memory_space<hbm>>
      %dma_wait3A_16 = arith.constant 0 : i32
      %dma_wait3A_17 = arith.constant 0 : i32
      %dma_wait3A_18 = tpu.memref_slice %arg3[%add3A, %dma_wait3A_16, %dma_wait3A_17] : memref<32x64x128xi32, #tpu.memory_space<hbm>> -> memref<1x64x128xi32, #tpu.memory_space<hbm>>
      %dma_wait3A_19 = tpu.memref_squeeze %dma_wait3A_18 : memref<1x64x128xi32, #tpu.memory_space<hbm>> -> memref<64x128xi32, #tpu.memory_space<hbm>>
      tpu.wait_dma2 semaphore(%run_scoped3A : memref<!tpu.dma_semaphore, #tpu.memory_space<semaphore_mem>>) src(%dma_wait3A_19 : memref<64x128xi32, #tpu.memory_space<hbm>>) dst(%arg5 : memref<64x128xi32, #tpu.memory_space<vmem>>)
      tpu.yield
    }) : () -> ()
    %scan3A = arith.constant 0 : i32
    %scan3A_1 = arith.constant 0 : i32
    %scan3A_2 = arith.constant 32 : i32
    %scan3A_3 = arith.addi %scan3A_1, %scan3A_2 : i32
    %scan3A_4 = arith.constant 1 : i32
    scf.for %scan3A_6 = %scan3A_1 to %scan3A_3 step %scan3A_4  : i32 {
      %mul3A_7 = arith.constant 8192 : i32
      %mul3A_8 = arith.muli %add3A, %mul3A_7 : i32
      %mul3A_9 = arith.constant 2 : i32
      %mul3A_10 = arith.muli %mul3A_9, %scan3A_6 : i32
      %mul3A_11 = arith.constant 128 : i32
      %mul3A_12 = arith.muli %mul3A_10, %mul3A_11 : i32
      %add3A_13 = arith.addi %mul3A_8, %mul3A_12 : i32
      %add3A_14 = arith.constant 128 : i32
      %add3A_15 = arith.addi %add3A_13, %add3A_14 : i32
      %mul3A_16 = arith.constant 2 : i32
      %mul3A_17 = arith.muli %mul3A_16, %scan3A_6 : i32
      %dma_start3A = arith.constant 0 : i32
      %dma_start3A_18 = tpu.memref_slice %arg5[%mul3A_17, %dma_start3A] : memref<64x128xi32, #tpu.memory_space<vmem>> -> memref<1x128xi32, #tpu.memory_space<vmem>>
      %dma_start3A_19 = tpu.memref_squeeze %dma_start3A_18 : memref<1x128xi32, #tpu.memory_space<vmem>> -> memref<128xi32, #tpu.memory_space<vmem>>
      %dma_start3A_20 = arith.constant 0 : i32
      %dma_start3A_21 = arith.constant 0 : i32
      %dma_start3A_22 = tpu.memref_slice %arg2[%dma_start3A_20, %dma_start3A_21] : memref<512x128xf32, #tpu.memory_space<hbm>> -> memref<512x128xf32, #tpu.memory_space<hbm>>
      tpu.enqueue_indirect_dma source(%dma_start3A_22 : memref<512x128xf32, #tpu.memory_space<hbm>>) target(%arg6 : memref<128x128xf32, #tpu.memory_space<vmem>>) offsets(%dma_start3A_19 : memref<128xi32, #tpu.memory_space<vmem>>) semaphore(%arg8 : memref<!tpu.dma_semaphore, #tpu.memory_space<semaphore_mem>>)
      %mul3A_23 = arith.constant 2 : i32
      %mul3A_24 = arith.muli %mul3A_23, %scan3A_6 : i32
      %add3A_25 = arith.constant 1 : i32
      %add3A_26 = arith.addi %mul3A_24, %add3A_25 : i32
      %dma_start3A_27 = arith.constant 0 : i32
      %dma_start3A_28 = tpu.memref_slice %arg5[%add3A_26, %dma_start3A_27] : memref<64x128xi32, #tpu.memory_space<vmem>> -> memref<1x128xi32, #tpu.memory_space<vmem>>
      %dma_start3A_29 = tpu.memref_squeeze %dma_start3A_28 : memref<1x128xi32, #tpu.memory_space<vmem>> -> memref<128xi32, #tpu.memory_space<vmem>>
      %dma_start3A_30 = arith.constant 0 : i32
      %dma_start3A_31 = arith.constant 0 : i32
      %dma_start3A_32 = tpu.memref_slice %arg2[%dma_start3A_30, %dma_start3A_31] : memref<512x128xf32, #tpu.memory_space<hbm>> -> memref<512x128xf32, #tpu.memory_space<hbm>>
      tpu.enqueue_indirect_dma source(%dma_start3A_32 : memref<512x128xf32, #tpu.memory_space<hbm>>) target(%arg7 : memref<128x128xf32, #tpu.memory_space<vmem>>) offsets(%dma_start3A_29 : memref<128xi32, #tpu.memory_space<vmem>>) semaphore(%arg9 : memref<!tpu.dma_semaphore, #tpu.memory_space<semaphore_mem>>)
      %dma_wait3A = arith.constant 0 : i32
      %dma_wait3A_33 = tpu.memref_slice %arg5[%mul3A_17, %dma_wait3A] : memref<64x128xi32, #tpu.memory_space<vmem>> -> memref<1x128xi32, #tpu.memory_space<vmem>>
      %dma_wait3A_34 = tpu.memref_squeeze %dma_wait3A_33 : memref<1x128xi32, #tpu.memory_space<vmem>> -> memref<128xi32, #tpu.memory_space<vmem>>
      %dma_wait3A_35 = arith.constant 0 : i32
      %dma_wait3A_36 = arith.constant 0 : i32
      %dma_wait3A_37 = tpu.memref_slice %arg2[%dma_wait3A_35, %dma_wait3A_36] : memref<512x128xf32, #tpu.memory_space<hbm>> -> memref<512x128xf32, #tpu.memory_space<hbm>>
      tpu.wait_indirect_dma semaphore(%arg8 : memref<!tpu.dma_semaphore, #tpu.memory_space<semaphore_mem>>) src(%dma_wait3A_37 : memref<512x128xf32, #tpu.memory_space<hbm>>) dst(%arg6 : memref<128x128xf32, #tpu.memory_space<vmem>>)
      "tpu.region"() ({
        %run_scoped3A = tpu.sem_alloc : memref<!tpu.dma_semaphore, #tpu.memory_space<semaphore_mem>>
        %dma_start3A_44 = arith.constant 0 : i32
        %dma_start3A_45 = tpu.memref_slice %arg4[%add3A_13, %dma_start3A_44] : memref<262144x128xf32, #tpu.memory_space<hbm>> -> memref<128x128xf32, #tpu.memory_space<hbm>>
        %dma_start3A_46 = arith.constant 0 : i32
        %dma_start3A_47 = tpu.memref_slice %arg4[%add3A_13, %dma_start3A_46] : memref<262144x128xf32, #tpu.memory_space<hbm>> -> memref<128x128xf32, #tpu.memory_space<hbm>>
        tpu.enqueue_dma source(%arg6 : memref<128x128xf32, #tpu.memory_space<vmem>>) target(%dma_start3A_47 : memref<128x128xf32, #tpu.memory_space<hbm>>) target_semaphore(%run_scoped3A : memref<!tpu.dma_semaphore, #tpu.memory_space<semaphore_mem>>)
        %dma_wait3A_48 = arith.constant 0 : i32
        %dma_wait3A_49 = tpu.memref_slice %arg4[%add3A_13, %dma_wait3A_48] : memref<262144x128xf32, #tpu.memory_space<hbm>> -> memref<128x128xf32, #tpu.memory_space<hbm>>
        %dma_wait3A_50 = arith.constant 0 : i32
        %dma_wait3A_51 = tpu.memref_slice %arg4[%add3A_13, %dma_wait3A_50] : memref<262144x128xf32, #tpu.memory_space<hbm>> -> memref<128x128xf32, #tpu.memory_space<hbm>>
        tpu.wait_dma2 semaphore(%run_scoped3A : memref<!tpu.dma_semaphore, #tpu.memory_space<semaphore_mem>>) src(%arg6 : memref<128x128xf32, #tpu.memory_space<vmem>>) dst(%dma_wait3A_51 : memref<128x128xf32, #tpu.memory_space<hbm>>)
        tpu.yield
      }) : () -> ()
      %dma_wait3A_38 = arith.constant 0 : i32
      %dma_wait3A_39 = tpu.memref_slice %arg5[%add3A_26, %dma_wait3A_38] : memref<64x128xi32, #tpu.memory_space<vmem>> -> memref<1x128xi32, #tpu.memory_space<vmem>>
      %dma_wait3A_40 = tpu.memref_squeeze %dma_wait3A_39 : memref<1x128xi32, #tpu.memory_space<vmem>> -> memref<128xi32, #tpu.memory_space<vmem>>
      %dma_wait3A_41 = arith.constant 0 : i32
      %dma_wait3A_42 = arith.constant 0 : i32
      %dma_wait3A_43 = tpu.memref_slice %arg2[%dma_wait3A_41, %dma_wait3A_42] : memref<512x128xf32, #tpu.memory_space<hbm>> -> memref<512x128xf32, #tpu.memory_space<hbm>>
      tpu.wait_indirect_dma semaphore(%arg9 : memref<!tpu.dma_semaphore, #tpu.memory_space<semaphore_mem>>) src(%dma_wait3A_43 : memref<512x128xf32, #tpu.memory_space<hbm>>) dst(%arg7 : memref<128x128xf32, #tpu.memory_space<vmem>>)
      "tpu.region"() ({
        %run_scoped3A = tpu.sem_alloc : memref<!tpu.dma_semaphore, #tpu.memory_space<semaphore_mem>>
        %dma_start3A_44 = arith.constant 0 : i32
        %dma_start3A_45 = tpu.memref_slice %arg4[%add3A_15, %dma_start3A_44] : memref<262144x128xf32, #tpu.memory_space<hbm>> -> memref<128x128xf32, #tpu.memory_space<hbm>>
        %dma_start3A_46 = arith.constant 0 : i32
        %dma_start3A_47 = tpu.memref_slice %arg4[%add3A_15, %dma_start3A_46] : memref<262144x128xf32, #tpu.memory_space<hbm>> -> memref<128x128xf32, #tpu.memory_space<hbm>>
        tpu.enqueue_dma source(%arg7 : memref<128x128xf32, #tpu.memory_space<vmem>>) target(%dma_start3A_47 : memref<128x128xf32, #tpu.memory_space<hbm>>) target_semaphore(%run_scoped3A : memref<!tpu.dma_semaphore, #tpu.memory_space<semaphore_mem>>)
        %dma_wait3A_48 = arith.constant 0 : i32
        %dma_wait3A_49 = tpu.memref_slice %arg4[%add3A_15, %dma_wait3A_48] : memref<262144x128xf32, #tpu.memory_space<hbm>> -> memref<128x128xf32, #tpu.memory_space<hbm>>
        %dma_wait3A_50 = arith.constant 0 : i32
        %dma_wait3A_51 = tpu.memref_slice %arg4[%add3A_15, %dma_wait3A_50] : memref<262144x128xf32, #tpu.memory_space<hbm>> -> memref<128x128xf32, #tpu.memory_space<hbm>>
        tpu.wait_dma2 semaphore(%run_scoped3A : memref<!tpu.dma_semaphore, #tpu.memory_space<semaphore_mem>>) src(%arg7 : memref<128x128xf32, #tpu.memory_space<vmem>>) dst(%dma_wait3A_51 : memref<128x128xf32, #tpu.memory_space<hbm>>)
        tpu.yield
      }) : () -> ()
    }
    %scan3A_5 = arith.constant 32 : i32
    return
  }
}

#map = affine_map<(d0, d1) -> (0, 0)>
#map1 = affine_map<(d0, d1) -> (0, 0, 0)>
module attributes {stable_mosaic.version = 14 : i64} {
  func.func @_sc_scatter_body(%arg0: i32, %arg1: i32, %arg2: memref<262144x128xf32, #tpu.memory_space<hbm>>, %arg3: memref<32x64x128xi32, #tpu.memory_space<hbm>>, %arg4: memref<512x128xf32, #tpu.memory_space<hbm>>, %arg5: memref<2x512x128xf32, #tpu.memory_space<hbm>>, %arg6: memref<64x128xi32, #tpu.memory_space<vmem>>, %arg7: memref<128x128xf32, #tpu.memory_space<vmem>>, %arg8: memref<128x128xf32, #tpu.memory_space<vmem>>, %arg9: memref<512x128xf32, #tpu.memory_space<vmem_shared>>, %arg10: memref<!tpu.dma_semaphore, #tpu.memory_space<semaphore_mem>>, %arg11: memref<!tpu.dma_semaphore, #tpu.memory_space<semaphore_mem>>) attributes {dimension_semantics = [#tpu.dimension_semantics<core_parallel>, #tpu.dimension_semantics<subcore_parallel>], iteration_bounds = array<i64: 2, 16>, scalar_prefetch = 0 : i64, scratch_operands = 6 : i64, tpu.core_type = #tpu.core_type<sc_vector_subcore>, window_params = [{transform_indices = #map}, {transform_indices = #map1}, {transform_indices = #map}, {transform_indices = #map1}]} {
    %mul3A = arith.constant 2 : i32
    %mul3A_0 = arith.muli %arg1, %mul3A : i32
    %add3A = arith.addi %mul3A_0, %arg0 : i32
    %eq3A = arith.constant 0 : i32
    %eq3A_1 = arith.cmpi eq, %arg1, %eq3A : i32
    %convert_element_type3A = arith.extui %eq3A_1 : i1 to i32
    %cond3A = arith.constant 0 : i32
    %cond3A_2 = arith.cmpi ne, %convert_element_type3A, %cond3A : i32
    scf.if %cond3A_2 {
      "tpu.region"() ({
        %run_scoped3A = tpu.sem_alloc : memref<!tpu.dma_semaphore, #tpu.memory_space<semaphore_mem>>
        tpu.enqueue_dma source(%arg4 : memref<512x128xf32, #tpu.memory_space<hbm>>) target(%arg9 : memref<512x128xf32, #tpu.memory_space<vmem_shared>>) target_semaphore(%run_scoped3A : memref<!tpu.dma_semaphore, #tpu.memory_space<semaphore_mem>>)
        tpu.wait_dma2 semaphore(%run_scoped3A : memref<!tpu.dma_semaphore, #tpu.memory_space<semaphore_mem>>) src(%arg4 : memref<512x128xf32, #tpu.memory_space<hbm>>) dst(%arg9 : memref<512x128xf32, #tpu.memory_space<vmem_shared>>)
        tpu.yield
      }) : () -> ()
    } else {
    }
    %barrier3A = arith.constant 0 : index
    tpu.barrier barrier_id(%barrier3A)
    "tpu.region"() ({
      %run_scoped3A = tpu.sem_alloc : memref<!tpu.dma_semaphore, #tpu.memory_space<semaphore_mem>>
      %dma_start3A = arith.constant 0 : i32
      %dma_start3A_14 = arith.constant 0 : i32
      %dma_start3A_15 = tpu.memref_slice %arg3[%add3A, %dma_start3A, %dma_start3A_14] : memref<32x64x128xi32, #tpu.memory_space<hbm>> -> memref<1x64x128xi32, #tpu.memory_space<hbm>>
      %dma_start3A_16 = tpu.memref_squeeze %dma_start3A_15 : memref<1x64x128xi32, #tpu.memory_space<hbm>> -> memref<64x128xi32, #tpu.memory_space<hbm>>
      %dma_start3A_17 = arith.constant 0 : i32
      %dma_start3A_18 = arith.constant 0 : i32
      %dma_start3A_19 = tpu.memref_slice %arg3[%add3A, %dma_start3A_17, %dma_start3A_18] : memref<32x64x128xi32, #tpu.memory_space<hbm>> -> memref<1x64x128xi32, #tpu.memory_space<hbm>>
      %dma_start3A_20 = tpu.memref_squeeze %dma_start3A_19 : memref<1x64x128xi32, #tpu.memory_space<hbm>> -> memref<64x128xi32, #tpu.memory_space<hbm>>
      tpu.enqueue_dma source(%dma_start3A_20 : memref<64x128xi32, #tpu.memory_space<hbm>>) target(%arg6 : memref<64x128xi32, #tpu.memory_space<vmem>>) target_semaphore(%run_scoped3A : memref<!tpu.dma_semaphore, #tpu.memory_space<semaphore_mem>>)
      %dma_wait3A = arith.constant 0 : i32
      %dma_wait3A_21 = arith.constant 0 : i32
      %dma_wait3A_22 = tpu.memref_slice %arg3[%add3A, %dma_wait3A, %dma_wait3A_21] : memref<32x64x128xi32, #tpu.memory_space<hbm>> -> memref<1x64x128xi32, #tpu.memory_space<hbm>>
      %dma_wait3A_23 = tpu.memref_squeeze %dma_wait3A_22 : memref<1x64x128xi32, #tpu.memory_space<hbm>> -> memref<64x128xi32, #tpu.memory_space<hbm>>
      %dma_wait3A_24 = arith.constant 0 : i32
      %dma_wait3A_25 = arith.constant 0 : i32
      %dma_wait3A_26 = tpu.memref_slice %arg3[%add3A, %dma_wait3A_24, %dma_wait3A_25] : memref<32x64x128xi32, #tpu.memory_space<hbm>> -> memref<1x64x128xi32, #tpu.memory_space<hbm>>
      %dma_wait3A_27 = tpu.memref_squeeze %dma_wait3A_26 : memref<1x64x128xi32, #tpu.memory_space<hbm>> -> memref<64x128xi32, #tpu.memory_space<hbm>>
      tpu.wait_dma2 semaphore(%run_scoped3A : memref<!tpu.dma_semaphore, #tpu.memory_space<semaphore_mem>>) src(%dma_wait3A_27 : memref<64x128xi32, #tpu.memory_space<hbm>>) dst(%arg6 : memref<64x128xi32, #tpu.memory_space<vmem>>)
      tpu.yield
    }) : () -> ()
    %scan3A = arith.constant 0 : i32
    %scan3A_3 = arith.constant 0 : i32
    %scan3A_4 = arith.constant 32 : i32
    %scan3A_5 = arith.addi %scan3A_3, %scan3A_4 : i32
    %scan3A_6 = arith.constant 1 : i32
    scf.for %scan3A_14 = %scan3A_3 to %scan3A_5 step %scan3A_6  : i32 {
      %mul3A_15 = arith.constant 8192 : i32
      %mul3A_16 = arith.muli %add3A, %mul3A_15 : i32
      %mul3A_17 = arith.constant 2 : i32
      %mul3A_18 = arith.muli %mul3A_17, %scan3A_14 : i32
      %mul3A_19 = arith.constant 128 : i32
      %mul3A_20 = arith.muli %mul3A_18, %mul3A_19 : i32
      %add3A_21 = arith.addi %mul3A_16, %mul3A_20 : i32
      %add3A_22 = arith.constant 128 : i32
      %add3A_23 = arith.addi %add3A_21, %add3A_22 : i32
      %dma_start3A = arith.constant 0 : i32
      %dma_start3A_24 = tpu.memref_slice %arg2[%add3A_21, %dma_start3A] : memref<262144x128xf32, #tpu.memory_space<hbm>> -> memref<128x128xf32, #tpu.memory_space<hbm>>
      %dma_start3A_25 = arith.constant 0 : i32
      %dma_start3A_26 = tpu.memref_slice %arg2[%add3A_21, %dma_start3A_25] : memref<262144x128xf32, #tpu.memory_space<hbm>> -> memref<128x128xf32, #tpu.memory_space<hbm>>
      tpu.enqueue_dma source(%dma_start3A_26 : memref<128x128xf32, #tpu.memory_space<hbm>>) target(%arg7 : memref<128x128xf32, #tpu.memory_space<vmem>>) target_semaphore(%arg10 : memref<!tpu.dma_semaphore, #tpu.memory_space<semaphore_mem>>)
      %dma_start3A_27 = arith.constant 0 : i32
      %dma_start3A_28 = tpu.memref_slice %arg2[%add3A_23, %dma_start3A_27] : memref<262144x128xf32, #tpu.memory_space<hbm>> -> memref<128x128xf32, #tpu.memory_space<hbm>>
      %dma_start3A_29 = arith.constant 0 : i32
      %dma_start3A_30 = tpu.memref_slice %arg2[%add3A_23, %dma_start3A_29] : memref<262144x128xf32, #tpu.memory_space<hbm>> -> memref<128x128xf32, #tpu.memory_space<hbm>>
      tpu.enqueue_dma source(%dma_start3A_30 : memref<128x128xf32, #tpu.memory_space<hbm>>) target(%arg8 : memref<128x128xf32, #tpu.memory_space<vmem>>) target_semaphore(%arg11 : memref<!tpu.dma_semaphore, #tpu.memory_space<semaphore_mem>>)
      %dma_wait3A = arith.constant 0 : i32
      %dma_wait3A_31 = tpu.memref_slice %arg2[%add3A_21, %dma_wait3A] : memref<262144x128xf32, #tpu.memory_space<hbm>> -> memref<128x128xf32, #tpu.memory_space<hbm>>
      %dma_wait3A_32 = arith.constant 0 : i32
      %dma_wait3A_33 = tpu.memref_slice %arg2[%add3A_21, %dma_wait3A_32] : memref<262144x128xf32, #tpu.memory_space<hbm>> -> memref<128x128xf32, #tpu.memory_space<hbm>>
      tpu.wait_dma2 semaphore(%arg10 : memref<!tpu.dma_semaphore, #tpu.memory_space<semaphore_mem>>) src(%dma_wait3A_33 : memref<128x128xf32, #tpu.memory_space<hbm>>) dst(%arg7 : memref<128x128xf32, #tpu.memory_space<vmem>>)
      %mul3A_34 = arith.constant 2 : i32
      %mul3A_35 = arith.muli %mul3A_34, %scan3A_14 : i32
      "tpu.region"() ({
        %run_scoped3A = tpu.sem_alloc : memref<!tpu.dma_semaphore, #tpu.memory_space<semaphore_mem>>
        %dma_start3A_44 = arith.constant 0 : i32
        %dma_start3A_45 = tpu.memref_slice %arg6[%mul3A_35, %dma_start3A_44] : memref<64x128xi32, #tpu.memory_space<vmem>> -> memref<1x128xi32, #tpu.memory_space<vmem>>
        %dma_start3A_46 = tpu.memref_squeeze %dma_start3A_45 : memref<1x128xi32, #tpu.memory_space<vmem>> -> memref<128xi32, #tpu.memory_space<vmem>>
        %dma_start3A_47 = arith.constant 0 : i32
        %dma_start3A_48 = arith.constant 0 : i32
        %dma_start3A_49 = tpu.memref_slice %arg9[%dma_start3A_47, %dma_start3A_48] : memref<512x128xf32, #tpu.memory_space<vmem_shared>> -> memref<512x128xf32, #tpu.memory_space<vmem_shared>>
        tpu.enqueue_indirect_dma source(%arg7 : memref<128x128xf32, #tpu.memory_space<vmem>>) target(%dma_start3A_49 : memref<512x128xf32, #tpu.memory_space<vmem_shared>>) offsets(%dma_start3A_46 : memref<128xi32, #tpu.memory_space<vmem>>) semaphore(%run_scoped3A : memref<!tpu.dma_semaphore, #tpu.memory_space<semaphore_mem>>) {add = true}
        %dma_wait3A_50 = arith.constant 0 : i32
        %dma_wait3A_51 = tpu.memref_slice %arg6[%mul3A_35, %dma_wait3A_50] : memref<64x128xi32, #tpu.memory_space<vmem>> -> memref<1x128xi32, #tpu.memory_space<vmem>>
        %dma_wait3A_52 = tpu.memref_squeeze %dma_wait3A_51 : memref<1x128xi32, #tpu.memory_space<vmem>> -> memref<128xi32, #tpu.memory_space<vmem>>
        %dma_wait3A_53 = arith.constant 0 : i32
        %dma_wait3A_54 = arith.constant 0 : i32
        %dma_wait3A_55 = tpu.memref_slice %arg9[%dma_wait3A_53, %dma_wait3A_54] : memref<512x128xf32, #tpu.memory_space<vmem_shared>> -> memref<512x128xf32, #tpu.memory_space<vmem_shared>>
        tpu.wait_indirect_dma semaphore(%run_scoped3A : memref<!tpu.dma_semaphore, #tpu.memory_space<semaphore_mem>>) src(%arg7 : memref<128x128xf32, #tpu.memory_space<vmem>>) dst(%dma_wait3A_55 : memref<512x128xf32, #tpu.memory_space<vmem_shared>>)
        tpu.yield
      }) : () -> ()
      %dma_wait3A_36 = arith.constant 0 : i32
      %dma_wait3A_37 = tpu.memref_slice %arg2[%add3A_23, %dma_wait3A_36] : memref<262144x128xf32, #tpu.memory_space<hbm>> -> memref<128x128xf32, #tpu.memory_space<hbm>>
      %dma_wait3A_38 = arith.constant 0 : i32
      %dma_wait3A_39 = tpu.memref_slice %arg2[%add3A_23, %dma_wait3A_38] : memref<262144x128xf32, #tpu.memory_space<hbm>> -> memref<128x128xf32, #tpu.memory_space<hbm>>
      tpu.wait_dma2 semaphore(%arg11 : memref<!tpu.dma_semaphore, #tpu.memory_space<semaphore_mem>>) src(%dma_wait3A_39 : memref<128x128xf32, #tpu.memory_space<hbm>>) dst(%arg8 : memref<128x128xf32, #tpu.memory_space<vmem>>)
      %mul3A_40 = arith.constant 2 : i32
      %mul3A_41 = arith.muli %mul3A_40, %scan3A_14 : i32
      %add3A_42 = arith.constant 1 : i32
      %add3A_43 = arith.addi %mul3A_41, %add3A_42 : i32
      "tpu.region"() ({
        %run_scoped3A = tpu.sem_alloc : memref<!tpu.dma_semaphore, #tpu.memory_space<semaphore_mem>>
        %dma_start3A_44 = arith.constant 0 : i32
        %dma_start3A_45 = tpu.memref_slice %arg6[%add3A_43, %dma_start3A_44] : memref<64x128xi32, #tpu.memory_space<vmem>> -> memref<1x128xi32, #tpu.memory_space<vmem>>
        %dma_start3A_46 = tpu.memref_squeeze %dma_start3A_45 : memref<1x128xi32, #tpu.memory_space<vmem>> -> memref<128xi32, #tpu.memory_space<vmem>>
        %dma_start3A_47 = arith.constant 0 : i32
        %dma_start3A_48 = arith.constant 0 : i32
        %dma_start3A_49 = tpu.memref_slice %arg9[%dma_start3A_47, %dma_start3A_48] : memref<512x128xf32, #tpu.memory_space<vmem_shared>> -> memref<512x128xf32, #tpu.memory_space<vmem_shared>>
        tpu.enqueue_indirect_dma source(%arg8 : memref<128x128xf32, #tpu.memory_space<vmem>>) target(%dma_start3A_49 : memref<512x128xf32, #tpu.memory_space<vmem_shared>>) offsets(%dma_start3A_46 : memref<128xi32, #tpu.memory_space<vmem>>) semaphore(%run_scoped3A : memref<!tpu.dma_semaphore, #tpu.memory_space<semaphore_mem>>) {add = true}
        %dma_wait3A_50 = arith.constant 0 : i32
        %dma_wait3A_51 = tpu.memref_slice %arg6[%add3A_43, %dma_wait3A_50] : memref<64x128xi32, #tpu.memory_space<vmem>> -> memref<1x128xi32, #tpu.memory_space<vmem>>
        %dma_wait3A_52 = tpu.memref_squeeze %dma_wait3A_51 : memref<1x128xi32, #tpu.memory_space<vmem>> -> memref<128xi32, #tpu.memory_space<vmem>>
        %dma_wait3A_53 = arith.constant 0 : i32
        %dma_wait3A_54 = arith.constant 0 : i32
        %dma_wait3A_55 = tpu.memref_slice %arg9[%dma_wait3A_53, %dma_wait3A_54] : memref<512x128xf32, #tpu.memory_space<vmem_shared>> -> memref<512x128xf32, #tpu.memory_space<vmem_shared>>
        tpu.wait_indirect_dma semaphore(%run_scoped3A : memref<!tpu.dma_semaphore, #tpu.memory_space<semaphore_mem>>) src(%arg8 : memref<128x128xf32, #tpu.memory_space<vmem>>) dst(%dma_wait3A_55 : memref<512x128xf32, #tpu.memory_space<vmem_shared>>)
        tpu.yield
      }) : () -> ()
    }
    %scan3A_7 = arith.constant 32 : i32
    %barrier3A_8 = arith.constant 0 : index
    tpu.barrier barrier_id(%barrier3A_8)
    %eq3A_9 = arith.constant 0 : i32
    %eq3A_10 = arith.cmpi eq, %arg1, %eq3A_9 : i32
    %convert_element_type3A_11 = arith.extui %eq3A_10 : i1 to i32
    %cond3A_12 = arith.constant 0 : i32
    %cond3A_13 = arith.cmpi ne, %convert_element_type3A_11, %cond3A_12 : i32
    scf.if %cond3A_13 {
      "tpu.region"() ({
        %run_scoped3A = tpu.sem_alloc : memref<!tpu.dma_semaphore, #tpu.memory_space<semaphore_mem>>
        %dma_start3A = arith.constant 0 : i32
        %dma_start3A_14 = arith.constant 0 : i32
        %dma_start3A_15 = tpu.memref_slice %arg5[%arg0, %dma_start3A, %dma_start3A_14] : memref<2x512x128xf32, #tpu.memory_space<hbm>> -> memref<1x512x128xf32, #tpu.memory_space<hbm>>
        %dma_start3A_16 = tpu.memref_squeeze %dma_start3A_15 : memref<1x512x128xf32, #tpu.memory_space<hbm>> -> memref<512x128xf32, #tpu.memory_space<hbm>>
        tpu.enqueue_dma source(%arg9 : memref<512x128xf32, #tpu.memory_space<vmem_shared>>) target(%dma_start3A_16 : memref<512x128xf32, #tpu.memory_space<hbm>>) target_semaphore(%run_scoped3A : memref<!tpu.dma_semaphore, #tpu.memory_space<semaphore_mem>>)
        %dma_wait3A = arith.constant 0 : i32
        %dma_wait3A_17 = arith.constant 0 : i32
        %dma_wait3A_18 = tpu.memref_slice %arg5[%arg0, %dma_wait3A, %dma_wait3A_17] : memref<2x512x128xf32, #tpu.memory_space<hbm>> -> memref<1x512x128xf32, #tpu.memory_space<hbm>>
        %dma_wait3A_19 = tpu.memref_squeeze %dma_wait3A_18 : memref<1x512x128xf32, #tpu.memory_space<hbm>> -> memref<512x128xf32, #tpu.memory_space<hbm>>
        tpu.wait_dma2 semaphore(%run_scoped3A : memref<!tpu.dma_semaphore, #tpu.memory_space<semaphore_mem>>) src(%arg9 : memref<512x128xf32, #tpu.memory_space<vmem_shared>>) dst(%dma_wait3A_19 : memref<512x128xf32, #tpu.memory_space<hbm>>)
        tpu.yield
      }) : () -> ()
    } else {
    }
    return
  }
}

module attributes {stable_mosaic.version = 14 : i64} {
  func.func @_stats_kernel(%arg0: i32, %arg1: memref<4096x16xf32, #tpu.memory_space<vmem>>, %arg2: memref<1x4096x1xi32, #tpu.memory_space<vmem>>, %arg3: memref<1x2xf32, #tpu.memory_space<smem>>, %arg4: memref<8x512xf32, #tpu.memory_space<vmem>>) attributes {dimension_semantics = [#tpu.dimension_semantics<arbitrary>], iteration_bounds = array<i64: 64>, scalar_prefetch = 0 : i64, scratch_operands = 0 : i64, tpu.core_type = #tpu.core_type<tc>, window_params = [{transform_indices = @transform_0, window_bounds = array<i64: 4096, 16>}, {transform_indices = @transform_1, window_bounds = array<i64: 1, 4096, 1>}, {transform_indices = @transform_2, window_bounds = array<i64: 1, 2>}, {pipeline_mode = #tpu.pipeline_mode<synchronous>, transform_indices = @transform_3, window_bounds = array<i64: 8, 512>}]} {
    %eq3A = arith.constant 0 : i32
    %eq3A_0 = arith.cmpi eq, %arg0, %eq3A : i32
    %convert_element_type3A = arith.extui %eq3A_0 : i1 to i32
    %cond3A = arith.constant 0 : i32
    %cond3A_1 = arith.cmpi ne, %convert_element_type3A, %cond3A : i32
    scf.if %cond3A_1 {
      %swap3A_46 = arith.constant 0.000000e+00 : f32
      %swap3A_47 = arith.constant 0 : index
      %swap3A_48 = arith.constant 0 : index
      %swap3A_49 = memref.load %arg3[%swap3A_47, %swap3A_48] : memref<1x2xf32, #tpu.memory_space<smem>>
      memref.store %swap3A_46, %arg3[%swap3A_47, %swap3A_48] : memref<1x2xf32, #tpu.memory_space<smem>>
      %swap3A_50 = arith.constant 0.000000e+00 : f32
      %swap3A_51 = arith.constant 0 : index
      %swap3A_52 = arith.constant 1 : index
      %swap3A_53 = memref.load %arg3[%swap3A_51, %swap3A_52] : memref<1x2xf32, #tpu.memory_space<smem>>
      memref.store %swap3A_50, %arg3[%swap3A_51, %swap3A_52] : memref<1x2xf32, #tpu.memory_space<smem>>
      %broadcast_in_dim3A_54 = arith.constant 0.000000e+00 : f32
      %broadcast_in_dim3A_55 = vector.broadcast %broadcast_in_dim3A_54 : f32 to vector<8x512xf32>
      %swap3A_56 = arith.constant 0 : index
      %swap3A_57 = arith.constant 0 : index
      %swap3A_58 = vector.load %arg4[%swap3A_56, %swap3A_57] : memref<8x512xf32, #tpu.memory_space<vmem>>, vector<8x512xf32>
      tpu.vector_store %arg4[%swap3A_56, %swap3A_57], %broadcast_in_dim3A_55 {strides = array<i32>} : memref<8x512xf32, #tpu.memory_space<vmem>>, vector<8x512xf32>,
    } else {
    }
    %get3A = arith.constant 0 : index
    %get3A_2 = arith.constant 0 : index
    %get3A_3 = vector.load %arg1[%get3A, %get3A_2] : memref<4096x16xf32, #tpu.memory_space<vmem>>, vector<4096x16xf32>
    %get3A_4 = arith.constant 0 : index
    %get3A_5 = arith.constant 0 : index
    %get3A_6 = memref.load %arg3[%get3A_4, %get3A_5] : memref<1x2xf32, #tpu.memory_space<smem>>
    %reduce_sum3A = vector.shape_cast %get3A_3 : vector<4096x16xf32> to vector<1x4096x16xf32>
    %reduce_sum3A_7 = arith.constant dense<0.000000e+00> : vector<1xf32>
    %reduce_sum3A_8 = vector.multi_reduction <add>, %reduce_sum3A, %reduce_sum3A_7 [1, 2] : vector<1x4096x16xf32> to vector<1xf32>
    %reduce_sum3A_9 = vector.shape_cast %reduce_sum3A_8 : vector<1xf32> to vector<1x1x1xf32>
    %reduce_sum3A_10 = vector.extract %reduce_sum3A_9[0, 0, 0] : f32 from vector<1x1x1xf32>
    %add3A = arith.addf %get3A_6, %reduce_sum3A_10 : f32
    %swap3A = arith.constant 0 : index
    %swap3A_11 = arith.constant 0 : index
    %swap3A_12 = memref.load %arg3[%swap3A, %swap3A_11] : memref<1x2xf32, #tpu.memory_space<smem>>
    memref.store %add3A, %arg3[%swap3A, %swap3A_11] : memref<1x2xf32, #tpu.memory_space<smem>>
    %get3A_13 = arith.constant 0 : index
    %get3A_14 = arith.constant 1 : index
    %get3A_15 = memref.load %arg3[%get3A_13, %get3A_14] : memref<1x2xf32, #tpu.memory_space<smem>>
    %mul3A = arith.mulf %get3A_3, %get3A_3 : vector<4096x16xf32>
    %reduce_sum3A_16 = vector.shape_cast %mul3A : vector<4096x16xf32> to vector<1x4096x16xf32>
    %reduce_sum3A_17 = arith.constant dense<0.000000e+00> : vector<1xf32>
    %reduce_sum3A_18 = vector.multi_reduction <add>, %reduce_sum3A_16, %reduce_sum3A_17 [1, 2] : vector<1x4096x16xf32> to vector<1xf32>
    %reduce_sum3A_19 = vector.shape_cast %reduce_sum3A_18 : vector<1xf32> to vector<1x1x1xf32>
    %reduce_sum3A_20 = vector.extract %reduce_sum3A_19[0, 0, 0] : f32 from vector<1x1x1xf32>
    %add3A_21 = arith.addf %get3A_15, %reduce_sum3A_20 : f32
    %swap3A_22 = arith.constant 0 : index
    %swap3A_23 = arith.constant 1 : index
    %swap3A_24 = memref.load %arg3[%swap3A_22, %swap3A_23] : memref<1x2xf32, #tpu.memory_space<smem>>
    memref.store %add3A_21, %arg3[%swap3A_22, %swap3A_23] : memref<1x2xf32, #tpu.memory_space<smem>>
    %get3A_25 = arith.constant 0 : index
    %get3A_26 = arith.constant 0 : index
    %get3A_27 = arith.constant 0 : index
    %get3A_28 = vector.load %arg2[%get3A_25, %get3A_26, %get3A_27] : memref<1x4096x1xi32, #tpu.memory_space<vmem>>, vector<1x4096x1xi32>
    %get3A_29 = vector.shape_cast %get3A_28 : vector<1x4096x1xi32> to vector<4096x1xi32>
    %convert_element_type3A_30 = arith.trunci %get3A_29 : vector<4096x1xi32> to vector<4096x1xi16>
    %broadcast_in_dim3A = vector.shape_cast %convert_element_type3A_30 : vector<4096x1xi16> to vector<4096x1xi16>
    %broadcast_in_dim3A_31 = vector.broadcast %broadcast_in_dim3A : vector<4096x1xi16> to vector<4096x512xi16>
    %iota3A = tpu.iota {dimensions = array<i32: 1>} : vector<4096x512xi16>
    %eq3A_32 = arith.cmpi eq, %iota3A, %broadcast_in_dim3A_31 : vector<4096x512xi16>
    %jit3A = arith.constant 1.000000e+00 : bf16
    %jit3A_33 = arith.constant 0.000000e+00 : bf16
    %broadcast_in_dim3A_34 = vector.broadcast %jit3A : bf16 to vector<4096x512xbf16>
    %broadcast_in_dim3A_35 = vector.broadcast %jit3A_33 : bf16 to vector<4096x512xbf16>
    %select_n3A = arith.select %eq3A_32, %broadcast_in_dim3A_34, %broadcast_in_dim3A_35 : vector<4096x512xi1>, vector<4096x512xbf16>
    %broadcast_in_dim3A_36 = arith.constant 1.000000e+00 : bf16
    %broadcast_in_dim3A_37 = vector.broadcast %broadcast_in_dim3A_36 : bf16 to vector<8x4096xbf16>
    %get3A_38 = arith.constant 0 : index
    %get3A_39 = arith.constant 0 : index
    %get3A_40 = vector.load %arg4[%get3A_38, %get3A_39] : memref<8x512xf32, #tpu.memory_space<vmem>>, vector<8x512xf32>
    %dot_general3A = arith.constant dense<0.000000e+00> : vector<8x512xf32>
    %dot_general3A_41 = tpu.matmul %broadcast_in_dim3A_37, %select_n3A, %dot_general3A {dimension_numbers = #tpu.dot_dimension_numbers<[1], [0], [0], [1], [0, 0, 1, 1], [], []>, transpose_lhs_hint = false} : vector<8x4096xbf16>, vector<4096x512xbf16>, vector<8x512xf32> -> vector<8x512xf32>
    %add3A_42 = arith.addf %get3A_40, %dot_general3A_41 : vector<8x512xf32>
    %swap3A_43 = arith.constant 0 : index
    %swap3A_44 = arith.constant 0 : index
    %swap3A_45 = vector.load %arg4[%swap3A_43, %swap3A_44] : memref<8x512xf32, #tpu.memory_space<vmem>>, vector<8x512xf32>
    tpu.vector_store %arg4[%swap3A_43, %swap3A_44], %add3A_42 {strides = array<i32>} : memref<8x512xf32, #tpu.memory_space<vmem>>, vector<8x512xf32>,
    return
  }
  func.func @transform_0(%arg0: i32) -> (i32, i32) {
    %c0_i32 = arith.constant 0 : i32
    %c0_i32_0 = arith.constant 0 : i32
    return %arg0, %c0_i32 : i32, i32
  }
  func.func @transform_1(%arg0: i32) -> (i32, i32, i32) {
    %c0_i32 = arith.constant 0 : i32
    %c0_i32_0 = arith.constant 0 : i32
    %c0_i32_1 = arith.constant 0 : i32
    return %arg0, %c0_i32, %c0_i32_0 : i32, i32, i32
  }
  func.func @transform_2(%arg0: i32) -> (i32, i32) {
    %c0_i32 = arith.constant 0 : i32
    %c0_i32_0 = arith.constant 0 : i32
    %c0_i32_1 = arith.constant 0 : i32
    return %c0_i32, %c0_i32_0 : i32, i32
  }
  func.func @transform_3(%arg0: i32) -> (i32, i32) {
    %c0_i32 = arith.constant 0 : i32
    %c0_i32_0 = arith.constant 0 : i32
    %c0_i32_1 = arith.constant 0 : i32
    return %c0_i32, %c0_i32_0 : i32, i32
  }
}

module attributes {stable_mosaic.version = 14 : i64} {
  func.func @_gh_kernel(%arg0: memref<2x512x128xf32, #tpu.memory_space<vmem>>, %arg1: memref<512x1xf32, #tpu.memory_space<vmem>>, %arg2: memref<128x128xf32, #tpu.memory_space<vmem>>, %arg3: memref<1x128xf32, #tpu.memory_space<vmem>>, %arg4: memref<512x128xf32, #tpu.memory_space<vmem>>, %arg5: memref<512x128xf32, #tpu.memory_space<vmem>>) attributes {dimension_semantics = [], scalar_prefetch = 0 : i64, scratch_operands = 0 : i64, tpu.core_type = #tpu.core_type<tc>} {
    %get3A = arith.constant 0 : index
    %get3A_0 = arith.constant 0 : index
    %get3A_1 = arith.constant 0 : index
    %get3A_2 = vector.load %arg0[%get3A, %get3A_0, %get3A_1] : memref<2x512x128xf32, #tpu.memory_space<vmem>>, vector<1x512x128xf32>
    %get3A_3 = vector.shape_cast %get3A_2 : vector<1x512x128xf32> to vector<512x128xf32>
    %get3A_4 = arith.constant 1 : index
    %get3A_5 = arith.constant 0 : index
    %get3A_6 = arith.constant 0 : index
    %get3A_7 = vector.load %arg0[%get3A_4, %get3A_5, %get3A_6] : memref<2x512x128xf32, #tpu.memory_space<vmem>>, vector<1x512x128xf32>
    %get3A_8 = vector.shape_cast %get3A_7 : vector<1x512x128xf32> to vector<512x128xf32>
    %add3A = arith.addf %get3A_3, %get3A_8 : vector<512x128xf32>
    %get3A_9 = arith.constant 0 : index
    %get3A_10 = arith.constant 0 : index
    %get3A_11 = vector.load %arg1[%get3A_9, %get3A_10] : memref<512x1xf32, #tpu.memory_space<vmem>>, vector<512x1xf32>
    %mul3A = vector.broadcast %get3A_11 : vector<512x1xf32> to vector<512x128xf32>
    %mul3A_12 = arith.mulf %add3A, %mul3A : vector<512x128xf32>
    %swap3A = arith.constant 0 : index
    %swap3A_13 = arith.constant 0 : index
    %swap3A_14 = vector.load %arg5[%swap3A, %swap3A_13] : memref<512x128xf32, #tpu.memory_space<vmem>>, vector<512x128xf32>
    tpu.vector_store %arg5[%swap3A, %swap3A_13], %mul3A_12 {strides = array<i32>} : memref<512x128xf32, #tpu.memory_space<vmem>>, vector<512x128xf32>,
    %get3A_15 = arith.constant 0 : index
    %get3A_16 = arith.constant 0 : index
    %get3A_17 = vector.load %arg2[%get3A_15, %get3A_16] : memref<128x128xf32, #tpu.memory_space<vmem>>, vector<128x128xf32>
    %dot_general3A = arith.constant dense<0.000000e+00> : vector<512x128xf32>
    %dot_general3A_18 = tpu.matmul %mul3A_12, %get3A_17, %dot_general3A {dimension_numbers = #tpu.dot_dimension_numbers<[1], [0], [0], [1], [0, 0, 1, 1], [], []>, transpose_lhs_hint = false} : vector<512x128xf32>, vector<128x128xf32>, vector<512x128xf32> -> vector<512x128xf32>
    %get3A_19 = arith.constant 0 : index
    %get3A_20 = arith.constant 0 : index
    %get3A_21 = vector.load %arg3[%get3A_19, %get3A_20] : memref<1x128xf32, #tpu.memory_space<vmem>>, vector<1x128xf32>
    %add3A_22 = vector.broadcast %get3A_21 : vector<1x128xf32> to vector<512x128xf32>
    %add3A_23 = arith.addf %dot_general3A_18, %add3A_22 : vector<512x128xf32>
    %swap3A_24 = arith.constant 0 : index
    %swap3A_25 = arith.constant 0 : index
    %swap3A_26 = vector.load %arg4[%swap3A_24, %swap3A_25] : memref<512x128xf32, #tpu.memory_space<vmem>>, vector<512x128xf32>
    tpu.vector_store %arg4[%swap3A_24, %swap3A_25], %add3A_23 {strides = array<i32>} : memref<512x128xf32, #tpu.memory_space<vmem>>, vector<512x128xf32>,
    return
  }
}

module attributes {stable_mosaic.version = 14 : i64} {
  func.func @_sigx_kernel(%arg0: i32, %arg1: memref<4096x16xf32, #tpu.memory_space<vmem>>, %arg2: memref<4096x16xf32, #tpu.memory_space<vmem>>, %arg3: memref<4096x16xf32, #tpu.memory_space<vmem>>, %arg4: memref<16x128xf32, #tpu.memory_space<vmem>>, %arg5: memref<1x2xf32, #tpu.memory_space<smem>>, %arg6: memref<4096x128xf32, #tpu.memory_space<vmem>>) attributes {dimension_semantics = [#tpu.dimension_semantics<arbitrary>], iteration_bounds = array<i64: 64>, scalar_prefetch = 0 : i64, scratch_operands = 0 : i64, tpu.core_type = #tpu.core_type<tc>, window_params = [{transform_indices = @transform_0, window_bounds = array<i64: 4096, 16>}, {transform_indices = @transform_1, window_bounds = array<i64: 4096, 16>}, {transform_indices = @transform_2, window_bounds = array<i64: 4096, 16>}, {pipeline_mode = #tpu.pipeline_mode<synchronous>, transform_indices = @transform_3, window_bounds = array<i64: 16, 128>}, {transform_indices = @transform_4, window_bounds = array<i64: 1, 2>}, {transform_indices = @transform_5, window_bounds = array<i64: 4096, 128>}]} {
    %get3A = arith.constant 0 : index
    %get3A_0 = arith.constant 0 : index
    %get3A_1 = memref.load %arg5[%get3A, %get3A_0] : memref<1x2xf32, #tpu.memory_space<smem>>
    %get3A_2 = arith.constant 0 : index
    %get3A_3 = arith.constant 1 : index
    %get3A_4 = memref.load %arg5[%get3A_2, %get3A_3] : memref<1x2xf32, #tpu.memory_space<smem>>
    %get3A_5 = arith.constant 0 : index
    %get3A_6 = arith.constant 0 : index
    %get3A_7 = vector.load %arg1[%get3A_5, %get3A_6] : memref<4096x16xf32, #tpu.memory_space<vmem>>, vector<4096x16xf32>
    %sub3A = vector.broadcast %get3A_1 : f32 to vector<4096x16xf32>
    %sub3A_8 = arith.subf %get3A_7, %sub3A : vector<4096x16xf32>
    %mul3A = vector.broadcast %get3A_4 : f32 to vector<4096x16xf32>
    %mul3A_9 = arith.mulf %sub3A_8, %mul3A : vector<4096x16xf32>
    %get3A_10 = arith.constant 0 : index
    %get3A_11 = arith.constant 0 : index
    %get3A_12 = vector.load %arg2[%get3A_10, %get3A_11] : memref<4096x16xf32, #tpu.memory_space<vmem>>, vector<4096x16xf32>
    %mul3A_13 = arith.mulf %mul3A_9, %get3A_12 : vector<4096x16xf32>
    %get3A_14 = arith.constant 0 : index
    %get3A_15 = arith.constant 0 : index
    %get3A_16 = vector.load %arg3[%get3A_14, %get3A_15] : memref<4096x16xf32, #tpu.memory_space<vmem>>, vector<4096x16xf32>
    %add3A = arith.addf %mul3A_13, %get3A_16 : vector<4096x16xf32>
    %logistic3A = arith.negf %add3A : vector<4096x16xf32>
    %logistic3A_17 = math.exp %logistic3A : vector<4096x16xf32>
    %logistic3A_18 = arith.constant 1.000000e+00 : f32
    %logistic3A_19 = vector.broadcast %logistic3A_18 : f32 to vector<4096x16xf32>
    %logistic3A_20 = arith.addf %logistic3A_19, %logistic3A_17 : vector<4096x16xf32>
    %logistic3A_21 = arith.divf %logistic3A_19, %logistic3A_20 : vector<4096x16xf32>
    %get3A_22 = arith.constant 0 : index
    %get3A_23 = arith.constant 0 : index
    %get3A_24 = vector.load %arg4[%get3A_22, %get3A_23] : memref<16x128xf32, #tpu.memory_space<vmem>>, vector<16x128xf32>
    %dot_general3A = arith.constant dense<0.000000e+00> : vector<4096x128xf32>
    %dot_general3A_25 = tpu.matmul %logistic3A_21, %get3A_24, %dot_general3A {dimension_numbers = #tpu.dot_dimension_numbers<[1], [0], [0], [1], [0, 0, 1, 1], [], []>, transpose_lhs_hint = false} : vector<4096x16xf32>, vector<16x128xf32>, vector<4096x128xf32> -> vector<4096x128xf32>
    %swap3A = arith.constant 0 : index
    %swap3A_26 = arith.constant 0 : index
    %swap3A_27 = vector.load %arg6[%swap3A, %swap3A_26] : memref<4096x128xf32, #tpu.memory_space<vmem>>, vector<4096x128xf32>
    tpu.vector_store %arg6[%swap3A, %swap3A_26], %dot_general3A_25 {strides = array<i32>} : memref<4096x128xf32, #tpu.memory_space<vmem>>, vector<4096x128xf32>,
    return
  }
  func.func @transform_0(%arg0: i32) -> (i32, i32) {
    %c0_i32 = arith.constant 0 : i32
    %c0_i32_0 = arith.constant 0 : i32
    return %arg0, %c0_i32 : i32, i32
  }
  func.func @transform_1(%arg0: i32) -> (i32, i32) {
    %c0_i32 = arith.constant 0 : i32
    %c0_i32_0 = arith.constant 0 : i32
    return %arg0, %c0_i32 : i32, i32
  }
  func.func @transform_2(%arg0: i32) -> (i32, i32) {
    %c0_i32 = arith.constant 0 : i32
    %c0_i32_0 = arith.constant 0 : i32
    return %arg0, %c0_i32 : i32, i32
  }
  func.func @transform_3(%arg0: i32) -> (i32, i32) {
    %c0_i32 = arith.constant 0 : i32
    %c0_i32_0 = arith.constant 0 : i32
    %c0_i32_1 = arith.constant 0 : i32
    return %c0_i32, %c0_i32_0 : i32, i32
  }
  func.func @transform_4(%arg0: i32) -> (i32, i32) {
    %c0_i32 = arith.constant 0 : i32
    %c0_i32_0 = arith.constant 0 : i32
    %c0_i32_1 = arith.constant 0 : i32
    return %c0_i32, %c0_i32_0 : i32, i32
  }
  func.func @transform_5(%arg0: i32) -> (i32, i32) {
    %c0_i32 = arith.constant 0 : i32
    %c0_i32_0 = arith.constant 0 : i32
    return %arg0, %c0_i32 : i32, i32
  }
}

module attributes {stable_mosaic.version = 14 : i64} {
  func.func @_tanh_kernel(%arg0: i32, %arg1: memref<4096x128xf32, #tpu.memory_space<vmem>>, %arg2: memref<4096x128xf32, #tpu.memory_space<vmem>>, %arg3: memref<4096x128xf32, #tpu.memory_space<vmem>>) attributes {dimension_semantics = [#tpu.dimension_semantics<arbitrary>], iteration_bounds = array<i64: 64>, scalar_prefetch = 0 : i64, scratch_operands = 0 : i64, tpu.core_type = #tpu.core_type<tc>, window_params = [{transform_indices = @transform_0, window_bounds = array<i64: 4096, 128>}, {transform_indices = @transform_1, window_bounds = array<i64: 4096, 128>}, {transform_indices = @transform_2, window_bounds = array<i64: 4096, 128>}]} {
    %get3A = arith.constant 0 : index
    %get3A_0 = arith.constant 0 : index
    %get3A_1 = vector.load %arg1[%get3A, %get3A_0] : memref<4096x128xf32, #tpu.memory_space<vmem>>, vector<4096x128xf32>
    %get3A_2 = arith.constant 0 : index
    %get3A_3 = arith.constant 0 : index
    %get3A_4 = vector.load %arg2[%get3A_2, %get3A_3] : memref<4096x128xf32, #tpu.memory_space<vmem>>, vector<4096x128xf32>
    %add3A = arith.addf %get3A_1, %get3A_4 : vector<4096x128xf32>
    %tanh3A = math.tanh %add3A : vector<4096x128xf32>
    %swap3A = arith.constant 0 : index
    %swap3A_5 = arith.constant 0 : index
    %swap3A_6 = vector.load %arg3[%swap3A, %swap3A_5] : memref<4096x128xf32, #tpu.memory_space<vmem>>, vector<4096x128xf32>
    tpu.vector_store %arg3[%swap3A, %swap3A_5], %tanh3A {strides = array<i32>} : memref<4096x128xf32, #tpu.memory_space<vmem>>, vector<4096x128xf32>,
    return
  }
  func.func @transform_0(%arg0: i32) -> (i32, i32) {
    %c0_i32 = arith.constant 0 : i32
    %c0_i32_0 = arith.constant 0 : i32
    return %arg0, %c0_i32 : i32, i32
  }
  func.func @transform_1(%arg0: i32) -> (i32, i32) {
    %c0_i32 = arith.constant 0 : i32
    %c0_i32_0 = arith.constant 0 : i32
    return %arg0, %c0_i32 : i32, i32
  }
  func.func @transform_2(%arg0: i32) -> (i32, i32) {
    %c0_i32 = arith.constant 0 : i32
    %c0_i32_0 = arith.constant 0 : i32
    return %arg0, %c0_i32 : i32, i32
  }
}

module attributes {stable_mosaic.version = 14 : i64} {
  func.func @_gh_kernel(%arg0: memref<2x512x128xf32, #tpu.memory_space<vmem>>, %arg1: memref<512x1xf32, #tpu.memory_space<vmem>>, %arg2: memref<128x128xf32, #tpu.memory_space<vmem>>, %arg3: memref<1x128xf32, #tpu.memory_space<vmem>>, %arg4: memref<512x128xf32, #tpu.memory_space<vmem>>, %arg5: memref<512x128xf32, #tpu.memory_space<vmem>>) attributes {dimension_semantics = [], scalar_prefetch = 0 : i64, scratch_operands = 0 : i64, tpu.core_type = #tpu.core_type<tc>} {
    %get3A = arith.constant 0 : index
    %get3A_0 = arith.constant 0 : index
    %get3A_1 = arith.constant 0 : index
    %get3A_2 = vector.load %arg0[%get3A, %get3A_0, %get3A_1] : memref<2x512x128xf32, #tpu.memory_space<vmem>>, vector<1x512x128xf32>
    %get3A_3 = vector.shape_cast %get3A_2 : vector<1x512x128xf32> to vector<512x128xf32>
    %get3A_4 = arith.constant 1 : index
    %get3A_5 = arith.constant 0 : index
    %get3A_6 = arith.constant 0 : index
    %get3A_7 = vector.load %arg0[%get3A_4, %get3A_5, %get3A_6] : memref<2x512x128xf32, #tpu.memory_space<vmem>>, vector<1x512x128xf32>
    %get3A_8 = vector.shape_cast %get3A_7 : vector<1x512x128xf32> to vector<512x128xf32>
    %add3A = arith.addf %get3A_3, %get3A_8 : vector<512x128xf32>
    %get3A_9 = arith.constant 0 : index
    %get3A_10 = arith.constant 0 : index
    %get3A_11 = vector.load %arg1[%get3A_9, %get3A_10] : memref<512x1xf32, #tpu.memory_space<vmem>>, vector<512x1xf32>
    %mul3A = vector.broadcast %get3A_11 : vector<512x1xf32> to vector<512x128xf32>
    %mul3A_12 = arith.mulf %add3A, %mul3A : vector<512x128xf32>
    %swap3A = arith.constant 0 : index
    %swap3A_13 = arith.constant 0 : index
    %swap3A_14 = vector.load %arg5[%swap3A, %swap3A_13] : memref<512x128xf32, #tpu.memory_space<vmem>>, vector<512x128xf32>
    tpu.vector_store %arg5[%swap3A, %swap3A_13], %mul3A_12 {strides = array<i32>} : memref<512x128xf32, #tpu.memory_space<vmem>>, vector<512x128xf32>,
    %get3A_15 = arith.constant 0 : index
    %get3A_16 = arith.constant 0 : index
    %get3A_17 = vector.load %arg2[%get3A_15, %get3A_16] : memref<128x128xf32, #tpu.memory_space<vmem>>, vector<128x128xf32>
    %dot_general3A = arith.constant dense<0.000000e+00> : vector<512x128xf32>
    %dot_general3A_18 = tpu.matmul %mul3A_12, %get3A_17, %dot_general3A {dimension_numbers = #tpu.dot_dimension_numbers<[1], [0], [0], [1], [0, 0, 1, 1], [], []>, transpose_lhs_hint = false} : vector<512x128xf32>, vector<128x128xf32>, vector<512x128xf32> -> vector<512x128xf32>
    %get3A_19 = arith.constant 0 : index
    %get3A_20 = arith.constant 0 : index
    %get3A_21 = vector.load %arg3[%get3A_19, %get3A_20] : memref<1x128xf32, #tpu.memory_space<vmem>>, vector<1x128xf32>
    %add3A_22 = vector.broadcast %get3A_21 : vector<1x128xf32> to vector<512x128xf32>
    %add3A_23 = arith.addf %dot_general3A_18, %add3A_22 : vector<512x128xf32>
    %swap3A_24 = arith.constant 0 : index
    %swap3A_25 = arith.constant 0 : index
    %swap3A_26 = vector.load %arg4[%swap3A_24, %swap3A_25] : memref<512x128xf32, #tpu.memory_space<vmem>>, vector<512x128xf32>
    tpu.vector_store %arg4[%swap3A_24, %swap3A_25], %add3A_23 {strides = array<i32>} : memref<512x128xf32, #tpu.memory_space<vmem>>, vector<512x128xf32>,
    return
  }
}

module attributes {stable_mosaic.version = 14 : i64} {
  func.func @_gh_kernel(%arg0: memref<2x512x128xf32, #tpu.memory_space<vmem>>, %arg1: memref<512x1xf32, #tpu.memory_space<vmem>>, %arg2: memref<128x128xf32, #tpu.memory_space<vmem>>, %arg3: memref<1x128xf32, #tpu.memory_space<vmem>>, %arg4: memref<512x128xf32, #tpu.memory_space<vmem>>, %arg5: memref<512x128xf32, #tpu.memory_space<vmem>>) attributes {dimension_semantics = [], scalar_prefetch = 0 : i64, scratch_operands = 0 : i64, tpu.core_type = #tpu.core_type<tc>} {
    %get3A = arith.constant 0 : index
    %get3A_0 = arith.constant 0 : index
    %get3A_1 = arith.constant 0 : index
    %get3A_2 = vector.load %arg0[%get3A, %get3A_0, %get3A_1] : memref<2x512x128xf32, #tpu.memory_space<vmem>>, vector<1x512x128xf32>
    %get3A_3 = vector.shape_cast %get3A_2 : vector<1x512x128xf32> to vector<512x128xf32>
    %get3A_4 = arith.constant 1 : index
    %get3A_5 = arith.constant 0 : index
    %get3A_6 = arith.constant 0 : index
    %get3A_7 = vector.load %arg0[%get3A_4, %get3A_5, %get3A_6] : memref<2x512x128xf32, #tpu.memory_space<vmem>>, vector<1x512x128xf32>
    %get3A_8 = vector.shape_cast %get3A_7 : vector<1x512x128xf32> to vector<512x128xf32>
    %add3A = arith.addf %get3A_3, %get3A_8 : vector<512x128xf32>
    %get3A_9 = arith.constant 0 : index
    %get3A_10 = arith.constant 0 : index
    %get3A_11 = vector.load %arg1[%get3A_9, %get3A_10] : memref<512x1xf32, #tpu.memory_space<vmem>>, vector<512x1xf32>
    %mul3A = vector.broadcast %get3A_11 : vector<512x1xf32> to vector<512x128xf32>
    %mul3A_12 = arith.mulf %add3A, %mul3A : vector<512x128xf32>
    %swap3A = arith.constant 0 : index
    %swap3A_13 = arith.constant 0 : index
    %swap3A_14 = vector.load %arg5[%swap3A, %swap3A_13] : memref<512x128xf32, #tpu.memory_space<vmem>>, vector<512x128xf32>
    tpu.vector_store %arg5[%swap3A, %swap3A_13], %mul3A_12 {strides = array<i32>} : memref<512x128xf32, #tpu.memory_space<vmem>>, vector<512x128xf32>,
    %get3A_15 = arith.constant 0 : index
    %get3A_16 = arith.constant 0 : index
    %get3A_17 = vector.load %arg2[%get3A_15, %get3A_16] : memref<128x128xf32, #tpu.memory_space<vmem>>, vector<128x128xf32>
    %dot_general3A = arith.constant dense<0.000000e+00> : vector<512x128xf32>
    %dot_general3A_18 = tpu.matmul %mul3A_12, %get3A_17, %dot_general3A {dimension_numbers = #tpu.dot_dimension_numbers<[1], [0], [0], [1], [0, 0, 1, 1], [], []>, transpose_lhs_hint = false} : vector<512x128xf32>, vector<128x128xf32>, vector<512x128xf32> -> vector<512x128xf32>
    %get3A_19 = arith.constant 0 : index
    %get3A_20 = arith.constant 0 : index
    %get3A_21 = vector.load %arg3[%get3A_19, %get3A_20] : memref<1x128xf32, #tpu.memory_space<vmem>>, vector<1x128xf32>
    %add3A_22 = vector.broadcast %get3A_21 : vector<1x128xf32> to vector<512x128xf32>
    %add3A_23 = arith.addf %dot_general3A_18, %add3A_22 : vector<512x128xf32>
    %swap3A_24 = arith.constant 0 : index
    %swap3A_25 = arith.constant 0 : index
    %swap3A_26 = vector.load %arg4[%swap3A_24, %swap3A_25] : memref<512x128xf32, #tpu.memory_space<vmem>>, vector<512x128xf32>
    tpu.vector_store %arg4[%swap3A_24, %swap3A_25], %add3A_23 {strides = array<i32>} : memref<512x128xf32, #tpu.memory_space<vmem>>, vector<512x128xf32>,
    return
  }
}

module attributes {stable_mosaic.version = 14 : i64} {
  func.func @_cbt_kernel(%arg0: i32, %arg1: i32, %arg2: memref<1x512x128xf32, #tpu.memory_space<vmem>>, %arg3: memref<1x64x128xf32, #tpu.memory_space<vmem>>, %arg4: memref<1x64x512xf32, #tpu.memory_space<vmem>>) attributes {dimension_semantics = [#tpu.dimension_semantics<arbitrary>, #tpu.dimension_semantics<arbitrary>], iteration_bounds = array<i64: 2, 8>, scalar_prefetch = 0 : i64, scratch_operands = 0 : i64, tpu.core_type = #tpu.core_type<tc>, window_params = [{transform_indices = @transform_0, window_bounds = array<i64: 1, 512, 128>}, {transform_indices = @transform_1, window_bounds = array<i64: 1, 64, 128>}, {transform_indices = @transform_2, window_bounds = array<i64: 1, 64, 512>}]} {
    %get3A = arith.constant 0 : index
    %get3A_0 = arith.constant 0 : index
    %get3A_1 = arith.constant 0 : index
    %get3A_2 = vector.load %arg2[%get3A, %get3A_0, %get3A_1] : memref<1x512x128xf32, #tpu.memory_space<vmem>>, vector<1x512x128xf32>
    %get3A_3 = vector.shape_cast %get3A_2 : vector<1x512x128xf32> to vector<512x128xf32>
    %get3A_4 = arith.constant 0 : index
    %get3A_5 = arith.constant 0 : index
    %get3A_6 = arith.constant 0 : index
    %get3A_7 = vector.load %arg3[%get3A_4, %get3A_5, %get3A_6] : memref<1x64x128xf32, #tpu.memory_space<vmem>>, vector<1x64x128xf32>
    %get3A_8 = vector.shape_cast %get3A_7 : vector<1x64x128xf32> to vector<64x128xf32>
    %slice3A = vector.extract_strided_slice %get3A_3 {offsets = [0, 0], sizes = [128, 128], strides = [1, 1]} : vector<512x128xf32> to vector<128x128xf32>
    %broadcast_in_dim3A = vector.shape_cast %get3A_8 : vector<64x128xf32> to vector<64x1x128xf32>
    %broadcast_in_dim3A_9 = vector.shape_cast %slice3A : vector<128x128xf32> to vector<1x128x128xf32>
    %sub3A = vector.broadcast %broadcast_in_dim3A : vector<64x1x128xf32> to vector<64x128x128xf32>
    %sub3A_10 = vector.broadcast %broadcast_in_dim3A_9 : vector<1x128x128xf32> to vector<64x128x128xf32>
    %sub3A_11 = arith.subf %sub3A, %sub3A_10 : vector<64x128x128xf32>
    %abs3A = math.absf %sub3A_11 : vector<64x128x128xf32>
    %reduce_sum3A = arith.constant dense<0.000000e+00> : vector<64x128xf32>
    %reduce_sum3A_12 = vector.multi_reduction <add>, %abs3A, %reduce_sum3A [2] : vector<64x128x128xf32> to vector<64x128xf32>
    %swap3A = arith.constant 0 : index
    %swap3A_13 = arith.constant 0 : index
    %swap3A_14 = arith.constant 0 : index
    %swap3A_15 = vector.load %arg4[%swap3A, %swap3A_13, %swap3A_14] : memref<1x64x512xf32, #tpu.memory_space<vmem>>, vector<1x64x128xf32>
    %swap3A_16 = vector.shape_cast %swap3A_15 : vector<1x64x128xf32> to vector<64x128xf32>
    %swap3A_17 = vector.shape_cast %reduce_sum3A_12 : vector<64x128xf32> to vector<1x64x128xf32>
    tpu.vector_store %arg4[%swap3A, %swap3A_13, %swap3A_14], %swap3A_17 {strides = array<i32>} : memref<1x64x512xf32, #tpu.memory_space<vmem>>, vector<1x64x128xf32>,
    %slice3A_18 = vector.extract_strided_slice %get3A_3 {offsets = [128, 0], sizes = [128, 128], strides = [1, 1]} : vector<512x128xf32> to vector<128x128xf32>
    %broadcast_in_dim3A_19 = vector.shape_cast %get3A_8 : vector<64x128xf32> to vector<64x1x128xf32>
    %broadcast_in_dim3A_20 = vector.shape_cast %slice3A_18 : vector<128x128xf32> to vector<1x128x128xf32>
    %sub3A_21 = vector.broadcast %broadcast_in_dim3A_19 : vector<64x1x128xf32> to vector<64x128x128xf32>
    %sub3A_22 = vector.broadcast %broadcast_in_dim3A_20 : vector<1x128x128xf32> to vector<64x128x128xf32>
    %sub3A_23 = arith.subf %sub3A_21, %sub3A_22 : vector<64x128x128xf32>
    %abs3A_24 = math.absf %sub3A_23 : vector<64x128x128xf32>
    %reduce_sum3A_25 = arith.constant dense<0.000000e+00> : vector<64x128xf32>
    %reduce_sum3A_26 = vector.multi_reduction <add>, %abs3A_24, %reduce_sum3A_25 [2] : vector<64x128x128xf32> to vector<64x128xf32>
    %swap3A_27 = arith.constant 0 : index
    %swap3A_28 = arith.constant 0 : index
    %swap3A_29 = arith.constant 128 : index
    %swap3A_30 = vector.load %arg4[%swap3A_27, %swap3A_28, %swap3A_29] : memref<1x64x512xf32, #tpu.memory_space<vmem>>, vector<1x64x128xf32>
    %swap3A_31 = vector.shape_cast %swap3A_30 : vector<1x64x128xf32> to vector<64x128xf32>
    %swap3A_32 = vector.shape_cast %reduce_sum3A_26 : vector<64x128xf32> to vector<1x64x128xf32>
    tpu.vector_store %arg4[%swap3A_27, %swap3A_28, %swap3A_29], %swap3A_32 {strides = array<i32>} : memref<1x64x512xf32, #tpu.memory_space<vmem>>, vector<1x64x128xf32>,
    %slice3A_33 = vector.extract_strided_slice %get3A_3 {offsets = [256, 0], sizes = [128, 128], strides = [1, 1]} : vector<512x128xf32> to vector<128x128xf32>
    %broadcast_in_dim3A_34 = vector.shape_cast %get3A_8 : vector<64x128xf32> to vector<64x1x128xf32>
    %broadcast_in_dim3A_35 = vector.shape_cast %slice3A_33 : vector<128x128xf32> to vector<1x128x128xf32>
    %sub3A_36 = vector.broadcast %broadcast_in_dim3A_34 : vector<64x1x128xf32> to vector<64x128x128xf32>
    %sub3A_37 = vector.broadcast %broadcast_in_dim3A_35 : vector<1x128x128xf32> to vector<64x128x128xf32>
    %sub3A_38 = arith.subf %sub3A_36, %sub3A_37 : vector<64x128x128xf32>
    %abs3A_39 = math.absf %sub3A_38 : vector<64x128x128xf32>
    %reduce_sum3A_40 = arith.constant dense<0.000000e+00> : vector<64x128xf32>
    %reduce_sum3A_41 = vector.multi_reduction <add>, %abs3A_39, %reduce_sum3A_40 [2] : vector<64x128x128xf32> to vector<64x128xf32>
    %swap3A_42 = arith.constant 0 : index
    %swap3A_43 = arith.constant 0 : index
    %swap3A_44 = arith.constant 256 : index
    %swap3A_45 = vector.load %arg4[%swap3A_42, %swap3A_43, %swap3A_44] : memref<1x64x512xf32, #tpu.memory_space<vmem>>, vector<1x64x128xf32>
    %swap3A_46 = vector.shape_cast %swap3A_45 : vector<1x64x128xf32> to vector<64x128xf32>
    %swap3A_47 = vector.shape_cast %reduce_sum3A_41 : vector<64x128xf32> to vector<1x64x128xf32>
    tpu.vector_store %arg4[%swap3A_42, %swap3A_43, %swap3A_44], %swap3A_47 {strides = array<i32>} : memref<1x64x512xf32, #tpu.memory_space<vmem>>, vector<1x64x128xf32>,
    %slice3A_48 = vector.extract_strided_slice %get3A_3 {offsets = [384, 0], sizes = [128, 128], strides = [1, 1]} : vector<512x128xf32> to vector<128x128xf32>
    %broadcast_in_dim3A_49 = vector.shape_cast %get3A_8 : vector<64x128xf32> to vector<64x1x128xf32>
    %broadcast_in_dim3A_50 = vector.shape_cast %slice3A_48 : vector<128x128xf32> to vector<1x128x128xf32>
    %sub3A_51 = vector.broadcast %broadcast_in_dim3A_49 : vector<64x1x128xf32> to vector<64x128x128xf32>
    %sub3A_52 = vector.broadcast %broadcast_in_dim3A_50 : vector<1x128x128xf32> to vector<64x128x128xf32>
    %sub3A_53 = arith.subf %sub3A_51, %sub3A_52 : vector<64x128x128xf32>
    %abs3A_54 = math.absf %sub3A_53 : vector<64x128x128xf32>
    %reduce_sum3A_55 = arith.constant dense<0.000000e+00> : vector<64x128xf32>
    %reduce_sum3A_56 = vector.multi_reduction <add>, %abs3A_54, %reduce_sum3A_55 [2] : vector<64x128x128xf32> to vector<64x128xf32>
    %swap3A_57 = arith.constant 0 : index
    %swap3A_58 = arith.constant 0 : index
    %swap3A_59 = arith.constant 384 : index
    %swap3A_60 = vector.load %arg4[%swap3A_57, %swap3A_58, %swap3A_59] : memref<1x64x512xf32, #tpu.memory_space<vmem>>, vector<1x64x128xf32>
    %swap3A_61 = vector.shape_cast %swap3A_60 : vector<1x64x128xf32> to vector<64x128xf32>
    %swap3A_62 = vector.shape_cast %reduce_sum3A_56 : vector<64x128xf32> to vector<1x64x128xf32>
    tpu.vector_store %arg4[%swap3A_57, %swap3A_58, %swap3A_59], %swap3A_62 {strides = array<i32>} : memref<1x64x512xf32, #tpu.memory_space<vmem>>, vector<1x64x128xf32>,
    return
  }
  func.func @transform_0(%arg0: i32, %arg1: i32) -> (i32, i32, i32) {
    %c0_i32 = arith.constant 0 : i32
    %c0_i32_0 = arith.constant 0 : i32
    %c0_i32_1 = arith.constant 0 : i32
    return %arg0, %c0_i32, %c0_i32_0 : i32, i32, i32
  }
  func.func @transform_1(%arg0: i32, %arg1: i32) -> (i32, i32, i32) {
    %c0_i32 = arith.constant 0 : i32
    %c0_i32_0 = arith.constant 0 : i32
    return %arg0, %arg1, %c0_i32 : i32, i32, i32
  }
  func.func @transform_2(%arg0: i32, %arg1: i32) -> (i32, i32, i32) {
    %c0_i32 = arith.constant 0 : i32
    %c0_i32_0 = arith.constant 0 : i32
    return %arg0, %arg1, %c0_i32 : i32, i32, i32
  }
}

</mosaic_0001>

<sc_bundles>
// kernel: kernel.18.cloned.1.call-start
scs
__scs_entry_jumppad:
0x0: {  	(pc) =	sbr.rel $0x88, $3  }
0x1: {  	(tag) =	ssettag $0x0;
	lr =	simm.s32 $0x1  }
0x2: {  	[smem:$0x3F91] =	sst lr;
	_ =	strace $0xD0000000  }
0x3: {  	_ = 	snop  }
0x4: {  	_ = 	snop  }
0x5: {  	_ = 	snop  }
0x6: {  	_ = 	snop  }
0x7: {  	_ = 	snop  }
__scs_overlays_trampoline_lowered:
0x8: {  	[smem:$0x3FA0] =	sst s0  }
0x9: {  	[smem:$0x3FA1] =	sst s1  }
0xa: {  	[smem:$0x3FA2] =	sst s2  }
0xb: {  	[smem:$0x3FA3] =	sst s3  }
0xc: {  	[smem:$0x3FA4] =	sst s4  }
0xd: {  	[smem:$0x3FA5] =	sst s5  }
0xe: {  	[smem:$0x3FA6] =	sst s6  }
0xf: {  	[smem:$0x3FA7] =	sst s7  }
0x10: {  	[smem:$0x3FA8] =	sst s8  }
0x11: {  	[smem:$0x3FA9] =	sst s9;
	s0 =	simm.s32 @!p0 $0x0  }
0x12: {  	s1 =	sld [smem:$0x3F8F];
	s0 =	simm.s32 @p0 $0x1  }
0x13: {  	[smem:$0x3FAA] =	sst s0;
	s0 =	simm.s32 @!p1 $0x0  }
0x14: {  	s2 =	sld [smem:$0x3F8E];
	s0 =	simm.s32 @p1 $0x1  }
0x15: {  	[smem:$0x3FAB] =	sst s0;
	s0 =	simm.s32 @!p2 $0x0  }
0x16: {  	s3 =	sld [smem:$0x3FDB];
	s0 =	simm.s32 @p2 $0x1  }
0x17: {  	s4 =	simm.s32 $0x1BF5;
	[smem:$0x3FAD] =	sst s0  }
0x18: {  	s0 =	sld [smem:$0x3F90];
	_ =	swait.ge [sflag:s4], $0x0  }
0x19: {  	s7 =	sld [smem:$0x3F91]  }
0x1a: {  	s8 =	sadd.s32 $0xFFFFE003, lr  }
0x1b: {  	s9 =	sadd.s32 $0xFFFFFEF7, lr;
	s5 =	simm.s32 $0xFFFFFFFF;
	p2 =	slt.u32 s8, $0xFFFFF086  }
0x1c: {  	p1 =	slt.u32 s9, $0xF7A;
	s5 =	simm.s32 @!p2 $0x0  }
0x1d: {  	s5 =	simm.s32 @p1 $0x1;
	p0 =	seq.s32 s7, s2  }
0x1e: {  	s7 =	smul.u32 @!p0 $0xF7A, s2;
	p2 =	seq.s32 @!p0 s5, $0x0  }
0x1f: {  	s9 =	smul.u32 $0xF7A, s1;
	s8 =	simm.s32 @!p0 $0x1BF5;
	p2 =	por !p2, p0  }
0x20: {  	[sflag:s8] =	ssyncset.s32 @!p0 $0xFFFFF086;
	s6 =	sadd.s32 @!p0 s3, s7;
	s7 =	simm.s32 @!p0 $0x108  }
0x21: {  	s3 =	sadd.s32 s3, s9;
	s6 =	sadd.s32 @!p0 $0x88, s6;
	s7 =	simm.s32 @p2 $0x1082  }
0x22: {  	[simem:s7], [sflag:s8] =	dma.local @!p0 [hbm:s6], $0xF7A  }
0x23: {  	s9 =	sor.u32 $0xD0000000, s2;
	s6 =	simm.s32 $0x108;
	_ =	swait.ge @!p0 [sflag:s8], $0x0  }
0x24: {  	s3 =	sadd.s32 $0x88, s3;
	s6 =	simm.s32 @!p1 $0x1082;
	[sflag:s4] =	ssyncset.s32 $0xFFFFF086  }
0x25: {  	[simem:s6], [sflag:s4] =	dma.local [hbm:s3], $0xF7A  }
0x26: {  	[smem:$0x3F91] =	sst s1;
	(tag) =	ssettag s2;
	_ =	strace s9  }
0x27: {  	s1 =	sld [smem:$0x3FA1]  }
0x28: {  	s2 =	sld [smem:$0x3FA2]  }
0x29: {  	s4 =	sld [smem:$0x3FA4]  }
0x2a: {  	p0 =	seq.s32 s5, $0x0;
	s5 =	sld [smem:$0x3FA5]  }
0x2b: {  	s6 =	sld [smem:$0x3FA6]  }
0x2c: {  	s7 =	sld [smem:$0x3FA7]  }
0x2d: {  	s3 =	simm.s32 $0x108;
	s8 =	sld [smem:$0x3FA8]  }
0x2e: {  	s3 =	simm.s32 @!p0 $0x1082;
	s9 =	sld [smem:$0x3FA9]  }
0x2f: {  	lr =	sadd.s32 s0, s3;
	s0 =	sld [smem:$0x3FA0]  }
0x30: {  	s3 =	sld [smem:$0x3FA3]  }
0x31: {  	[smem:$0x3FAC] =	sst s10  }
0x32: {  	s10 =	sld [smem:$0x3FAA];
	_ =	sdelay $0x3  }
0x33: {  	p0 =	seq.s32 s10, $0x1;
	s10 =	sld [smem:$0x3FAC];
	_ =	sdelay $0x3  }
0x34: {  	[smem:$0x3FAC] =	sst s10  }
0x35: {  	s10 =	sld [smem:$0x3FAB];
	_ =	sdelay $0x3  }
0x36: {  	p1 =	seq.s32 s10, $0x1;
	s10 =	sld [smem:$0x3FAC];
	_ =	sdelay $0x3  }
0x37: {  	[smem:$0x3FAC] =	sst s10  }
0x38: {  	s10 =	sld [smem:$0x3FAD]  }
0x39: {  	_ = 	snop;
	(pc) =	sbr.ind lr, $3  }
0x3a: {  	_ = 	snop  }
0x3b: {  	_ = 	snop  }
0x3c: {  	p2 =	seq.s32 s10, $0x1;
	s10 =	sld [smem:$0x3FAC]  }
0x3d: {  	_ =	shalt  }
0x3e: {  	_ =	shalt  }
0x3f: {  	_ =	shalt  }
0x40: {  	_ =	shalt  }
0x41: {  	_ =	shalt  }
0x42: {  	_ =	shalt  }
0x43: {  	_ =	shalt  }
0x44: {  	_ =	shalt  }
0x45: {  	_ =	shalt  }
0x46: {  	_ =	shalt  }
0x47: {  	_ =	shalt  }
0x48: {  	_ =	shalt  }
0x49: {  	_ =	shalt  }
0x4a: {  	_ =	shalt  }
0x4b: {  	_ =	shalt  }
0x4c: {  	_ =	shalt  }
0x4d: {  	_ =	shalt  }
0x4e: {  	_ =	shalt  }
0x4f: {  	_ =	shalt  }
0x50: {  	_ =	shalt  }
0x51: {  	_ =	shalt  }
0x52: {  	_ =	shalt  }
0x53: {  	_ =	shalt  }
0x54: {  	_ =	shalt  }
0x55: {  	_ =	shalt  }
0x56: {  	_ =	shalt  }
0x57: {  	_ =	shalt  }
0x58: {  	_ =	shalt  }
0x59: {  	_ =	shalt  }
0x5a: {  	_ =	shalt  }
0x5b: {  	_ =	shalt  }
0x5c: {  	_ =	shalt  }
0x5d: {  	_ =	shalt  }
0x5e: {  	_ =	shalt  }
0x5f: {  	_ =	shalt  }
0x60: {  	_ =	shalt  }
0x61: {  	_ =	shalt  }
0x62: {  	_ =	shalt  }
0x63: {  	_ =	shalt  }
0x64: {  	_ =	shalt  }
0x65: {  	_ =	shalt  }
0x66: {  	_ =	shalt  }
0x67: {  	_ =	shalt  }
0x68: {  	_ =	shalt  }
0x69: {  	_ =	shalt  }
0x6a: {  	_ =	shalt  }
0x6b: {  	_ =	shalt  }
0x6c: {  	_ =	shalt  }
0x6d: {  	_ =	shalt  }
0x6e: {  	_ =	shalt  }
0x6f: {  	_ =	shalt  }
0x70: {  	_ =	shalt  }
0x71: {  	_ =	shalt  }
0x72: {  	_ =	shalt  }
0x73: {  	_ =	shalt  }
0x74: {  	_ =	shalt  }
0x75: {  	_ =	shalt  }
0x76: {  	_ =	shalt  }
0x77: {  	_ =	shalt  }
0x78: {  	_ =	shalt  }
0x79: {  	_ =	shalt  }
0x7a: {  	_ =	shalt  }
0x7b: {  	_ =	shalt  }
0x7c: {  	_ =	shalt  }
0x7d: {  	_ =	shalt  }
0x7e: {  	_ =	shalt  }
0x7f: {  	_ =	shalt  }
0x80: {  	_ =	shalt  }
0x81: {  	_ =	shalt  }
0x82: {  	_ =	shalt  }
0x83: {  	_ =	shalt  }
0x84: {  	_ =	shalt  }
0x85: {  	_ =	shalt  }
0x86: {  	_ =	shalt  }
0x87: {  	_ =	shalt  }
.Lfunc_end0:
.L_simem_size_0:
called_computation_lowered:
.L_overlay_start_0:
0x88: {  	s2 =	sld [smem:$0x3FD9]  }
0x89: {  	s3 =	sld [smem:$0x3FFE];
	_ =	sdelay $0x1  }
0x8a: {  	s1 =	srdreg.scid  }
0x8b: {  	s0 =	sand.u32 $0x1, s1  }
0x8c: {  	s16 =	sshll.u32 s0, $0xA;
	s2 =	sadd.s32 s3, s2  }
0x8d: {  	s2 =	sadd.s32 s2, s16  }
0x8e: {  	[smem:$0x3FB8] =	sst s2  }
0x8f: {  	_ = 	snop  }
0x90: {  	(tm) =	ssettm $0x1  }
0x91: {  	s17 =	sld [smem:$0x3FFB];
	_ =	sdelay $0x3  }
0x92: {  	_ =	strace s17  }
0x93: {  	s2 =	sld [smem:$0x3FFC];
	_ =	sdelay $0x3  }
0x94: {  	_ =	strace s2  }
0x95: {  	s2 =	sld [smem:$0x3FFD];
	_ =	sdelay $0x3  }
0x96: {  	_ =	strace s2  }
0x97: {  	_ =	strace $0x8FFFFFFF  }
0x98: {  	s18 =	sld [smem:$0x3FDB];
	_ =	sdelay $0x1  }
0x99: {  	s19 =	simm.s32 $_scs_section_size  }
0x9a: {  	s4 =	simm.s32 $_size__tile_overlayer_lowered;
	s5 =	simm.s32 $_tile_overlayer_lowered  }
0x9b: {  	s22 =	simm.s32 $0x1BFF;
	s21 =	sshll.u32 s5, $0x1;
	s2 =	sadd.s32 s19, s18  }
0x9c: {  	s6 =	simm.s32 $0x0;
	s20 =	sshll.u32 s4, $0x1;
	s4 =	sadd.s32 s21, s2  }
0x9d: {  	[timem:s6], [sflag:s22] =	dma.local [hbm:s4], s20  }
0x9e: {  	_ =	swait.ge [sflag:s22], s20  }
0x9f: {  	s3 =	ssub.s32 $0x0, s20;
	[sflag:s22] =	ssyncset.done $0x0  }
0xa0: {  	[sflag:s22] =	ssyncadd.s32 s3;
	_ =	sdelay $0x1  }
0xa1: {  	s23 =	simm.s32 $0x1B8B  }
0xa2: {  	_ =	swait.ge [sflag:s23], $0x1  }
0xa3: {  	[sflag:s23] =	ssyncset.done $0x0  }
0xa4: {  	s25 =	simm.s32 $0x1B8E;
	s24 =	sld [smem:$0x3FFE];
	[sflag:s23] =	ssyncadd.s32 $0xFFFFFFFF  }
0xa5: {  	s26 =	simm.s32 $execute0_lowered;
	[smem:$0x3FD2] =	sst s25  }
0xa6: {  	s4 =	sshll.u32 s26, $0x1;
	_ =	strace $0x80000046;
	[dreg:$0x1] =	wrdreg $0xFFFFFFFF  }
0xa7: {  	s28 =	simm.s32 $_size_execute0_lowered;
	s2 =	sadd.s32 s2, s4;
	[dreg:$0x0] =	wrdreg $0x0  }
0xa8: {  	s4 =	sshll.u32 s28, $0x1;
	[dreg:$0x2] =	wrdreg s2  }
0xa9: {  	[dreg:$0x3] =	wrdreg s4  }
0xaa: {  	[dreg:$0x4] =	wrdreg $0xC0  }
0xab: {  	_ =	task [dreg:s6], $0x5FFFF  }
0xac: {  	[dreg:$0x1] =	wrdreg $0xFFFFFFFF  }
0xad: {  	[dreg:$0x0] =	wrdreg $0x60  }
0xae: {  	[dreg:$0x2] =	wrdreg s24  }
0xaf: {  	[dreg:$0x3] =	wrdreg $0x9  }
0xb0: {  	_ =	task.clear_ibuf [dreg:s6], $0x4FFFF;
	_ =	strace $0x90000046  }
0xb1: {  	s29 =	simm.s32 $0x9;
	_ =	strace $0x80000048  }
0xb2: {  	_ =	swait.ge [sflag:s29], $0x1  }
0xb3: {  	[sflag:s29] =	ssyncadd.s32 $0xFFFFFFFF  }
0xb4: {  	_ =	strace $0x90000048  }
0xb5: {  	_ =	sfence  }
0xb6: {  	s30 =	sld [smem:$0x0];
	_ =	sdelay $0x2  }
0xb7: {  	s31 =	sshll.u32 s1, $0xD;
	s1 =	sshrl.u32 s1, $0x2  }
0xb8: {  	s3 =	sand.u32 $0x4000, s31;
	s1 =	sadd.s32 s1, s30  }
0xb9: {  	s0 =	sor.u32 s3, s0;
	s1 =	sshll.u32 s1, $0x11  }
0xba: {  	s0 =	sor.u32 s1, s0  }
0xbb: {  	s0 =	sadd.s32 $0x8F2B, s0  }
0xbc: {  	[sflag:s0] =	ssyncadd.remote.s32 $0x1  }
0xbd: {  	_ =	sfence.sel $0xFFFF  }
0xbe: {  	[dreg:$0x0] =	wrdreg $0xFFFFFFFF;
	(pc) =	sbr.abs _section_cstart, $3  }
0xbf: {  	[dreg:$0x1] =	wrdreg $0xFFFFFFFF  }
0xc0: {  	_ =	task.clear_ibuf [dreg:s6], $0x2FFFF;
	_ =	strace $0x9FFFFFFF  }
0xc1: {  	(tm) =	ssettm $0x7FFFFFFF  }
tec
execute0_lowered:
.L_overlay_start_1:
0x0: {  	(tag) =	ssettag $0x1  }
0x1: {  	s4 =	rddreg [dreg:$0x0];
	s2 =	srdreg.scid  }
0x2: {  	s0 =	rddreg [dreg:$0x1];
	s1 =	stileid.u32  }
0x3: {  	s9 =	simm.s32 $0x2000;
	s10 =	simm.s32 $0x6000;
	s11 =	simm.s32 $0x1  }
0x4: {  	s12 =	simm.s32 $0x2;
	s13 =	simm.s32 $0x0;
	s5 =	sand.u32 $0x1, s2  }
0x5: {  	s2 =	simm.s32 $0x0;
	s3 =	sshll.u32 s1, $0xE;
	s7 =	sshll.u32 s1, $0x12  }
0x6: {  	s6 =	sshll.u32 s5, $0xD;
	[smem:$0x7FF] =	sst s2;
	s8 =	ssub.s32 $0x2, s5  }
0x7: {  	s7 =	sadd.s32 s7, s4;
	s5 =	sshll.u32 s5, $0x11;
	s6 =	sor.u32 s6, s3  }
0x8: {  	_ =	strace $0x80000047;
	s3 =	sadd.s32 $0x40F400, s4;
	s30 =	sshrl.u32 s8, $0x1  }
0x9: {  	s31 =	sadd.s32 s5, s7;
	s6 =	sshrl.u32 s6, $0x3;
	s8 =	ssub.s32 s8, s30  }
0xa: {  	s7 =	simm.s32 $0x3;
	s6 =	sadd.s32 s6, s4;
	s5 =	smax.u32 s8, $0x1  }
0xb: {  	s8 =	simm.s32 $0x80;
	s4 =	sadd.s32 $0x5200, s6;
	s6 =	sadd.s32 $0x411C00, s31  }
.LBB2_1:
0xc: {  	[tilespmem:s2], [sflag:$0x3] =	stream.linear.gather [hbm4b:s4+s2], $0x2000, $0x38;
	[tilespmem:$0xA000] =	vst v63  }
0xd: {  	_ =	swait.ge [sflag:s7], $0x2000  }
0xe: {  	[sflag:s7] =	ssyncset.done $0x0  }
0xf: {  	s14 =	simm.s32 $0x0;
	[sflag:s7] =	ssyncadd.s32 $0xFFFFE000  }
0x10: {  	[tilespmem:s9], [sflag:$0x1] =	stream.indirect.gather [hbm4b:s3+s8], $0x80, s14, s8, $0xb8;
	[tilespmem:$0xA000] =	vst v63  }
0x11: {  	s30 =	simm.s32 $0x80  }
0x12: {  	[tilespmem:s10], [sflag:$0x2] =	stream.indirect.gather [hbm4b:s3+s8], $0x80, s30, s8, $0xb8;
	[tilespmem:$0xA000] =	vst v63  }
0x13: {  	_ =	swait.ge [sflag:s11], $0x4000  }
0x14: {  	[sflag:s11] =	ssyncset.done $0x0  }
0x15: {  	s31 =	sadd.s32 $0xFFFFF800, s6;
	[sflag:s11] =	ssyncadd.s32 $0xFFFFC000  }
0x16: {  	[hbm4b:s31+s2] =	stream.linear.scatter [tilespmem:s9], [sflag:$0x3], $0x4000, $0x38;
	[tilespmem:$0xA000] =	vst v63  }
0x17: {  	_ =	swait.ge [sflag:s7], $0x4000  }
0x18: {  	[sflag:s7] =	ssyncset.done $0x0  }
0x19: {  	[sflag:s7] =	ssyncadd.s32 $0xFFFFC000  }
0x1a: {  	_ =	swait.ge [sflag:s12], $0x4000  }
0x1b: {  	[sflag:s12] =	ssyncset.done $0x0  }
0x1c: {  	[sflag:s12] =	ssyncadd.s32 $0xFFFFC000  }
0x1d: {  	[hbm4b:s6+s2] =	stream.linear.scatter [tilespmem:s10], [sflag:$0x3], $0x4000, $0x38;
	[tilespmem:$0xA000] =	vst v63  }
0x1e: {  	s15 =	simm.s32 $0x400;
	_ =	swait.ge [sflag:s7], $0x4000  }
0x1f: {  	s16 =	simm.s32 $0x800;
	s14 =	sadd.s32 $0x1000, s6;
	[sflag:s7] =	ssyncset.done $0x0  }
.LBB2_2:
0x20: {  	s17 =	sshra.s32 s15, $0x2  }
0x21: {  	[sflag:s7] =	ssyncadd.s32 $0xFFFFC000;
	s15 =	smov.u32 s16;
	s18 =	sadd.s32 $0x400, s16  }
0x22: {  	[tilespmem:s9], [sflag:$0x1] =	stream.indirect.gather [hbm4b:s3+s8], $0x80, s17, s8, $0xb8;
	[tilespmem:$0xA000] =	vst v63  }
0x23: {  	p0 =	sne.s32 s16, $0x7C00;
	s16 =	sadd.s32 $0x80, s17  }
0x24: {  	[tilespmem:s10], [sflag:$0x2] =	stream.indirect.gather [hbm4b:s3+s8], $0x80, s16, s8, $0xb8;
	[tilespmem:$0xA000] =	vst v63  }
0x25: {  	_ =	swait.ge [sflag:s11], $0x4000  }
0x26: {  	[sflag:s11] =	ssyncset.done $0x0  }
0x27: {  	s16 =	sadd.s32 $0xFFFFF800, s14;
	[sflag:s11] =	ssyncadd.s32 $0xFFFFC000  }
0x28: {  	[hbm4b:s16+s2] =	stream.linear.scatter [tilespmem:s9], [sflag:$0x3], $0x4000, $0x38;
	[tilespmem:$0xA000] =	vst v63  }
0x29: {  	_ =	swait.ge [sflag:s7], $0x4000  }
0x2a: {  	[sflag:s7] =	ssyncset.done $0x0  }
0x2b: {  	[sflag:s7] =	ssyncadd.s32 $0xFFFFC000  }
0x2c: {  	_ =	swait.ge [sflag:s12], $0x4000  }
.Ltmp0:
0x2d: {  	[sflag:s12] =	ssyncset.done $0x0;
	(pc) =	sbr.rel @p0 .LBB2_2-.Ltmp0, $4  }
0x2e: {  	[sflag:s12] =	ssyncadd.s32 $0xFFFFC000  }
0x2f: {  	[hbm4b:s14+s2] =	stream.linear.scatter [tilespmem:s10], [sflag:$0x3], $0x4000, $0x38;
	[tilespmem:$0xA000] =	vst v63  }
0x30: {  	_ =	swait.ge [sflag:s7], $0x4000  }
0x31: {  	s16 =	smov.u32 s18;
	s14 =	sadd.s32 $0x1000, s14;
	[sflag:s7] =	ssyncset.done $0x0  }
0x32: {  	s15 =	sshra.s32 s15, $0x2;
	[sflag:s7] =	ssyncadd.s32 $0xFFFFC000  }
0x33: {  	[tilespmem:s9], [sflag:$0x1] =	stream.indirect.gather [hbm4b:s3+s8], $0x80, s15, s8, $0xb8;
	[tilespmem:$0xA000] =	vst v63  }
0x34: {  	s15 =	sadd.s32 $0x80, s15  }
0x35: {  	[tilespmem:s10], [sflag:$0x2] =	stream.indirect.gather [hbm4b:s3+s8], $0x80, s15, s8, $0xb8;
	[tilespmem:$0xA000] =	vst v63  }
0x36: {  	_ =	swait.ge [sflag:s11], $0x4000  }
0x37: {  	[sflag:s11] =	ssyncset.done $0x0  }
0x38: {  	s31 =	sadd.s32 $0xFFFFF800, s14;
	[sflag:s11] =	ssyncadd.s32 $0xFFFFC000  }
0x39: {  	[hbm4b:s31+s2] =	stream.linear.scatter [tilespmem:s9], [sflag:$0x3], $0x4000, $0x38;
	[tilespmem:$0xA000] =	vst v63  }
0x3a: {  	_ =	swait.ge [sflag:s7], $0x4000  }
0x3b: {  	[sflag:s7] =	ssyncset.done $0x0  }
0x3c: {  	[sflag:s7] =	ssyncadd.s32 $0xFFFFC000  }
0x3d: {  	s13 =	sadd.s32 $0x1, s13;
	_ =	swait.ge [sflag:s12], $0x4000  }
0x3e: {  	p0 =	sne.s32 s13, s5;
	[sflag:s12] =	ssyncset.done $0x0  }
.Ltmp1:
0x3f: {  	[sflag:s12] =	ssyncadd.s32 $0xFFFFC000;
	(pc) =	sbr.rel @p0 .LBB2_1-.Ltmp1, $4  }
0x40: {  	[hbm4b:s14+s2] =	stream.linear.scatter [tilespmem:s10], [sflag:$0x3], $0x4000, $0x38;
	[tilespmem:$0xA000] =	vst v63  }
0x41: {  	_ =	swait.ge [sflag:s7], $0x4000  }
0x42: {  	[sflag:s7] =	ssyncset.done $0x0  }
0x43: {  	[sflag:s7] =	ssyncadd.s32 $0xFFFFC000  }
0x44: {  	_ =	sfence.sel $0x180000  }
0x45: {  	[bflag:$0x0] =	sbarrier.arrive $0xFFFF  }
0x46: {  	p0 =	sne.s32 s1, $0x0;
	_ =	strace $0x90000047  }
0x47: {  	s0 =	sadd.s32 @!p0 $0x100000, s0;
	[bflag:$0x2] =	sbarrier.arrive $0xFFFF  }
0x48: {  	[sflag:s0] =	ssyncadd.tile.s32 @!p0 $0x1;
	_ =	shalt  }
.Lfunc_end2:
_tile_overlayer_lowered:
.L_overlay_start_2:
0x49: {  	(tag) =	ssettag $0x2  }
0x4a: {  	s0 =	rddreg [dreg:$0x0];
	s2 =	stileid.u32  }
0x4b: {  	s1 =	rddreg [dreg:$0x1];
	p0 =	sne.s32 s2, $0x0  }
0x4c: {  	s3 =	rddreg [dreg:$0x2];
	[bflag:$0x3] =	sbarrier.arrive $0xFFFF;
	s2 =	simm.s32 @!p0 $0x1C03  }
0x4d: {  	[timem:s3], [sflag:s2] =	dma.local @!p0 [hbm:s0], s1  }
0x4e: {  	s0 =	simm.s32 @!p0 $0x3  }
0x4f: {  	_ =	swait.ge @!p0 [sflag:s0], s1  }
0x50: {  	s1 =	ssub.s32 @!p0 $0x0, s1;
	[sflag:s0] =	ssyncset.done @!p0 $0x0  }
0x51: {  	[sflag:s0] =	ssyncadd.s32 @!p0 s1  }
0x52: {  	[bflag:$0x3] =	sbarrier.arrive $0xFFFF  }
0x53: {  	_ =	shalt  }

// kernel: kernel.21.cloned.1.call-start
scs
__scs_entry_jumppad:
0x0: {  	(pc) =	sbr.rel $0x88, $3  }
0x1: {  	(tag) =	ssettag $0x0;
	lr =	simm.s32 $0x1  }
0x2: {  	[smem:$0x3F91] =	sst lr;
	_ =	strace $0xD0000000  }
0x3: {  	_ = 	snop  }
0x4: {  	_ = 	snop  }
0x5: {  	_ = 	snop  }
0x6: {  	_ = 	snop  }
0x7: {  	_ = 	snop  }
__scs_overlays_trampoline_lowered:
0x8: {  	[smem:$0x3FA0] =	sst s0  }
0x9: {  	[smem:$0x3FA1] =	sst s1  }
0xa: {  	[smem:$0x3FA2] =	sst s2  }
0xb: {  	[smem:$0x3FA3] =	sst s3  }
0xc: {  	[smem:$0x3FA4] =	sst s4  }
0xd: {  	[smem:$0x3FA5] =	sst s5  }
0xe: {  	[smem:$0x3FA6] =	sst s6  }
0xf: {  	[smem:$0x3FA7] =	sst s7  }
0x10: {  	[smem:$0x3FA8] =	sst s8  }
0x11: {  	[smem:$0x3FA9] =	sst s9;
	s0 =	simm.s32 @!p0 $0x0  }
0x12: {  	s1 =	sld [smem:$0x3F8F];
	s0 =	simm.s32 @p0 $0x1  }
0x13: {  	[smem:$0x3FAA] =	sst s0;
	s0 =	simm.s32 @!p1 $0x0  }
0x14: {  	s2 =	sld [smem:$0x3F8E];
	s0 =	simm.s32 @p1 $0x1  }
0x15: {  	[smem:$0x3FAB] =	sst s0;
	s0 =	simm.s32 @!p2 $0x0  }
0x16: {  	s3 =	sld [smem:$0x3FDB];
	s0 =	simm.s32 @p2 $0x1  }
0x17: {  	s4 =	simm.s32 $0x1BF5;
	[smem:$0x3FAD] =	sst s0  }
0x18: {  	s0 =	sld [smem:$0x3F90];
	_ =	swait.ge [sflag:s4], $0x0  }
0x19: {  	s7 =	sld [smem:$0x3F91]  }
0x1a: {  	s8 =	sadd.s32 $0xFFFFE003, lr  }
0x1b: {  	s9 =	sadd.s32 $0xFFFFFEF7, lr;
	s5 =	simm.s32 $0xFFFFFFFF;
	p2 =	slt.u32 s8, $0xFFFFF086  }
0x1c: {  	p1 =	slt.u32 s9, $0xF7A;
	s5 =	simm.s32 @!p2 $0x0  }
0x1d: {  	s5 =	simm.s32 @p1 $0x1;
	p0 =	seq.s32 s7, s2  }
0x1e: {  	s7 =	smul.u32 @!p0 $0xF7A, s2;
	p2 =	seq.s32 @!p0 s5, $0x0  }
0x1f: {  	s9 =	smul.u32 $0xF7A, s1;
	s8 =	simm.s32 @!p0 $0x1BF5;
	p2 =	por !p2, p0  }
0x20: {  	[sflag:s8] =	ssyncset.s32 @!p0 $0xFFFFF086;
	s6 =	sadd.s32 @!p0 s3, s7;
	s7 =	simm.s32 @!p0 $0x108  }
0x21: {  	s3 =	sadd.s32 s3, s9;
	s6 =	sadd.s32 @!p0 $0x88, s6;
	s7 =	simm.s32 @p2 $0x1082  }
0x22: {  	[simem:s7], [sflag:s8] =	dma.local @!p0 [hbm:s6], $0xF7A  }
0x23: {  	s9 =	sor.u32 $0xD0000000, s2;
	s6 =	simm.s32 $0x108;
	_ =	swait.ge @!p0 [sflag:s8], $0x0  }
0x24: {  	s3 =	sadd.s32 $0x88, s3;
	s6 =	simm.s32 @!p1 $0x1082;
	[sflag:s4] =	ssyncset.s32 $0xFFFFF086  }
0x25: {  	[simem:s6], [sflag:s4] =	dma.local [hbm:s3], $0xF7A  }
0x26: {  	[smem:$0x3F91] =	sst s1;
	(tag) =	ssettag s2;
	_ =	strace s9  }
0x27: {  	s1 =	sld [smem:$0x3FA1]  }
0x28: {  	s2 =	sld [smem:$0x3FA2]  }
0x29: {  	s4 =	sld [smem:$0x3FA4]  }
0x2a: {  	p0 =	seq.s32 s5, $0x0;
	s5 =	sld [smem:$0x3FA5]  }
0x2b: {  	s6 =	sld [smem:$0x3FA6]  }
0x2c: {  	s7 =	sld [smem:$0x3FA7]  }
0x2d: {  	s3 =	simm.s32 $0x108;
	s8 =	sld [smem:$0x3FA8]  }
0x2e: {  	s3 =	simm.s32 @!p0 $0x1082;
	s9 =	sld [smem:$0x3FA9]  }
0x2f: {  	lr =	sadd.s32 s0, s3;
	s0 =	sld [smem:$0x3FA0]  }
0x30: {  	s3 =	sld [smem:$0x3FA3]  }
0x31: {  	[smem:$0x3FAC] =	sst s10  }
0x32: {  	s10 =	sld [smem:$0x3FAA];
	_ =	sdelay $0x3  }
0x33: {  	p0 =	seq.s32 s10, $0x1;
	s10 =	sld [smem:$0x3FAC];
	_ =	sdelay $0x3  }
0x34: {  	[smem:$0x3FAC] =	sst s10  }
0x35: {  	s10 =	sld [smem:$0x3FAB];
	_ =	sdelay $0x3  }
0x36: {  	p1 =	seq.s32 s10, $0x1;
	s10 =	sld [smem:$0x3FAC];
	_ =	sdelay $0x3  }
0x37: {  	[smem:$0x3FAC] =	sst s10  }
0x38: {  	s10 =	sld [smem:$0x3FAD]  }
0x39: {  	_ = 	snop;
	(pc) =	sbr.ind lr, $3  }
0x3a: {  	_ = 	snop  }
0x3b: {  	_ = 	snop  }
0x3c: {  	p2 =	seq.s32 s10, $0x1;
	s10 =	sld [smem:$0x3FAC]  }
0x3d: {  	_ =	shalt  }
0x3e: {  	_ =	shalt  }
0x3f: {  	_ =	shalt  }
0x40: {  	_ =	shalt  }
0x41: {  	_ =	shalt  }
0x42: {  	_ =	shalt  }
0x43: {  	_ =	shalt  }
0x44: {  	_ =	shalt  }
0x45: {  	_ =	shalt  }
0x46: {  	_ =	shalt  }
0x47: {  	_ =	shalt  }
0x48: {  	_ =	shalt  }
0x49: {  	_ =	shalt  }
0x4a: {  	_ =	shalt  }
0x4b: {  	_ =	shalt  }
0x4c: {  	_ =	shalt  }
0x4d: {  	_ =	shalt  }
0x4e: {  	_ =	shalt  }
0x4f: {  	_ =	shalt  }
0x50: {  	_ =	shalt  }
0x51: {  	_ =	shalt  }
0x52: {  	_ =	shalt  }
0x53: {  	_ =	shalt  }
0x54: {  	_ =	shalt  }
0x55: {  	_ =	shalt  }
0x56: {  	_ =	shalt  }
0x57: {  	_ =	shalt  }
0x58: {  	_ =	shalt  }
0x59: {  	_ =	shalt  }
0x5a: {  	_ =	shalt  }
0x5b: {  	_ =	shalt  }
0x5c: {  	_ =	shalt  }
0x5d: {  	_ =	shalt  }
0x5e: {  	_ =	shalt  }
0x5f: {  	_ =	shalt  }
0x60: {  	_ =	shalt  }
0x61: {  	_ =	shalt  }
0x62: {  	_ =	shalt  }
0x63: {  	_ =	shalt  }
0x64: {  	_ =	shalt  }
0x65: {  	_ =	shalt  }
0x66: {  	_ =	shalt  }
0x67: {  	_ =	shalt  }
0x68: {  	_ =	shalt  }
0x69: {  	_ =	shalt  }
0x6a: {  	_ =	shalt  }
0x6b: {  	_ =	shalt  }
0x6c: {  	_ =	shalt  }
0x6d: {  	_ =	shalt  }
0x6e: {  	_ =	shalt  }
0x6f: {  	_ =	shalt  }
0x70: {  	_ =	shalt  }
0x71: {  	_ =	shalt  }
0x72: {  	_ =	shalt  }
0x73: {  	_ =	shalt  }
0x74: {  	_ =	shalt  }
0x75: {  	_ =	shalt  }
0x76: {  	_ =	shalt  }
0x77: {  	_ =	shalt  }
0x78: {  	_ =	shalt  }
0x79: {  	_ =	shalt  }
0x7a: {  	_ =	shalt  }
0x7b: {  	_ =	shalt  }
0x7c: {  	_ =	shalt  }
0x7d: {  	_ =	shalt  }
0x7e: {  	_ =	shalt  }
0x7f: {  	_ =	shalt  }
0x80: {  	_ =	shalt  }
0x81: {  	_ =	shalt  }
0x82: {  	_ =	shalt  }
0x83: {  	_ =	shalt  }
0x84: {  	_ =	shalt  }
0x85: {  	_ =	shalt  }
0x86: {  	_ =	shalt  }
0x87: {  	_ =	shalt  }
.Lfunc_end0:
.L_simem_size_0:
called_computation.1_lowered:
.L_overlay_start_0:
0x88: {  	s2 =	sld [smem:$0x3FD9]  }
0x89: {  	s3 =	sld [smem:$0x3FFE];
	_ =	sdelay $0x1  }
0x8a: {  	s1 =	srdreg.scid  }
0x8b: {  	s0 =	sand.u32 $0x1, s1  }
0x8c: {  	s17 =	sshll.u32 s0, $0xA;
	s2 =	sadd.s32 s3, s2  }
0x8d: {  	s2 =	sadd.s32 s2, s17  }
0x8e: {  	[smem:$0x3FB8] =	sst s2  }
0x8f: {  	_ = 	snop  }
0x90: {  	s2 =	sld [smem:$0x3FD0];
	(tm) =	ssettm $0x1  }
0x91: {  	s18 =	sld [smem:$0x3FFB];
	_ =	sdelay $0x3  }
0x92: {  	_ =	strace s18  }
0x93: {  	s3 =	sld [smem:$0x3FFC];
	_ =	sdelay $0x3  }
0x94: {  	_ =	strace s3  }
0x95: {  	s3 =	sld [smem:$0x3FFD];
	_ =	sdelay $0x3  }
0x96: {  	_ =	strace s3  }
0x97: {  	_ =	strace $0x8FFFFFFF  }
0x98: {  	s19 =	sld [smem:$0x3FDB];
	_ =	sdelay $0x1  }
0x99: {  	s4 =	simm.s32 $_scs_section_size  }
0x9a: {  	s5 =	simm.s32 $_size__tile_overlayer_lowered;
	s6 =	simm.s32 $_tile_overlayer_lowered  }
0x9b: {  	s22 =	simm.s32 $0x1BFF;
	s21 =	sshll.u32 s6, $0x1;
	s3 =	sadd.s32 s4, s19  }
0x9c: {  	s7 =	simm.s32 $0x0;
	s20 =	sshll.u32 s5, $0x1;
	s5 =	sadd.s32 s21, s3  }
0x9d: {  	[timem:s7], [sflag:s22] =	dma.local [hbm:s5], s20  }
0x9e: {  	_ =	swait.ge [sflag:s22], s20  }
0x9f: {  	s4 =	ssub.s32 $0x0, s20;
	[sflag:s22] =	ssyncset.done $0x0  }
0xa0: {  	[sflag:s22] =	ssyncadd.s32 s4;
	_ =	sdelay $0x1  }
0xa1: {  	s23 =	simm.s32 $0x1B8B  }
0xa2: {  	_ =	swait.ge [sflag:s23], $0x1  }
0xa3: {  	[sflag:s23] =	ssyncset.done $0x0  }
0xa4: {  	s25 =	simm.s32 $0x1B8E;
	s24 =	sld [smem:$0x3FFE];
	[sflag:s23] =	ssyncadd.s32 $0xFFFFFFFF  }
0xa5: {  	s26 =	simm.s32 $execute0_lowered;
	[smem:$0x3FD2] =	sst s25  }
0xa6: {  	s5 =	sshll.u32 s26, $0x1;
	_ =	strace $0x80000049;
	[dreg:$0x1] =	wrdreg $0xFFFFFFFF  }
0xa7: {  	s28 =	simm.s32 $_size_execute0_lowered;
	s3 =	sadd.s32 s3, s5;
	[dreg:$0x0] =	wrdreg $0x0  }
0xa8: {  	s5 =	sshll.u32 s28, $0x1;
	[dreg:$0x2] =	wrdreg s3  }
0xa9: {  	[dreg:$0x3] =	wrdreg s5  }
0xaa: {  	[dreg:$0x4] =	wrdreg $0xC0  }
0xab: {  	_ =	task [dreg:s7], $0x5FFFF  }
0xac: {  	[dreg:$0x1] =	wrdreg $0xFFFFFFFF  }
0xad: {  	[dreg:$0x0] =	wrdreg $0x60  }
0xae: {  	[dreg:$0x2] =	wrdreg s24  }
0xaf: {  	[dreg:$0x3] =	wrdreg s2  }
0xb0: {  	[dreg:$0x4] =	wrdreg $0xA0000  }
0xb1: {  	[dreg:$0x5] =	wrdreg $0x9  }
0xb2: {  	_ =	task.clear_ibuf [dreg:s7], $0x6FFFF;
	_ =	strace $0x90000049  }
0xb3: {  	s29 =	simm.s32 $0x9;
	_ =	strace $0x8000004B  }
0xb4: {  	_ =	swait.ge [sflag:s29], $0x1  }
0xb5: {  	[sflag:s29] =	ssyncadd.s32 $0xFFFFFFFF  }
0xb6: {  	_ =	strace $0x9000004B  }
0xb7: {  	_ =	sfence  }
0xb8: {  	s30 =	sld [smem:$0x0];
	_ =	sdelay $0x2  }
0xb9: {  	s31 =	sshll.u32 s1, $0xD;
	s1 =	sshrl.u32 s1, $0x2  }
0xba: {  	s3 =	sand.u32 $0x4000, s31;
	s1 =	sadd.s32 s1, s30  }
0xbb: {  	s0 =	sor.u32 s3, s0;
	s1 =	sshll.u32 s1, $0x11  }
0xbc: {  	s0 =	sor.u32 s1, s0  }
0xbd: {  	s0 =	sadd.s32 $0x8F2B, s0  }
0xbe: {  	[sflag:s0] =	ssyncadd.remote.s32 $0x1  }
0xbf: {  	_ =	sfence.sel $0xFFFF  }
0xc0: {  	[dreg:$0x0] =	wrdreg $0xFFFFFFFF;
	(pc) =	sbr.abs _section_cstart, $3  }
0xc1: {  	[dreg:$0x1] =	wrdreg $0xFFFFFFFF  }
0xc2: {  	_ =	task.clear_ibuf [dreg:s7], $0x2FFFF;
	_ =	strace $0x9FFFFFFF  }
0xc3: {  	(tm) =	ssettm $0x7FFFFFFF  }
tec
execute0_lowered:
.L_overlay_start_1:
0x0: {  	(tag) =	ssettag $0x1  }
0x1: {  	s4 =	rddreg [dreg:$0x0]  }
0x2: {  	s5 =	rddreg [dreg:$0x1]  }
0x3: {  	s1 =	rddreg [dreg:$0x2]  }
0x4: {  	s0 =	rddreg [dreg:$0x3];
	s2 =	simm.s32 $0x0;
	s7 =	stileid.u32  }
0x5: {  	s6 =	srdreg.scid;
	s13 =	simm.s32 $0x80;
	s14 =	simm.s32 $0x2  }
0x6: {  	s15 =	simm.s32 $0x0;
	[smem:$0x7FF] =	sst s2;
	s3 =	sshll.u32 s7, $0x12  }
0x7: {  	s6 =	sand.u32 $0x1, s6;
	s11 =	sshll.u32 s7, $0xE;
	p0 =	sne.s32 s7, $0x0  }
0x8: {  	_ =	strace $0x8000004A;
	s8 =	sadd.s32 s3, s4;
	s9 =	sshll.u32 s6, $0xD  }
0x9: {  	s10 =	ssub.s32 $0x2, s6;
	s3 =	sadd.s32 $0x40F400, s4;
	s31 =	sshll.u32 s6, $0x11  }
0xa: {  	s12 =	sshrl.u32 s10, $0x1;
	s11 =	sor.u32 s9, s11;
	s9 =	sadd.s32 s9, s4  }
0xb: {  	s8 =	sadd.s32 s31, s8;
	s10 =	ssub.s32 s10, s12;
	s30 =	sshrl.u32 s11, $0x3  }
0xc: {  	s7 =	sadd.s32 $0xDA00, s8;
	s8 =	sshrl.u32 @!p0 s1, $0x3;
	s11 =	simm.s32 $0x6000  }
0xd: {  	s12 =	simm.s32 $0x1;
	s4 =	sadd.s32 s5, s30;
	s5 =	sadd.s32 $0x411400, s9  }
0xe: {  	s6 =	smax.u32 s10, $0x1;
	s9 =	simm.s32 $0x3;
	s10 =	simm.s32 $0x2000  }
.LBB2_1:
0xf: {  	s16 =	simm.s32 @!p0 $0x1C03  }
0x10: {  	[spmem:s8], [sflag:s16] =	dma.local @!p0 [hbm:s3], $0x2000  }
0x11: {  	s16 =	simm.s32 @!p0 $0x3  }
0x12: {  	_ =	swait.ge @!p0 [sflag:s16], $0x2000  }
0x13: {  	[sflag:s16] =	ssyncset.done @!p0 $0x0  }
0x14: {  	[sflag:s16] =	ssyncadd.s32 @!p0 $0xFFFFE000  }
0x15: {  	[bflag:$0x0] =	sbarrier.arrive $0xFFFF  }
0x16: {  	[tilespmem:s2], [sflag:$0x3] =	stream.linear.gather [hbm4b:s4+s2], $0x2000, $0x38;
	[tilespmem:$0xB000] =	vst v63  }
0x17: {  	_ =	swait.ge [sflag:s9], $0x2000  }
0x18: {  	[sflag:s9] =	ssyncset.done $0x0  }
0x19: {  	s29 =	sadd.s32 $0xFFFFF800, s7;
	[sflag:s9] =	ssyncadd.s32 $0xFFFFE000  }
0x1a: {  	[tilespmem:s10], [sflag:$0x1] =	stream.linear.gather [hbm4b:s29+s2], $0x4000, $0x38;
	[tilespmem:$0xB000] =	vst v63  }
0x1b: {  	_ = 	snop  }
0x1c: {  	[tilespmem:s11], [sflag:$0x2] =	stream.linear.gather [hbm4b:s7+s2], $0x4000, $0x38;
	[tilespmem:$0xB000] =	vst v63  }
0x1d: {  	_ =	swait.ge [sflag:s12], $0x4000  }
0x1e: {  	[sflag:s12] =	ssyncset.done $0x0  }
0x1f: {  	s30 =	simm.s32 $0x0;
	[sflag:s12] =	ssyncadd.s32 $0xFFFFC000  }
0x20: {  	[spmem:s1] =	stream.indirect.scatter.add.f32 [tilespmem:s10], [sflag:$0x3], $0x80, s30, s13, $0xb8;
	[tilespmem:$0xB000] =	vst v63  }
0x21: {  	_ =	swait.ge [sflag:s9], $0x4000  }
0x22: {  	[sflag:s9] =	ssyncset.done $0x0  }
0x23: {  	[sflag:s9] =	ssyncadd.s32 $0xFFFFC000  }
0x24: {  	_ =	swait.ge [sflag:s14], $0x4000  }
0x25: {  	[sflag:s14] =	ssyncset.done $0x0  }
0x26: {  	s31 =	simm.s32 $0x80;
	[sflag:s14] =	ssyncadd.s32 $0xFFFFC000  }
0x27: {  	[spmem:s1] =	stream.indirect.scatter.add.f32 [tilespmem:s11], [sflag:$0x3], $0x80, s31, s13, $0xb8;
	[tilespmem:$0xB000] =	vst v63  }
0x28: {  	s18 =	simm.s32 $0x800;
	_ =	swait.ge [sflag:s9], $0x4000  }
0x29: {  	s17 =	sadd.s32 $0x1000, s7;
	s16 =	simm.s32 $0x400;
	[sflag:s9] =	ssyncset.done $0x0  }
.LBB2_2:
0x2a: {  	p1 =	sne.s32 s18, $0x7C00;
	s19 =	sadd.s32 $0xFFFFF800, s17;
	[sflag:s9] =	ssyncadd.s32 $0xFFFFC000  }
0x2b: {  	[tilespmem:s10], [sflag:$0x1] =	stream.linear.gather [hbm4b:s19+s2], $0x4000, $0x38;
	[tilespmem:$0xB000] =	vst v63  }
0x2c: {  	s19 =	smov.u32 s18;
	s18 =	sadd.s32 $0x400, s18  }
0x2d: {  	[tilespmem:s11], [sflag:$0x2] =	stream.linear.gather [hbm4b:s17+s2], $0x4000, $0x38;
	[tilespmem:$0xB000] =	vst v63  }
0x2e: {  	_ =	swait.ge [sflag:s12], $0x4000  }
0x2f: {  	[sflag:s12] =	ssyncset.done $0x0  }
0x30: {  	s20 =	sshra.s32 s16, $0x2;
	s16 =	smov.u32 s19;
	[sflag:s12] =	ssyncadd.s32 $0xFFFFC000  }
0x31: {  	[spmem:s1] =	stream.indirect.scatter.add.f32 [tilespmem:s10], [sflag:$0x3], $0x80, s20, s13, $0xb8;
	[tilespmem:$0xB000] =	vst v63  }
0x32: {  	_ =	swait.ge [sflag:s9], $0x4000  }
0x33: {  	[sflag:s9] =	ssyncset.done $0x0  }
0x34: {  	[sflag:s9] =	ssyncadd.s32 $0xFFFFC000  }
0x35: {  	_ =	swait.ge [sflag:s14], $0x4000  }
.Ltmp0:
0x36: {  	[sflag:s14] =	ssyncset.done $0x0;
	(pc) =	sbr.rel @p1 .LBB2_2-.Ltmp0, $4  }
0x37: {  	s19 =	sadd.s32 $0x80, s20;
	[sflag:s14] =	ssyncadd.s32 $0xFFFFC000  }
0x38: {  	[spmem:s1] =	stream.indirect.scatter.add.f32 [tilespmem:s11], [sflag:$0x3], $0x80, s19, s13, $0xb8;
	[tilespmem:$0xB000] =	vst v63  }
0x39: {  	_ =	swait.ge [sflag:s9], $0x4000  }
0x3a: {  	s17 =	sadd.s32 $0x1000, s17;
	[sflag:s9] =	ssyncset.done $0x0  }
0x3b: {  	s18 =	sadd.s32 $0xFFFFF800, s17;
	[sflag:s9] =	ssyncadd.s32 $0xFFFFC000  }
0x3c: {  	[tilespmem:s10], [sflag:$0x1] =	stream.linear.gather [hbm4b:s18+s2], $0x4000, $0x38;
	[tilespmem:$0xB000] =	vst v63  }
0x3d: {  	_ = 	snop  }
0x3e: {  	[tilespmem:s11], [sflag:$0x2] =	stream.linear.gather [hbm4b:s17+s2], $0x4000, $0x38;
	[tilespmem:$0xB000] =	vst v63  }
0x3f: {  	_ =	swait.ge [sflag:s12], $0x4000  }
0x40: {  	[sflag:s12] =	ssyncset.done $0x0  }
0x41: {  	s16 =	sshra.s32 s16, $0x2;
	[sflag:s12] =	ssyncadd.s32 $0xFFFFC000  }
0x42: {  	[spmem:s1] =	stream.indirect.scatter.add.f32 [tilespmem:s10], [sflag:$0x3], $0x80, s16, s13, $0xb8;
	[tilespmem:$0xB000] =	vst v63  }
0x43: {  	_ =	swait.ge [sflag:s9], $0x4000  }
0x44: {  	[sflag:s9] =	ssyncset.done $0x0  }
0x45: {  	[sflag:s9] =	ssyncadd.s32 $0xFFFFC000  }
0x46: {  	_ =	swait.ge [sflag:s14], $0x4000  }
0x47: {  	[sflag:s14] =	ssyncset.done $0x0  }
0x48: {  	s16 =	sadd.s32 $0x80, s16;
	[sflag:s14] =	ssyncadd.s32 $0xFFFFC000  }
0x49: {  	[spmem:s1] =	stream.indirect.scatter.add.f32 [tilespmem:s11], [sflag:$0x3], $0x80, s16, s13, $0xb8;
	[tilespmem:$0xB000] =	vst v63  }
0x4a: {  	_ =	swait.ge [sflag:s9], $0x4000  }
0x4b: {  	[sflag:s9] =	ssyncset.done $0x0  }
0x4c: {  	s15 =	sadd.s32 $0x1, s15;
	[sflag:s9] =	ssyncadd.s32 $0xFFFFC000  }
0x4d: {  	p1 =	sne.s32 s15, s6;
	s16 =	simm.s32 @!p0 $0x1C03;
	[bflag:$0x0] =	sbarrier.arrive $0xFFFF  }
0x4e: {  	[hbm:s5], [sflag:s16] =	dma.local @!p0 [spmem:s8], $0x2000  }
.Ltmp1:
0x4f: {  	_ = 	snop;
	(pc) =	sbr.rel @p1 .LBB2_1-.Ltmp1, $4  }
0x50: {  	s16 =	simm.s32 @!p0 $0x3  }
0x51: {  	_ =	swait.ge @!p0 [sflag:s16], $0x2000  }
0x52: {  	[sflag:s16] =	ssyncset.done @!p0 $0x0  }
0x53: {  	[sflag:s16] =	ssyncadd.s32 @!p0 $0xFFFFE000  }
0x54: {  	_ =	sfence.sel $0x180000  }
0x55: {  	[bflag:$0x0] =	sbarrier.arrive $0xFFFF  }
0x56: {  	_ =	strace $0x9000004A  }
0x57: {  	s0 =	sadd.s32 @!p0 $0x100000, s0;
	[bflag:$0x2] =	sbarrier.arrive $0xFFFF  }
0x58: {  	[sflag:s0] =	ssyncadd.tile.s32 @!p0 $0x1;
	_ =	shalt  }
.Lfunc_end2:
_tile_overlayer_lowered:
.L_overlay_start_2:
0x59: {  	(tag) =	ssettag $0x2  }
0x5a: {  	s0 =	rddreg [dreg:$0x0];
	s2 =	stileid.u32  }
0x5b: {  	s1 =	rddreg [dreg:$0x1];
	p0 =	sne.s32 s2, $0x0  }
0x5c: {  	s3 =	rddreg [dreg:$0x2];
	[bflag:$0x3] =	sbarrier.arrive $0xFFFF;
	s2 =	simm.s32 @!p0 $0x1C03  }
0x5d: {  	[timem:s3], [sflag:s2] =	dma.local @!p0 [hbm:s0], s1  }
0x5e: {  	s0 =	simm.s32 @!p0 $0x3  }
0x5f: {  	_ =	swait.ge @!p0 [sflag:s0], s1  }
0x60: {  	s1 =	ssub.s32 @!p0 $0x0, s1;
	[sflag:s0] =	ssyncset.done @!p0 $0x0  }
0x61: {  	[sflag:s0] =	ssyncadd.s32 @!p0 s1  }
0x62: {  	[bflag:$0x3] =	sbarrier.arrive $0xFFFF  }
0x63: {  	_ =	shalt  }

// kernel: kernel.24.cloned.1.call-start
scs
__scs_entry_jumppad:
0x0: {  	(pc) =	sbr.rel $0x88, $3  }
0x1: {  	(tag) =	ssettag $0x0;
	lr =	simm.s32 $0x1  }
0x2: {  	[smem:$0x3F91] =	sst lr;
	_ =	strace $0xD0000000  }
0x3: {  	_ = 	snop  }
0x4: {  	_ = 	snop  }
0x5: {  	_ = 	snop  }
0x6: {  	_ = 	snop  }
0x7: {  	_ = 	snop  }
__scs_overlays_trampoline_lowered:
0x8: {  	[smem:$0x3FA0] =	sst s0  }
0x9: {  	[smem:$0x3FA1] =	sst s1  }
0xa: {  	[smem:$0x3FA2] =	sst s2  }
0xb: {  	[smem:$0x3FA3] =	sst s3  }
0xc: {  	[smem:$0x3FA4] =	sst s4  }
0xd: {  	[smem:$0x3FA5] =	sst s5  }
0xe: {  	[smem:$0x3FA6] =	sst s6  }
0xf: {  	[smem:$0x3FA7] =	sst s7  }
0x10: {  	[smem:$0x3FA8] =	sst s8  }
0x11: {  	[smem:$0x3FA9] =	sst s9;
	s0 =	simm.s32 @!p0 $0x0  }
0x12: {  	s1 =	sld [smem:$0x3F8F];
	s0 =	simm.s32 @p0 $0x1  }
0x13: {  	[smem:$0x3FAA] =	sst s0;
	s0 =	simm.s32 @!p1 $0x0  }
0x14: {  	s2 =	sld [smem:$0x3F8E];
	s0 =	simm.s32 @p1 $0x1  }
0x15: {  	[smem:$0x3FAB] =	sst s0;
	s0 =	simm.s32 @!p2 $0x0  }
0x16: {  	s3 =	sld [smem:$0x3FDB];
	s0 =	simm.s32 @p2 $0x1  }
0x17: {  	s4 =	simm.s32 $0x1BF5;
	[smem:$0x3FAD] =	sst s0  }
0x18: {  	s0 =	sld [smem:$0x3F90];
	_ =	swait.ge [sflag:s4], $0x0  }
0x19: {  	s7 =	sld [smem:$0x3F91]  }
0x1a: {  	s8 =	sadd.s32 $0xFFFFE003, lr  }
0x1b: {  	s9 =	sadd.s32 $0xFFFFFEF7, lr;
	s5 =	simm.s32 $0xFFFFFFFF;
	p2 =	slt.u32 s8, $0xFFFFF086  }
0x1c: {  	p1 =	slt.u32 s9, $0xF7A;
	s5 =	simm.s32 @!p2 $0x0  }
0x1d: {  	s5 =	simm.s32 @p1 $0x1;
	p0 =	seq.s32 s7, s2  }
0x1e: {  	s7 =	smul.u32 @!p0 $0xF7A, s2;
	p2 =	seq.s32 @!p0 s5, $0x0  }
0x1f: {  	s9 =	smul.u32 $0xF7A, s1;
	s8 =	simm.s32 @!p0 $0x1BF5;
	p2 =	por !p2, p0  }
0x20: {  	[sflag:s8] =	ssyncset.s32 @!p0 $0xFFFFF086;
	s6 =	sadd.s32 @!p0 s3, s7;
	s7 =	simm.s32 @!p0 $0x108  }
0x21: {  	s3 =	sadd.s32 s3, s9;
	s6 =	sadd.s32 @!p0 $0x88, s6;
	s7 =	simm.s32 @p2 $0x1082  }
0x22: {  	[simem:s7], [sflag:s8] =	dma.local @!p0 [hbm:s6], $0xF7A  }
0x23: {  	s9 =	sor.u32 $0xD0000000, s2;
	s6 =	simm.s32 $0x108;
	_ =	swait.ge @!p0 [sflag:s8], $0x0  }
0x24: {  	s3 =	sadd.s32 $0x88, s3;
	s6 =	simm.s32 @!p1 $0x1082;
	[sflag:s4] =	ssyncset.s32 $0xFFFFF086  }
0x25: {  	[simem:s6], [sflag:s4] =	dma.local [hbm:s3], $0xF7A  }
0x26: {  	[smem:$0x3F91] =	sst s1;
	(tag) =	ssettag s2;
	_ =	strace s9  }
0x27: {  	s1 =	sld [smem:$0x3FA1]  }
0x28: {  	s2 =	sld [smem:$0x3FA2]  }
0x29: {  	s4 =	sld [smem:$0x3FA4]  }
0x2a: {  	p0 =	seq.s32 s5, $0x0;
	s5 =	sld [smem:$0x3FA5]  }
0x2b: {  	s6 =	sld [smem:$0x3FA6]  }
0x2c: {  	s7 =	sld [smem:$0x3FA7]  }
0x2d: {  	s3 =	simm.s32 $0x108;
	s8 =	sld [smem:$0x3FA8]  }
0x2e: {  	s3 =	simm.s32 @!p0 $0x1082;
	s9 =	sld [smem:$0x3FA9]  }
0x2f: {  	lr =	sadd.s32 s0, s3;
	s0 =	sld [smem:$0x3FA0]  }
0x30: {  	s3 =	sld [smem:$0x3FA3]  }
0x31: {  	[smem:$0x3FAC] =	sst s10  }
0x32: {  	s10 =	sld [smem:$0x3FAA];
	_ =	sdelay $0x3  }
0x33: {  	p0 =	seq.s32 s10, $0x1;
	s10 =	sld [smem:$0x3FAC];
	_ =	sdelay $0x3  }
0x34: {  	[smem:$0x3FAC] =	sst s10  }
0x35: {  	s10 =	sld [smem:$0x3FAB];
	_ =	sdelay $0x3  }
0x36: {  	p1 =	seq.s32 s10, $0x1;
	s10 =	sld [smem:$0x3FAC];
	_ =	sdelay $0x3  }
0x37: {  	[smem:$0x3FAC] =	sst s10  }
0x38: {  	s10 =	sld [smem:$0x3FAD]  }
0x39: {  	_ = 	snop;
	(pc) =	sbr.ind lr, $3  }
0x3a: {  	_ = 	snop  }
0x3b: {  	_ = 	snop  }
0x3c: {  	p2 =	seq.s32 s10, $0x1;
	s10 =	sld [smem:$0x3FAC]  }
0x3d: {  	_ =	shalt  }
0x3e: {  	_ =	shalt  }
0x3f: {  	_ =	shalt  }
0x40: {  	_ =	shalt  }
0x41: {  	_ =	shalt  }
0x42: {  	_ =	shalt  }
0x43: {  	_ =	shalt  }
0x44: {  	_ =	shalt  }
0x45: {  	_ =	shalt  }
0x46: {  	_ =	shalt  }
0x47: {  	_ =	shalt  }
0x48: {  	_ =	shalt  }
0x49: {  	_ =	shalt  }
0x4a: {  	_ =	shalt  }
0x4b: {  	_ =	shalt  }
0x4c: {  	_ =	shalt  }
0x4d: {  	_ =	shalt  }
0x4e: {  	_ =	shalt  }
0x4f: {  	_ =	shalt  }
0x50: {  	_ =	shalt  }
0x51: {  	_ =	shalt  }
0x52: {  	_ =	shalt  }
0x53: {  	_ =	shalt  }
0x54: {  	_ =	shalt  }
0x55: {  	_ =	shalt  }
0x56: {  	_ =	shalt  }
0x57: {  	_ =	shalt  }
0x58: {  	_ =	shalt  }
0x59: {  	_ =	shalt  }
0x5a: {  	_ =	shalt  }
0x5b: {  	_ =	shalt  }
0x5c: {  	_ =	shalt  }
0x5d: {  	_ =	shalt  }
0x5e: {  	_ =	shalt  }
0x5f: {  	_ =	shalt  }
0x60: {  	_ =	shalt  }
0x61: {  	_ =	shalt  }
0x62: {  	_ =	shalt  }
0x63: {  	_ =	shalt  }
0x64: {  	_ =	shalt  }
0x65: {  	_ =	shalt  }
0x66: {  	_ =	shalt  }
0x67: {  	_ =	shalt  }
0x68: {  	_ =	shalt  }
0x69: {  	_ =	shalt  }
0x6a: {  	_ =	shalt  }
0x6b: {  	_ =	shalt  }
0x6c: {  	_ =	shalt  }
0x6d: {  	_ =	shalt  }
0x6e: {  	_ =	shalt  }
0x6f: {  	_ =	shalt  }
0x70: {  	_ =	shalt  }
0x71: {  	_ =	shalt  }
0x72: {  	_ =	shalt  }
0x73: {  	_ =	shalt  }
0x74: {  	_ =	shalt  }
0x75: {  	_ =	shalt  }
0x76: {  	_ =	shalt  }
0x77: {  	_ =	shalt  }
0x78: {  	_ =	shalt  }
0x79: {  	_ =	shalt  }
0x7a: {  	_ =	shalt  }
0x7b: {  	_ =	shalt  }
0x7c: {  	_ =	shalt  }
0x7d: {  	_ =	shalt  }
0x7e: {  	_ =	shalt  }
0x7f: {  	_ =	shalt  }
0x80: {  	_ =	shalt  }
0x81: {  	_ =	shalt  }
0x82: {  	_ =	shalt  }
0x83: {  	_ =	shalt  }
0x84: {  	_ =	shalt  }
0x85: {  	_ =	shalt  }
0x86: {  	_ =	shalt  }
0x87: {  	_ =	shalt  }
.Lfunc_end0:
.L_simem_size_0:
called_computation.2_lowered:
.L_overlay_start_0:
0x88: {  	s2 =	sld [smem:$0x3FD9]  }
0x89: {  	s3 =	sld [smem:$0x3FFE];
	_ =	sdelay $0x1  }
0x8a: {  	s1 =	srdreg.scid  }
0x8b: {  	s0 =	sand.u32 $0x1, s1  }
0x8c: {  	s16 =	sshll.u32 s0, $0xA;
	s2 =	sadd.s32 s3, s2  }
0x8d: {  	s2 =	sadd.s32 s2, s16  }
0x8e: {  	[smem:$0x3FB8] =	sst s2  }
0x8f: {  	_ = 	snop  }
0x90: {  	(tm) =	ssettm $0x1  }
0x91: {  	s17 =	sld [smem:$0x3FFB];
	_ =	sdelay $0x3  }
0x92: {  	_ =	strace s17  }
0x93: {  	s2 =	sld [smem:$0x3FFC];
	_ =	sdelay $0x3  }
0x94: {  	_ =	strace s2  }
0x95: {  	s2 =	sld [smem:$0x3FFD];
	_ =	sdelay $0x3  }
0x96: {  	_ =	strace s2  }
0x97: {  	_ =	strace $0x8FFFFFFF  }
0x98: {  	s18 =	sld [smem:$0x3FDB];
	_ =	sdelay $0x1  }
0x99: {  	s19 =	simm.s32 $_scs_section_size  }
0x9a: {  	s4 =	simm.s32 $_size__tile_overlayer_lowered;
	s5 =	simm.s32 $_tile_overlayer_lowered  }
0x9b: {  	s22 =	simm.s32 $0x1BFF;
	s21 =	sshll.u32 s5, $0x1;
	s2 =	sadd.s32 s19, s18  }
0x9c: {  	s6 =	simm.s32 $0x0;
	s20 =	sshll.u32 s4, $0x1;
	s4 =	sadd.s32 s21, s2  }
0x9d: {  	[timem:s6], [sflag:s22] =	dma.local [hbm:s4], s20  }
0x9e: {  	_ =	swait.ge [sflag:s22], s20  }
0x9f: {  	s3 =	ssub.s32 $0x0, s20;
	[sflag:s22] =	ssyncset.done $0x0  }
0xa0: {  	[sflag:s22] =	ssyncadd.s32 s3;
	_ =	sdelay $0x1  }
0xa1: {  	s23 =	simm.s32 $0x1B8B  }
0xa2: {  	_ =	swait.ge [sflag:s23], $0x1  }
0xa3: {  	[sflag:s23] =	ssyncset.done $0x0  }
0xa4: {  	s25 =	simm.s32 $0x1B8E;
	s24 =	sld [smem:$0x3FFE];
	[sflag:s23] =	ssyncadd.s32 $0xFFFFFFFF  }
0xa5: {  	s26 =	simm.s32 $execute0_lowered;
	[smem:$0x3FD2] =	sst s25  }
0xa6: {  	s4 =	sshll.u32 s26, $0x1;
	_ =	strace $0x8000004C;
	[dreg:$0x1] =	wrdreg $0xFFFFFFFF  }
0xa7: {  	s28 =	simm.s32 $_size_execute0_lowered;
	s2 =	sadd.s32 s2, s4;
	[dreg:$0x0] =	wrdreg $0x0  }
0xa8: {  	s4 =	sshll.u32 s28, $0x1;
	[dreg:$0x2] =	wrdreg s2  }
0xa9: {  	[dreg:$0x3] =	wrdreg s4  }
0xaa: {  	[dreg:$0x4] =	wrdreg $0xC0  }
0xab: {  	_ =	task [dreg:s6], $0x5FFFF  }
0xac: {  	[dreg:$0x1] =	wrdreg $0xFFFFFFFF  }
0xad: {  	[dreg:$0x0] =	wrdreg $0x60  }
0xae: {  	[dreg:$0x2] =	wrdreg s24  }
0xaf: {  	[dreg:$0x3] =	wrdreg $0x9  }
0xb0: {  	_ =	task.clear_ibuf [dreg:s6], $0x4FFFF;
	_ =	strace $0x9000004C  }
0xb1: {  	s29 =	simm.s32 $0x9;
	_ =	strace $0x8000004E  }
0xb2: {  	_ =	swait.ge [sflag:s29], $0x1  }
0xb3: {  	[sflag:s29] =	ssyncadd.s32 $0xFFFFFFFF  }
0xb4: {  	_ =	strace $0x9000004E  }
0xb5: {  	_ =	sfence  }
0xb6: {  	s30 =	sld [smem:$0x0];
	_ =	sdelay $0x2  }
0xb7: {  	s31 =	sshll.u32 s1, $0xD;
	s1 =	sshrl.u32 s1, $0x2  }
0xb8: {  	s3 =	sand.u32 $0x4000, s31;
	s1 =	sadd.s32 s1, s30  }
0xb9: {  	s0 =	sor.u32 s3, s0;
	s1 =	sshll.u32 s1, $0x11  }
0xba: {  	s0 =	sor.u32 s1, s0  }
0xbb: {  	s0 =	sadd.s32 $0x8F2B, s0  }
0xbc: {  	[sflag:s0] =	ssyncadd.remote.s32 $0x1  }
0xbd: {  	_ =	sfence.sel $0xFFFF  }
0xbe: {  	[dreg:$0x0] =	wrdreg $0xFFFFFFFF;
	(pc) =	sbr.abs _section_cstart, $3  }
0xbf: {  	[dreg:$0x1] =	wrdreg $0xFFFFFFFF  }
0xc0: {  	_ =	task.clear_ibuf [dreg:s6], $0x2FFFF;
	_ =	strace $0x9FFFFFFF  }
0xc1: {  	(tm) =	ssettm $0x7FFFFFFF  }
tec
execute0_lowered:
.L_overlay_start_1:
0x0: {  	(tag) =	ssettag $0x1  }
0x1: {  	s4 =	rddreg [dreg:$0x0];
	s2 =	srdreg.scid  }
0x2: {  	s0 =	rddreg [dreg:$0x1];
	s1 =	stileid.u32  }
0x3: {  	s9 =	simm.s32 $0x2000;
	s10 =	simm.s32 $0x6000;
	s11 =	simm.s32 $0x1  }
0x4: {  	s12 =	simm.s32 $0x2;
	s13 =	simm.s32 $0x0;
	s5 =	sand.u32 $0x1, s2  }
0x5: {  	s2 =	simm.s32 $0x0;
	s3 =	sshll.u32 s1, $0xE;
	s7 =	sshll.u32 s1, $0x12  }
0x6: {  	s6 =	sshll.u32 s5, $0xD;
	[smem:$0x7FF] =	sst s2;
	s8 =	ssub.s32 $0x2, s5  }
0x7: {  	s7 =	sadd.s32 s7, s4;
	s5 =	sshll.u32 s5, $0x11;
	s6 =	sor.u32 s6, s3  }
0x8: {  	_ =	strace $0x8000004D;
	s3 =	sadd.s32 $0xD200, s4;
	s30 =	sshrl.u32 s8, $0x1  }
0x9: {  	s31 =	sadd.s32 s5, s7;
	s6 =	sshrl.u32 s6, $0x3;
	s8 =	ssub.s32 s8, s30  }
0xa: {  	s7 =	simm.s32 $0x3;
	s6 =	sadd.s32 s6, s4;
	s5 =	smax.u32 s8, $0x1  }
0xb: {  	s8 =	simm.s32 $0x80;
	s4 =	sadd.s32 $0x5200, s6;
	s6 =	sadd.s32 $0x411C00, s31  }
.LBB2_1:
0xc: {  	[tilespmem:s2], [sflag:$0x3] =	stream.linear.gather [hbm4b:s4+s2], $0x2000, $0x38;
	[tilespmem:$0xA000] =	vst v63  }
0xd: {  	_ =	swait.ge [sflag:s7], $0x2000  }
0xe: {  	[sflag:s7] =	ssyncset.done $0x0  }
0xf: {  	s14 =	simm.s32 $0x0;
	[sflag:s7] =	ssyncadd.s32 $0xFFFFE000  }
0x10: {  	[tilespmem:s9], [sflag:$0x1] =	stream.indirect.gather [hbm4b:s3+s8], $0x80, s14, s8, $0xb8;
	[tilespmem:$0xA000] =	vst v63  }
0x11: {  	s30 =	simm.s32 $0x80  }
0x12: {  	[tilespmem:s10], [sflag:$0x2] =	stream.indirect.gather [hbm4b:s3+s8], $0x80, s30, s8, $0xb8;
	[tilespmem:$0xA000] =	vst v63  }
0x13: {  	_ =	swait.ge [sflag:s11], $0x4000  }
0x14: {  	[sflag:s11] =	ssyncset.done $0x0  }
0x15: {  	s31 =	sadd.s32 $0xFFFFF800, s6;
	[sflag:s11] =	ssyncadd.s32 $0xFFFFC000  }
0x16: {  	[hbm4b:s31+s2] =	stream.linear.scatter [tilespmem:s9], [sflag:$0x3], $0x4000, $0x38;
	[tilespmem:$0xA000] =	vst v63  }
0x17: {  	_ =	swait.ge [sflag:s7], $0x4000  }
0x18: {  	[sflag:s7] =	ssyncset.done $0x0  }
0x19: {  	[sflag:s7] =	ssyncadd.s32 $0xFFFFC000  }
0x1a: {  	_ =	swait.ge [sflag:s12], $0x4000  }
0x1b: {  	[sflag:s12] =	ssyncset.done $0x0  }
0x1c: {  	[sflag:s12] =	ssyncadd.s32 $0xFFFFC000  }
0x1d: {  	[hbm4b:s6+s2] =	stream.linear.scatter [tilespmem:s10], [sflag:$0x3], $0x4000, $0x38;
	[tilespmem:$0xA000] =	vst v63  }
0x1e: {  	s15 =	simm.s32 $0x400;
	_ =	swait.ge [sflag:s7], $0x4000  }
0x1f: {  	s16 =	simm.s32 $0x800;
	s14 =	sadd.s32 $0x1000, s6;
	[sflag:s7] =	ssyncset.done $0x0  }
.LBB2_2:
0x20: {  	s17 =	sshra.s32 s15, $0x2  }
0x21: {  	[sflag:s7] =	ssyncadd.s32 $0xFFFFC000;
	s15 =	smov.u32 s16;
	s18 =	sadd.s32 $0x400, s16  }
0x22: {  	[tilespmem:s9], [sflag:$0x1] =	stream.indirect.gather [hbm4b:s3+s8], $0x80, s17, s8, $0xb8;
	[tilespmem:$0xA000] =	vst v63  }
0x23: {  	p0 =	sne.s32 s16, $0x7C00;
	s16 =	sadd.s32 $0x80, s17  }
0x24: {  	[tilespmem:s10], [sflag:$0x2] =	stream.indirect.gather [hbm4b:s3+s8], $0x80, s16, s8, $0xb8;
	[tilespmem:$0xA000] =	vst v63  }
0x25: {  	_ =	swait.ge [sflag:s11], $0x4000  }
0x26: {  	[sflag:s11] =	ssyncset.done $0x0  }
0x27: {  	s16 =	sadd.s32 $0xFFFFF800, s14;
	[sflag:s11] =	ssyncadd.s32 $0xFFFFC000  }
0x28: {  	[hbm4b:s16+s2] =	stream.linear.scatter [tilespmem:s9], [sflag:$0x3], $0x4000, $0x38;
	[tilespmem:$0xA000] =	vst v63  }
0x29: {  	_ =	swait.ge [sflag:s7], $0x4000  }
0x2a: {  	[sflag:s7] =	ssyncset.done $0x0  }
0x2b: {  	[sflag:s7] =	ssyncadd.s32 $0xFFFFC000  }
0x2c: {  	_ =	swait.ge [sflag:s12], $0x4000  }
.Ltmp0:
0x2d: {  	[sflag:s12] =	ssyncset.done $0x0;
	(pc) =	sbr.rel @p0 .LBB2_2-.Ltmp0, $4  }
0x2e: {  	[sflag:s12] =	ssyncadd.s32 $0xFFFFC000  }
0x2f: {  	[hbm4b:s14+s2] =	stream.linear.scatter [tilespmem:s10], [sflag:$0x3], $0x4000, $0x38;
	[tilespmem:$0xA000] =	vst v63  }
0x30: {  	_ =	swait.ge [sflag:s7], $0x4000  }
0x31: {  	s16 =	smov.u32 s18;
	s14 =	sadd.s32 $0x1000, s14;
	[sflag:s7] =	ssyncset.done $0x0  }
0x32: {  	s15 =	sshra.s32 s15, $0x2;
	[sflag:s7] =	ssyncadd.s32 $0xFFFFC000  }
0x33: {  	[tilespmem:s9], [sflag:$0x1] =	stream.indirect.gather [hbm4b:s3+s8], $0x80, s15, s8, $0xb8;
	[tilespmem:$0xA000] =	vst v63  }
0x34: {  	s15 =	sadd.s32 $0x80, s15  }
0x35: {  	[tilespmem:s10], [sflag:$0x2] =	stream.indirect.gather [hbm4b:s3+s8], $0x80, s15, s8, $0xb8;
	[tilespmem:$0xA000] =	vst v63  }
0x36: {  	_ =	swait.ge [sflag:s11], $0x4000  }
0x37: {  	[sflag:s11] =	ssyncset.done $0x0  }
0x38: {  	s31 =	sadd.s32 $0xFFFFF800, s14;
	[sflag:s11] =	ssyncadd.s32 $0xFFFFC000  }
0x39: {  	[hbm4b:s31+s2] =	stream.linear.scatter [tilespmem:s9], [sflag:$0x3], $0x4000, $0x38;
	[tilespmem:$0xA000] =	vst v63  }
0x3a: {  	_ =	swait.ge [sflag:s7], $0x4000  }
0x3b: {  	[sflag:s7] =	ssyncset.done $0x0  }
0x3c: {  	[sflag:s7] =	ssyncadd.s32 $0xFFFFC000  }
0x3d: {  	s13 =	sadd.s32 $0x1, s13;
	_ =	swait.ge [sflag:s12], $0x4000  }
0x3e: {  	p0 =	sne.s32 s13, s5;
	[sflag:s12] =	ssyncset.done $0x0  }
.Ltmp1:
0x3f: {  	[sflag:s12] =	ssyncadd.s32 $0xFFFFC000;
	(pc) =	sbr.rel @p0 .LBB2_1-.Ltmp1, $4  }
0x40: {  	[hbm4b:s14+s2] =	stream.linear.scatter [tilespmem:s10], [sflag:$0x3], $0x4000, $0x38;
	[tilespmem:$0xA000] =	vst v63  }
0x41: {  	_ =	swait.ge [sflag:s7], $0x4000  }
0x42: {  	[sflag:s7] =	ssyncset.done $0x0  }
0x43: {  	[sflag:s7] =	ssyncadd.s32 $0xFFFFC000  }
0x44: {  	_ =	sfence.sel $0x180000  }
0x45: {  	[bflag:$0x0] =	sbarrier.arrive $0xFFFF  }
0x46: {  	p0 =	sne.s32 s1, $0x0;
	_ =	strace $0x9000004D  }
0x47: {  	s0 =	sadd.s32 @!p0 $0x100000, s0;
	[bflag:$0x2] =	sbarrier.arrive $0xFFFF  }
0x48: {  	[sflag:s0] =	ssyncadd.tile.s32 @!p0 $0x1;
	_ =	shalt  }
.Lfunc_end2:
_tile_overlayer_lowered:
.L_overlay_start_2:
0x49: {  	(tag) =	ssettag $0x2  }
0x4a: {  	s0 =	rddreg [dreg:$0x0];
	s2 =	stileid.u32  }
0x4b: {  	s1 =	rddreg [dreg:$0x1];
	p0 =	sne.s32 s2, $0x0  }
0x4c: {  	s3 =	rddreg [dreg:$0x2];
	[bflag:$0x3] =	sbarrier.arrive $0xFFFF;
	s2 =	simm.s32 @!p0 $0x1C03  }
0x4d: {  	[timem:s3], [sflag:s2] =	dma.local @!p0 [hbm:s0], s1  }
0x4e: {  	s0 =	simm.s32 @!p0 $0x3  }
0x4f: {  	_ =	swait.ge @!p0 [sflag:s0], s1  }
0x50: {  	s1 =	ssub.s32 @!p0 $0x0, s1;
	[sflag:s0] =	ssyncset.done @!p0 $0x0  }
0x51: {  	[sflag:s0] =	ssyncadd.s32 @!p0 s1  }
0x52: {  	[bflag:$0x3] =	sbarrier.arrive $0xFFFF  }
0x53: {  	_ =	shalt  }

// kernel: kernel.27.cloned.1.call-start
scs
__scs_entry_jumppad:
0x0: {  	(pc) =	sbr.rel $0x88, $3  }
0x1: {  	(tag) =	ssettag $0x0;
	lr =	simm.s32 $0x1  }
0x2: {  	[smem:$0x3F91] =	sst lr;
	_ =	strace $0xD0000000  }
0x3: {  	_ = 	snop  }
0x4: {  	_ = 	snop  }
0x5: {  	_ = 	snop  }
0x6: {  	_ = 	snop  }
0x7: {  	_ = 	snop  }
__scs_overlays_trampoline_lowered:
0x8: {  	[smem:$0x3FA0] =	sst s0  }
0x9: {  	[smem:$0x3FA1] =	sst s1  }
0xa: {  	[smem:$0x3FA2] =	sst s2  }
0xb: {  	[smem:$0x3FA3] =	sst s3  }
0xc: {  	[smem:$0x3FA4] =	sst s4  }
0xd: {  	[smem:$0x3FA5] =	sst s5  }
0xe: {  	[smem:$0x3FA6] =	sst s6  }
0xf: {  	[smem:$0x3FA7] =	sst s7  }
0x10: {  	[smem:$0x3FA8] =	sst s8  }
0x11: {  	[smem:$0x3FA9] =	sst s9;
	s0 =	simm.s32 @!p0 $0x0  }
0x12: {  	s1 =	sld [smem:$0x3F8F];
	s0 =	simm.s32 @p0 $0x1  }
0x13: {  	[smem:$0x3FAA] =	sst s0;
	s0 =	simm.s32 @!p1 $0x0  }
0x14: {  	s2 =	sld [smem:$0x3F8E];
	s0 =	simm.s32 @p1 $0x1  }
0x15: {  	[smem:$0x3FAB] =	sst s0;
	s0 =	simm.s32 @!p2 $0x0  }
0x16: {  	s3 =	sld [smem:$0x3FDB];
	s0 =	simm.s32 @p2 $0x1  }
0x17: {  	s4 =	simm.s32 $0x1BF5;
	[smem:$0x3FAD] =	sst s0  }
0x18: {  	s0 =	sld [smem:$0x3F90];
	_ =	swait.ge [sflag:s4], $0x0  }
0x19: {  	s7 =	sld [smem:$0x3F91]  }
0x1a: {  	s8 =	sadd.s32 $0xFFFFE003, lr  }
0x1b: {  	s9 =	sadd.s32 $0xFFFFFEF7, lr;
	s5 =	simm.s32 $0xFFFFFFFF;
	p2 =	slt.u32 s8, $0xFFFFF086  }
0x1c: {  	p1 =	slt.u32 s9, $0xF7A;
	s5 =	simm.s32 @!p2 $0x0  }
0x1d: {  	s5 =	simm.s32 @p1 $0x1;
	p0 =	seq.s32 s7, s2  }
0x1e: {  	s7 =	smul.u32 @!p0 $0xF7A, s2;
	p2 =	seq.s32 @!p0 s5, $0x0  }
0x1f: {  	s9 =	smul.u32 $0xF7A, s1;
	s8 =	simm.s32 @!p0 $0x1BF5;
	p2 =	por !p2, p0  }
0x20: {  	[sflag:s8] =	ssyncset.s32 @!p0 $0xFFFFF086;
	s6 =	sadd.s32 @!p0 s3, s7;
	s7 =	simm.s32 @!p0 $0x108  }
0x21: {  	s3 =	sadd.s32 s3, s9;
	s6 =	sadd.s32 @!p0 $0x88, s6;
	s7 =	simm.s32 @p2 $0x1082  }
0x22: {  	[simem:s7], [sflag:s8] =	dma.local @!p0 [hbm:s6], $0xF7A  }
0x23: {  	s9 =	sor.u32 $0xD0000000, s2;
	s6 =	simm.s32 $0x108;
	_ =	swait.ge @!p0 [sflag:s8], $0x0  }
0x24: {  	s3 =	sadd.s32 $0x88, s3;
	s6 =	simm.s32 @!p1 $0x1082;
	[sflag:s4] =	ssyncset.s32 $0xFFFFF086  }
0x25: {  	[simem:s6], [sflag:s4] =	dma.local [hbm:s3], $0xF7A  }
0x26: {  	[smem:$0x3F91] =	sst s1;
	(tag) =	ssettag s2;
	_ =	strace s9  }
0x27: {  	s1 =	sld [smem:$0x3FA1]  }
0x28: {  	s2 =	sld [smem:$0x3FA2]  }
0x29: {  	s4 =	sld [smem:$0x3FA4]  }
0x2a: {  	p0 =	seq.s32 s5, $0x0;
	s5 =	sld [smem:$0x3FA5]  }
0x2b: {  	s6 =	sld [smem:$0x3FA6]  }
0x2c: {  	s7 =	sld [smem:$0x3FA7]  }
0x2d: {  	s3 =	simm.s32 $0x108;
	s8 =	sld [smem:$0x3FA8]  }
0x2e: {  	s3 =	simm.s32 @!p0 $0x1082;
	s9 =	sld [smem:$0x3FA9]  }
0x2f: {  	lr =	sadd.s32 s0, s3;
	s0 =	sld [smem:$0x3FA0]  }
0x30: {  	s3 =	sld [smem:$0x3FA3]  }
0x31: {  	[smem:$0x3FAC] =	sst s10  }
0x32: {  	s10 =	sld [smem:$0x3FAA];
	_ =	sdelay $0x3  }
0x33: {  	p0 =	seq.s32 s10, $0x1;
	s10 =	sld [smem:$0x3FAC];
	_ =	sdelay $0x3  }
0x34: {  	[smem:$0x3FAC] =	sst s10  }
0x35: {  	s10 =	sld [smem:$0x3FAB];
	_ =	sdelay $0x3  }
0x36: {  	p1 =	seq.s32 s10, $0x1;
	s10 =	sld [smem:$0x3FAC];
	_ =	sdelay $0x3  }
0x37: {  	[smem:$0x3FAC] =	sst s10  }
0x38: {  	s10 =	sld [smem:$0x3FAD]  }
0x39: {  	_ = 	snop;
	(pc) =	sbr.ind lr, $3  }
0x3a: {  	_ = 	snop  }
0x3b: {  	_ = 	snop  }
0x3c: {  	p2 =	seq.s32 s10, $0x1;
	s10 =	sld [smem:$0x3FAC]  }
0x3d: {  	_ =	shalt  }
0x3e: {  	_ =	shalt  }
0x3f: {  	_ =	shalt  }
0x40: {  	_ =	shalt  }
0x41: {  	_ =	shalt  }
0x42: {  	_ =	shalt  }
0x43: {  	_ =	shalt  }
0x44: {  	_ =	shalt  }
0x45: {  	_ =	shalt  }
0x46: {  	_ =	shalt  }
0x47: {  	_ =	shalt  }
0x48: {  	_ =	shalt  }
0x49: {  	_ =	shalt  }
0x4a: {  	_ =	shalt  }
0x4b: {  	_ =	shalt  }
0x4c: {  	_ =	shalt  }
0x4d: {  	_ =	shalt  }
0x4e: {  	_ =	shalt  }
0x4f: {  	_ =	shalt  }
0x50: {  	_ =	shalt  }
0x51: {  	_ =	shalt  }
0x52: {  	_ =	shalt  }
0x53: {  	_ =	shalt  }
0x54: {  	_ =	shalt  }
0x55: {  	_ =	shalt  }
0x56: {  	_ =	shalt  }
0x57: {  	_ =	shalt  }
0x58: {  	_ =	shalt  }
0x59: {  	_ =	shalt  }
0x5a: {  	_ =	shalt  }
0x5b: {  	_ =	shalt  }
0x5c: {  	_ =	shalt  }
0x5d: {  	_ =	shalt  }
0x5e: {  	_ =	shalt  }
0x5f: {  	_ =	shalt  }
0x60: {  	_ =	shalt  }
0x61: {  	_ =	shalt  }
0x62: {  	_ =	shalt  }
0x63: {  	_ =	shalt  }
0x64: {  	_ =	shalt  }
0x65: {  	_ =	shalt  }
0x66: {  	_ =	shalt  }
0x67: {  	_ =	shalt  }
0x68: {  	_ =	shalt  }
0x69: {  	_ =	shalt  }
0x6a: {  	_ =	shalt  }
0x6b: {  	_ =	shalt  }
0x6c: {  	_ =	shalt  }
0x6d: {  	_ =	shalt  }
0x6e: {  	_ =	shalt  }
0x6f: {  	_ =	shalt  }
0x70: {  	_ =	shalt  }
0x71: {  	_ =	shalt  }
0x72: {  	_ =	shalt  }
0x73: {  	_ =	shalt  }
0x74: {  	_ =	shalt  }
0x75: {  	_ =	shalt  }
0x76: {  	_ =	shalt  }
0x77: {  	_ =	shalt  }
0x78: {  	_ =	shalt  }
0x79: {  	_ =	shalt  }
0x7a: {  	_ =	shalt  }
0x7b: {  	_ =	shalt  }
0x7c: {  	_ =	shalt  }
0x7d: {  	_ =	shalt  }
0x7e: {  	_ =	shalt  }
0x7f: {  	_ =	shalt  }
0x80: {  	_ =	shalt  }
0x81: {  	_ =	shalt  }
0x82: {  	_ =	shalt  }
0x83: {  	_ =	shalt  }
0x84: {  	_ =	shalt  }
0x85: {  	_ =	shalt  }
0x86: {  	_ =	shalt  }
0x87: {  	_ =	shalt  }
.Lfunc_end0:
.L_simem_size_0:
called_computation.3_lowered:
.L_overlay_start_0:
0x88: {  	s2 =	sld [smem:$0x3FD9]  }
0x89: {  	s3 =	sld [smem:$0x3FFE];
	_ =	sdelay $0x1  }
0x8a: {  	s1 =	srdreg.scid  }
0x8b: {  	s0 =	sand.u32 $0x1, s1  }
0x8c: {  	s17 =	sshll.u32 s0, $0xA;
	s2 =	sadd.s32 s3, s2  }
0x8d: {  	s2 =	sadd.s32 s2, s17  }
0x8e: {  	[smem:$0x3FB8] =	sst s2  }
0x8f: {  	_ = 	snop  }
0x90: {  	s2 =	sld [smem:$0x3FD0];
	(tm) =	ssettm $0x1  }
0x91: {  	s18 =	sld [smem:$0x3FFB];
	_ =	sdelay $0x3  }
0x92: {  	_ =	strace s18  }
0x93: {  	s3 =	sld [smem:$0x3FFC];
	_ =	sdelay $0x3  }
0x94: {  	_ =	strace s3  }
0x95: {  	s3 =	sld [smem:$0x3FFD];
	_ =	sdelay $0x3  }
0x96: {  	_ =	strace s3  }
0x97: {  	_ =	strace $0x8FFFFFFF  }
0x98: {  	s19 =	sld [smem:$0x3FDB];
	_ =	sdelay $0x1  }
0x99: {  	s4 =	simm.s32 $_scs_section_size  }
0x9a: {  	s5 =	simm.s32 $_size__tile_overlayer_lowered;
	s6 =	simm.s32 $_tile_overlayer_lowered  }
0x9b: {  	s22 =	simm.s32 $0x1BFF;
	s21 =	sshll.u32 s6, $0x1;
	s3 =	sadd.s32 s4, s19  }
0x9c: {  	s7 =	simm.s32 $0x0;
	s20 =	sshll.u32 s5, $0x1;
	s5 =	sadd.s32 s21, s3  }
0x9d: {  	[timem:s7], [sflag:s22] =	dma.local [hbm:s5], s20  }
0x9e: {  	_ =	swait.ge [sflag:s22], s20  }
0x9f: {  	s4 =	ssub.s32 $0x0, s20;
	[sflag:s22] =	ssyncset.done $0x0  }
0xa0: {  	[sflag:s22] =	ssyncadd.s32 s4;
	_ =	sdelay $0x1  }
0xa1: {  	s23 =	simm.s32 $0x1B8B  }
0xa2: {  	_ =	swait.ge [sflag:s23], $0x1  }
0xa3: {  	[sflag:s23] =	ssyncset.done $0x0  }
0xa4: {  	s25 =	simm.s32 $0x1B8E;
	s24 =	sld [smem:$0x3FFE];
	[sflag:s23] =	ssyncadd.s32 $0xFFFFFFFF  }
0xa5: {  	s26 =	simm.s32 $execute0_lowered;
	[smem:$0x3FD2] =	sst s25  }
0xa6: {  	s5 =	sshll.u32 s26, $0x1;
	_ =	strace $0x8000004F;
	[dreg:$0x1] =	wrdreg $0xFFFFFFFF  }
0xa7: {  	s28 =	simm.s32 $_size_execute0_lowered;
	s3 =	sadd.s32 s3, s5;
	[dreg:$0x0] =	wrdreg $0x0  }
0xa8: {  	s5 =	sshll.u32 s28, $0x1;
	[dreg:$0x2] =	wrdreg s3  }
0xa9: {  	[dreg:$0x3] =	wrdreg s5  }
0xaa: {  	[dreg:$0x4] =	wrdreg $0xC0  }
0xab: {  	_ =	task [dreg:s7], $0x5FFFF  }
0xac: {  	[dreg:$0x1] =	wrdreg $0xFFFFFFFF  }
0xad: {  	[dreg:$0x0] =	wrdreg $0x60  }
0xae: {  	[dreg:$0x2] =	wrdreg s24  }
0xaf: {  	[dreg:$0x3] =	wrdreg s2  }
0xb0: {  	[dreg:$0x4] =	wrdreg $0xA0000  }
0xb1: {  	[dreg:$0x5] =	wrdreg $0x9  }
0xb2: {  	_ =	task.clear_ibuf [dreg:s7], $0x6FFFF;
	_ =	strace $0x9000004F  }
0xb3: {  	s29 =	simm.s32 $0x9;
	_ =	strace $0x80000051  }
0xb4: {  	_ =	swait.ge [sflag:s29], $0x1  }
0xb5: {  	[sflag:s29] =	ssyncadd.s32 $0xFFFFFFFF  }
0xb6: {  	_ =	strace $0x90000051  }
0xb7: {  	_ =	sfence  }
0xb8: {  	s30 =	sld [smem:$0x0];
	_ =	sdelay $0x2  }
0xb9: {  	s31 =	sshll.u32 s1, $0xD;
	s1 =	sshrl.u32 s1, $0x2  }
0xba: {  	s3 =	sand.u32 $0x4000, s31;
	s1 =	sadd.s32 s1, s30  }
0xbb: {  	s0 =	sor.u32 s3, s0;
	s1 =	sshll.u32 s1, $0x11  }
0xbc: {  	s0 =	sor.u32 s1, s0  }
0xbd: {  	s0 =	sadd.s32 $0x8F2B, s0  }
0xbe: {  	[sflag:s0] =	ssyncadd.remote.s32 $0x1  }
0xbf: {  	_ =	sfence.sel $0xFFFF  }
0xc0: {  	[dreg:$0x0] =	wrdreg $0xFFFFFFFF;
	(pc) =	sbr.abs _section_cstart, $3  }
0xc1: {  	[dreg:$0x1] =	wrdreg $0xFFFFFFFF  }
0xc2: {  	_ =	task.clear_ibuf [dreg:s7], $0x2FFFF;
	_ =	strace $0x9FFFFFFF  }
0xc3: {  	(tm) =	ssettm $0x7FFFFFFF  }
tec
execute0_lowered:
.L_overlay_start_1:
0x0: {  	(tag) =	ssettag $0x1  }
0x1: {  	s4 =	rddreg [dreg:$0x0]  }
0x2: {  	s5 =	rddreg [dreg:$0x1]  }
0x3: {  	s1 =	rddreg [dreg:$0x2]  }
0x4: {  	s0 =	rddreg [dreg:$0x3];
	s2 =	simm.s32 $0x0;
	s7 =	stileid.u32  }
0x5: {  	s6 =	srdreg.scid;
	s13 =	simm.s32 $0x80;
	s14 =	simm.s32 $0x2  }
0x6: {  	s15 =	simm.s32 $0x0;
	[smem:$0x7FF] =	sst s2;
	s3 =	sshll.u32 s7, $0x12  }
0x7: {  	s6 =	sand.u32 $0x1, s6;
	s11 =	sshll.u32 s7, $0xE;
	p0 =	sne.s32 s7, $0x0  }
0x8: {  	_ =	strace $0x80000050;
	s8 =	sadd.s32 s3, s4;
	s9 =	sshll.u32 s6, $0xD  }
0x9: {  	s10 =	ssub.s32 $0x2, s6;
	s3 =	sadd.s32 $0x40F400, s4;
	s31 =	sshll.u32 s6, $0x11  }
0xa: {  	s12 =	sshrl.u32 s10, $0x1;
	s11 =	sor.u32 s9, s11;
	s9 =	sadd.s32 s9, s4  }
0xb: {  	s8 =	sadd.s32 s31, s8;
	s10 =	ssub.s32 s10, s12;
	s30 =	sshrl.u32 s11, $0x3  }
0xc: {  	s7 =	sadd.s32 $0xDA00, s8;
	s8 =	sshrl.u32 @!p0 s1, $0x3;
	s11 =	simm.s32 $0x6000  }
0xd: {  	s12 =	simm.s32 $0x1;
	s4 =	sadd.s32 s5, s30;
	s5 =	sadd.s32 $0x411400, s9  }
0xe: {  	s6 =	smax.u32 s10, $0x1;
	s9 =	simm.s32 $0x3;
	s10 =	simm.s32 $0x2000  }
.LBB2_1:
0xf: {  	s16 =	simm.s32 @!p0 $0x1C03  }
0x10: {  	[spmem:s8], [sflag:s16] =	dma.local @!p0 [hbm:s3], $0x2000  }
0x11: {  	s16 =	simm.s32 @!p0 $0x3  }
0x12: {  	_ =	swait.ge @!p0 [sflag:s16], $0x2000  }
0x13: {  	[sflag:s16] =	ssyncset.done @!p0 $0x0  }
0x14: {  	[sflag:s16] =	ssyncadd.s32 @!p0 $0xFFFFE000  }
0x15: {  	[bflag:$0x0] =	sbarrier.arrive $0xFFFF  }
0x16: {  	[tilespmem:s2], [sflag:$0x3] =	stream.linear.gather [hbm4b:s4+s2], $0x2000, $0x38;
	[tilespmem:$0xB000] =	vst v63  }
0x17: {  	_ =	swait.ge [sflag:s9], $0x2000  }
0x18: {  	[sflag:s9] =	ssyncset.done $0x0  }
0x19: {  	s29 =	sadd.s32 $0xFFFFF800, s7;
	[sflag:s9] =	ssyncadd.s32 $0xFFFFE000  }
0x1a: {  	[tilespmem:s10], [sflag:$0x1] =	stream.linear.gather [hbm4b:s29+s2], $0x4000, $0x38;
	[tilespmem:$0xB000] =	vst v63  }
0x1b: {  	_ = 	snop  }
0x1c: {  	[tilespmem:s11], [sflag:$0x2] =	stream.linear.gather [hbm4b:s7+s2], $0x4000, $0x38;
	[tilespmem:$0xB000] =	vst v63  }
0x1d: {  	_ =	swait.ge [sflag:s12], $0x4000  }
0x1e: {  	[sflag:s12] =	ssyncset.done $0x0  }
0x1f: {  	s30 =	simm.s32 $0x0;
	[sflag:s12] =	ssyncadd.s32 $0xFFFFC000  }
0x20: {  	[spmem:s1] =	stream.indirect.scatter.add.f32 [tilespmem:s10], [sflag:$0x3], $0x80, s30, s13, $0xb8;
	[tilespmem:$0xB000] =	vst v63  }
0x21: {  	_ =	swait.ge [sflag:s9], $0x4000  }
0x22: {  	[sflag:s9] =	ssyncset.done $0x0  }
0x23: {  	[sflag:s9] =	ssyncadd.s32 $0xFFFFC000  }
0x24: {  	_ =	swait.ge [sflag:s14], $0x4000  }
0x25: {  	[sflag:s14] =	ssyncset.done $0x0  }
0x26: {  	s31 =	simm.s32 $0x80;
	[sflag:s14] =	ssyncadd.s32 $0xFFFFC000  }
0x27: {  	[spmem:s1] =	stream.indirect.scatter.add.f32 [tilespmem:s11], [sflag:$0x3], $0x80, s31, s13, $0xb8;
	[tilespmem:$0xB000] =	vst v63  }
0x28: {  	s18 =	simm.s32 $0x800;
	_ =	swait.ge [sflag:s9], $0x4000  }
0x29: {  	s17 =	sadd.s32 $0x1000, s7;
	s16 =	simm.s32 $0x400;
	[sflag:s9] =	ssyncset.done $0x0  }
.LBB2_2:
0x2a: {  	p1 =	sne.s32 s18, $0x7C00;
	s19 =	sadd.s32 $0xFFFFF800, s17;
	[sflag:s9] =	ssyncadd.s32 $0xFFFFC000  }
0x2b: {  	[tilespmem:s10], [sflag:$0x1] =	stream.linear.gather [hbm4b:s19+s2], $0x4000, $0x38;
	[tilespmem:$0xB000] =	vst v63  }
0x2c: {  	s19 =	smov.u32 s18;
	s18 =	sadd.s32 $0x400, s18  }
0x2d: {  	[tilespmem:s11], [sflag:$0x2] =	stream.linear.gather [hbm4b:s17+s2], $0x4000, $0x38;
	[tilespmem:$0xB000] =	vst v63  }
0x2e: {  	_ =	swait.ge [sflag:s12], $0x4000  }
0x2f: {  	[sflag:s12] =	ssyncset.done $0x0  }
0x30: {  	s20 =	sshra.s32 s16, $0x2;
	s16 =	smov.u32 s19;
	[sflag:s12] =	ssyncadd.s32 $0xFFFFC000  }
0x31: {  	[spmem:s1] =	stream.indirect.scatter.add.f32 [tilespmem:s10], [sflag:$0x3], $0x80, s20, s13, $0xb8;
	[tilespmem:$0xB000] =	vst v63  }
0x32: {  	_ =	swait.ge [sflag:s9], $0x4000  }
0x33: {  	[sflag:s9] =	ssyncset.done $0x0  }
0x34: {  	[sflag:s9] =	ssyncadd.s32 $0xFFFFC000  }
0x35: {  	_ =	swait.ge [sflag:s14], $0x4000  }
.Ltmp0:
0x36: {  	[sflag:s14] =	ssyncset.done $0x0;
	(pc) =	sbr.rel @p1 .LBB2_2-.Ltmp0, $4  }
0x37: {  	s19 =	sadd.s32 $0x80, s20;
	[sflag:s14] =	ssyncadd.s32 $0xFFFFC000  }
0x38: {  	[spmem:s1] =	stream.indirect.scatter.add.f32 [tilespmem:s11], [sflag:$0x3], $0x80, s19, s13, $0xb8;
	[tilespmem:$0xB000] =	vst v63  }
0x39: {  	_ =	swait.ge [sflag:s9], $0x4000  }
0x3a: {  	s17 =	sadd.s32 $0x1000, s17;
	[sflag:s9] =	ssyncset.done $0x0  }
0x3b: {  	s18 =	sadd.s32 $0xFFFFF800, s17;
	[sflag:s9] =	ssyncadd.s32 $0xFFFFC000  }
0x3c: {  	[tilespmem:s10], [sflag:$0x1] =	stream.linear.gather [hbm4b:s18+s2], $0x4000, $0x38;
	[tilespmem:$0xB000] =	vst v63  }
0x3d: {  	_ = 	snop  }
0x3e: {  	[tilespmem:s11], [sflag:$0x2] =	stream.linear.gather [hbm4b:s17+s2], $0x4000, $0x38;
	[tilespmem:$0xB000] =	vst v63  }
0x3f: {  	_ =	swait.ge [sflag:s12], $0x4000  }
0x40: {  	[sflag:s12] =	ssyncset.done $0x0  }
0x41: {  	s16 =	sshra.s32 s16, $0x2;
	[sflag:s12] =	ssyncadd.s32 $0xFFFFC000  }
0x42: {  	[spmem:s1] =	stream.indirect.scatter.add.f32 [tilespmem:s10], [sflag:$0x3], $0x80, s16, s13, $0xb8;
	[tilespmem:$0xB000] =	vst v63  }
0x43: {  	_ =	swait.ge [sflag:s9], $0x4000  }
0x44: {  	[sflag:s9] =	ssyncset.done $0x0  }
0x45: {  	[sflag:s9] =	ssyncadd.s32 $0xFFFFC000  }
0x46: {  	_ =	swait.ge [sflag:s14], $0x4000  }
0x47: {  	[sflag:s14] =	ssyncset.done $0x0  }
0x48: {  	s16 =	sadd.s32 $0x80, s16;
	[sflag:s14] =	ssyncadd.s32 $0xFFFFC000  }
0x49: {  	[spmem:s1] =	stream.indirect.scatter.add.f32 [tilespmem:s11], [sflag:$0x3], $0x80, s16, s13, $0xb8;
	[tilespmem:$0xB000] =	vst v63  }
0x4a: {  	_ =	swait.ge [sflag:s9], $0x4000  }
0x4b: {  	[sflag:s9] =	ssyncset.done $0x0  }
0x4c: {  	s15 =	sadd.s32 $0x1, s15;
	[sflag:s9] =	ssyncadd.s32 $0xFFFFC000  }
0x4d: {  	p1 =	sne.s32 s15, s6;
	s16 =	simm.s32 @!p0 $0x1C03;
	[bflag:$0x0] =	sbarrier.arrive $0xFFFF  }
0x4e: {  	[hbm:s5], [sflag:s16] =	dma.local @!p0 [spmem:s8], $0x2000  }
.Ltmp1:
0x4f: {  	_ = 	snop;
	(pc) =	sbr.rel @p1 .LBB2_1-.Ltmp1, $4  }
0x50: {  	s16 =	simm.s32 @!p0 $0x3  }
0x51: {  	_ =	swait.ge @!p0 [sflag:s16], $0x2000  }
0x52: {  	[sflag:s16] =	ssyncset.done @!p0 $0x0  }
0x53: {  	[sflag:s16] =	ssyncadd.s32 @!p0 $0xFFFFE000  }
0x54: {  	_ =	sfence.sel $0x180000  }
0x55: {  	[bflag:$0x0] =	sbarrier.arrive $0xFFFF  }
0x56: {  	_ =	strace $0x90000050  }
0x57: {  	s0 =	sadd.s32 @!p0 $0x100000, s0;
	[bflag:$0x2] =	sbarrier.arrive $0xFFFF  }
0x58: {  	[sflag:s0] =	ssyncadd.tile.s32 @!p0 $0x1;
	_ =	shalt  }
.Lfunc_end2:
_tile_overlayer_lowered:
.L_overlay_start_2:
0x59: {  	(tag) =	ssettag $0x2  }
0x5a: {  	s0 =	rddreg [dreg:$0x0];
	s2 =	stileid.u32  }
0x5b: {  	s1 =	rddreg [dreg:$0x1];
	p0 =	sne.s32 s2, $0x0  }
0x5c: {  	s3 =	rddreg [dreg:$0x2];
	[bflag:$0x3] =	sbarrier.arrive $0xFFFF;
	s2 =	simm.s32 @!p0 $0x1C03  }
0x5d: {  	[timem:s3], [sflag:s2] =	dma.local @!p0 [hbm:s0], s1  }
0x5e: {  	s0 =	simm.s32 @!p0 $0x3  }
0x5f: {  	_ =	swait.ge @!p0 [sflag:s0], s1  }
0x60: {  	s1 =	ssub.s32 @!p0 $0x0, s1;
	[sflag:s0] =	ssyncset.done @!p0 $0x0  }
0x61: {  	[sflag:s0] =	ssyncadd.s32 @!p0 s1  }
0x62: {  	[bflag:$0x3] =	sbarrier.arrive $0xFFFF  }
0x63: {  	_ =	shalt  }

// kernel: kernel.30.cloned.1.call-start
scs
__scs_entry_jumppad:
0x0: {  	(pc) =	sbr.rel $0x88, $3  }
0x1: {  	(tag) =	ssettag $0x0;
	lr =	simm.s32 $0x1  }
0x2: {  	[smem:$0x3F91] =	sst lr;
	_ =	strace $0xD0000000  }
0x3: {  	_ = 	snop  }
0x4: {  	_ = 	snop  }
0x5: {  	_ = 	snop  }
0x6: {  	_ = 	snop  }
0x7: {  	_ = 	snop  }
__scs_overlays_trampoline_lowered:
0x8: {  	[smem:$0x3FA0] =	sst s0  }
0x9: {  	[smem:$0x3FA1] =	sst s1  }
0xa: {  	[smem:$0x3FA2] =	sst s2  }
0xb: {  	[smem:$0x3FA3] =	sst s3  }
0xc: {  	[smem:$0x3FA4] =	sst s4  }
0xd: {  	[smem:$0x3FA5] =	sst s5  }
0xe: {  	[smem:$0x3FA6] =	sst s6  }
0xf: {  	[smem:$0x3FA7] =	sst s7  }
0x10: {  	[smem:$0x3FA8] =	sst s8  }
0x11: {  	[smem:$0x3FA9] =	sst s9;
	s0 =	simm.s32 @!p0 $0x0  }
0x12: {  	s1 =	sld [smem:$0x3F8F];
	s0 =	simm.s32 @p0 $0x1  }
0x13: {  	[smem:$0x3FAA] =	sst s0;
	s0 =	simm.s32 @!p1 $0x0  }
0x14: {  	s2 =	sld [smem:$0x3F8E];
	s0 =	simm.s32 @p1 $0x1  }
0x15: {  	[smem:$0x3FAB] =	sst s0;
	s0 =	simm.s32 @!p2 $0x0  }
0x16: {  	s3 =	sld [smem:$0x3FDB];
	s0 =	simm.s32 @p2 $0x1  }
0x17: {  	s4 =	simm.s32 $0x1BF5;
	[smem:$0x3FAD] =	sst s0  }
0x18: {  	s0 =	sld [smem:$0x3F90];
	_ =	swait.ge [sflag:s4], $0x0  }
0x19: {  	s7 =	sld [smem:$0x3F91]  }
0x1a: {  	s8 =	sadd.s32 $0xFFFFE003, lr  }
0x1b: {  	s9 =	sadd.s32 $0xFFFFFEF7, lr;
	s5 =	simm.s32 $0xFFFFFFFF;
	p2 =	slt.u32 s8, $0xFFFFF086  }
0x1c: {  	p1 =	slt.u32 s9, $0xF7A;
	s5 =	simm.s32 @!p2 $0x0  }
0x1d: {  	s5 =	simm.s32 @p1 $0x1;
	p0 =	seq.s32 s7, s2  }
0x1e: {  	s7 =	smul.u32 @!p0 $0xF7A, s2;
	p2 =	seq.s32 @!p0 s5, $0x0  }
0x1f: {  	s9 =	smul.u32 $0xF7A, s1;
	s8 =	simm.s32 @!p0 $0x1BF5;
	p2 =	por !p2, p0  }
0x20: {  	[sflag:s8] =	ssyncset.s32 @!p0 $0xFFFFF086;
	s6 =	sadd.s32 @!p0 s3, s7;
	s7 =	simm.s32 @!p0 $0x108  }
0x21: {  	s3 =	sadd.s32 s3, s9;
	s6 =	sadd.s32 @!p0 $0x88, s6;
	s7 =	simm.s32 @p2 $0x1082  }
0x22: {  	[simem:s7], [sflag:s8] =	dma.local @!p0 [hbm:s6], $0xF7A  }
0x23: {  	s9 =	sor.u32 $0xD0000000, s2;
	s6 =	simm.s32 $0x108;
	_ =	swait.ge @!p0 [sflag:s8], $0x0  }
0x24: {  	s3 =	sadd.s32 $0x88, s3;
	s6 =	simm.s32 @!p1 $0x1082;
	[sflag:s4] =	ssyncset.s32 $0xFFFFF086  }
0x25: {  	[simem:s6], [sflag:s4] =	dma.local [hbm:s3], $0xF7A  }
0x26: {  	[smem:$0x3F91] =	sst s1;
	(tag) =	ssettag s2;
	_ =	strace s9  }
0x27: {  	s1 =	sld [smem:$0x3FA1]  }
0x28: {  	s2 =	sld [smem:$0x3FA2]  }
0x29: {  	s4 =	sld [smem:$0x3FA4]  }
0x2a: {  	p0 =	seq.s32 s5, $0x0;
	s5 =	sld [smem:$0x3FA5]  }
0x2b: {  	s6 =	sld [smem:$0x3FA6]  }
0x2c: {  	s7 =	sld [smem:$0x3FA7]  }
0x2d: {  	s3 =	simm.s32 $0x108;
	s8 =	sld [smem:$0x3FA8]  }
0x2e: {  	s3 =	simm.s32 @!p0 $0x1082;
	s9 =	sld [smem:$0x3FA9]  }
0x2f: {  	lr =	sadd.s32 s0, s3;
	s0 =	sld [smem:$0x3FA0]  }
0x30: {  	s3 =	sld [smem:$0x3FA3]  }
0x31: {  	[smem:$0x3FAC] =	sst s10  }
0x32: {  	s10 =	sld [smem:$0x3FAA];
	_ =	sdelay $0x3  }
0x33: {  	p0 =	seq.s32 s10, $0x1;
	s10 =	sld [smem:$0x3FAC];
	_ =	sdelay $0x3  }
0x34: {  	[smem:$0x3FAC] =	sst s10  }
0x35: {  	s10 =	sld [smem:$0x3FAB];
	_ =	sdelay $0x3  }
0x36: {  	p1 =	seq.s32 s10, $0x1;
	s10 =	sld [smem:$0x3FAC];
	_ =	sdelay $0x3  }
0x37: {  	[smem:$0x3FAC] =	sst s10  }
0x38: {  	s10 =	sld [smem:$0x3FAD]  }
0x39: {  	_ = 	snop;
	(pc) =	sbr.ind lr, $3  }
0x3a: {  	_ = 	snop  }
0x3b: {  	_ = 	snop  }
0x3c: {  	p2 =	seq.s32 s10, $0x1;
	s10 =	sld [smem:$0x3FAC]  }
0x3d: {  	_ =	shalt  }
0x3e: {  	_ =	shalt  }
0x3f: {  	_ =	shalt  }
0x40: {  	_ =	shalt  }
0x41: {  	_ =	shalt  }
0x42: {  	_ =	shalt  }
0x43: {  	_ =	shalt  }
0x44: {  	_ =	shalt  }
0x45: {  	_ =	shalt  }
0x46: {  	_ =	shalt  }
0x47: {  	_ =	shalt  }
0x48: {  	_ =	shalt  }
0x49: {  	_ =	shalt  }
0x4a: {  	_ =	shalt  }
0x4b: {  	_ =	shalt  }
0x4c: {  	_ =	shalt  }
0x4d: {  	_ =	shalt  }
0x4e: {  	_ =	shalt  }
0x4f: {  	_ =	shalt  }
0x50: {  	_ =	shalt  }
0x51: {  	_ =	shalt  }
0x52: {  	_ =	shalt  }
0x53: {  	_ =	shalt  }
0x54: {  	_ =	shalt  }
0x55: {  	_ =	shalt  }
0x56: {  	_ =	shalt  }
0x57: {  	_ =	shalt  }
0x58: {  	_ =	shalt  }
0x59: {  	_ =	shalt  }
0x5a: {  	_ =	shalt  }
0x5b: {  	_ =	shalt  }
0x5c: {  	_ =	shalt  }
0x5d: {  	_ =	shalt  }
0x5e: {  	_ =	shalt  }
0x5f: {  	_ =	shalt  }
0x60: {  	_ =	shalt  }
0x61: {  	_ =	shalt  }
0x62: {  	_ =	shalt  }
0x63: {  	_ =	shalt  }
0x64: {  	_ =	shalt  }
0x65: {  	_ =	shalt  }
0x66: {  	_ =	shalt  }
0x67: {  	_ =	shalt  }
0x68: {  	_ =	shalt  }
0x69: {  	_ =	shalt  }
0x6a: {  	_ =	shalt  }
0x6b: {  	_ =	shalt  }
0x6c: {  	_ =	shalt  }
0x6d: {  	_ =	shalt  }
0x6e: {  	_ =	shalt  }
0x6f: {  	_ =	shalt  }
0x70: {  	_ =	shalt  }
0x71: {  	_ =	shalt  }
0x72: {  	_ =	shalt  }
0x73: {  	_ =	shalt  }
0x74: {  	_ =	shalt  }
0x75: {  	_ =	shalt  }
0x76: {  	_ =	shalt  }
0x77: {  	_ =	shalt  }
0x78: {  	_ =	shalt  }
0x79: {  	_ =	shalt  }
0x7a: {  	_ =	shalt  }
0x7b: {  	_ =	shalt  }
0x7c: {  	_ =	shalt  }
0x7d: {  	_ =	shalt  }
0x7e: {  	_ =	shalt  }
0x7f: {  	_ =	shalt  }
0x80: {  	_ =	shalt  }
0x81: {  	_ =	shalt  }
0x82: {  	_ =	shalt  }
0x83: {  	_ =	shalt  }
0x84: {  	_ =	shalt  }
0x85: {  	_ =	shalt  }
0x86: {  	_ =	shalt  }
0x87: {  	_ =	shalt  }
.Lfunc_end0:
.L_simem_size_0:
called_computation.4_lowered:
.L_overlay_start_0:
0x88: {  	s2 =	sld [smem:$0x3FD9]  }
0x89: {  	s3 =	sld [smem:$0x3FFE];
	_ =	sdelay $0x1  }
0x8a: {  	s1 =	srdreg.scid  }
0x8b: {  	s0 =	sand.u32 $0x1, s1  }
0x8c: {  	s16 =	sshll.u32 s0, $0xA;
	s2 =	sadd.s32 s3, s2  }
0x8d: {  	s2 =	sadd.s32 s2, s16  }
0x8e: {  	[smem:$0x3FB8] =	sst s2  }
0x8f: {  	_ = 	snop  }
0x90: {  	(tm) =	ssettm $0x1  }
0x91: {  	s17 =	sld [smem:$0x3FFB];
	_ =	sdelay $0x3  }
0x92: {  	_ =	strace s17  }
0x93: {  	s2 =	sld [smem:$0x3FFC];
	_ =	sdelay $0x3  }
0x94: {  	_ =	strace s2  }
0x95: {  	s2 =	sld [smem:$0x3FFD];
	_ =	sdelay $0x3  }
0x96: {  	_ =	strace s2  }
0x97: {  	_ =	strace $0x8FFFFFFF  }
0x98: {  	s18 =	sld [smem:$0x3FDB];
	_ =	sdelay $0x1  }
0x99: {  	s19 =	simm.s32 $_scs_section_size  }
0x9a: {  	s4 =	simm.s32 $_size__tile_overlayer_lowered;
	s5 =	simm.s32 $_tile_overlayer_lowered  }
0x9b: {  	s22 =	simm.s32 $0x1BFF;
	s21 =	sshll.u32 s5, $0x1;
	s2 =	sadd.s32 s19, s18  }
0x9c: {  	s6 =	simm.s32 $0x0;
	s20 =	sshll.u32 s4, $0x1;
	s4 =	sadd.s32 s21, s2  }
0x9d: {  	[timem:s6], [sflag:s22] =	dma.local [hbm:s4], s20  }
0x9e: {  	_ =	swait.ge [sflag:s22], s20  }
0x9f: {  	s3 =	ssub.s32 $0x0, s20;
	[sflag:s22] =	ssyncset.done $0x0  }
0xa0: {  	[sflag:s22] =	ssyncadd.s32 s3;
	_ =	sdelay $0x1  }
0xa1: {  	s23 =	simm.s32 $0x1B8B  }
0xa2: {  	_ =	swait.ge [sflag:s23], $0x1  }
0xa3: {  	[sflag:s23] =	ssyncset.done $0x0  }
0xa4: {  	s25 =	simm.s32 $0x1B8E;
	s24 =	sld [smem:$0x3FFE];
	[sflag:s23] =	ssyncadd.s32 $0xFFFFFFFF  }
0xa5: {  	s26 =	simm.s32 $execute0_lowered;
	[smem:$0x3FD2] =	sst s25  }
0xa6: {  	s4 =	sshll.u32 s26, $0x1;
	_ =	strace $0x80000052;
	[dreg:$0x1] =	wrdreg $0xFFFFFFFF  }
0xa7: {  	s28 =	simm.s32 $_size_execute0_lowered;
	s2 =	sadd.s32 s2, s4;
	[dreg:$0x0] =	wrdreg $0x0  }
0xa8: {  	s4 =	sshll.u32 s28, $0x1;
	[dreg:$0x2] =	wrdreg s2  }
0xa9: {  	[dreg:$0x3] =	wrdreg s4  }
0xaa: {  	[dreg:$0x4] =	wrdreg $0xC0  }
0xab: {  	_ =	task [dreg:s6], $0x5FFFF  }
0xac: {  	[dreg:$0x1] =	wrdreg $0xFFFFFFFF  }
0xad: {  	[dreg:$0x0] =	wrdreg $0x60  }
0xae: {  	[dreg:$0x2] =	wrdreg s24  }
0xaf: {  	[dreg:$0x3] =	wrdreg $0x9  }
0xb0: {  	_ =	task.clear_ibuf [dreg:s6], $0x4FFFF;
	_ =	strace $0x90000052  }
0xb1: {  	s29 =	simm.s32 $0x9;
	_ =	strace $0x80000054  }
0xb2: {  	_ =	swait.ge [sflag:s29], $0x1  }
0xb3: {  	[sflag:s29] =	ssyncadd.s32 $0xFFFFFFFF  }
0xb4: {  	_ =	strace $0x90000054  }
0xb5: {  	_ =	sfence  }
0xb6: {  	s30 =	sld [smem:$0x0];
	_ =	sdelay $0x2  }
0xb7: {  	s31 =	sshll.u32 s1, $0xD;
	s1 =	sshrl.u32 s1, $0x2  }
0xb8: {  	s3 =	sand.u32 $0x4000, s31;
	s1 =	sadd.s32 s1, s30  }
0xb9: {  	s0 =	sor.u32 s3, s0;
	s1 =	sshll.u32 s1, $0x11  }
0xba: {  	s0 =	sor.u32 s1, s0  }
0xbb: {  	s0 =	sadd.s32 $0x8F2B, s0  }
0xbc: {  	[sflag:s0] =	ssyncadd.remote.s32 $0x1  }
0xbd: {  	_ =	sfence.sel $0xFFFF  }
0xbe: {  	[dreg:$0x0] =	wrdreg $0xFFFFFFFF;
	(pc) =	sbr.abs _section_cstart, $3  }
0xbf: {  	[dreg:$0x1] =	wrdreg $0xFFFFFFFF  }
0xc0: {  	_ =	task.clear_ibuf [dreg:s6], $0x2FFFF;
	_ =	strace $0x9FFFFFFF  }
0xc1: {  	(tm) =	ssettm $0x7FFFFFFF  }
tec
execute0_lowered:
.L_overlay_start_1:
0x0: {  	(tag) =	ssettag $0x1  }
0x1: {  	s4 =	rddreg [dreg:$0x0];
	s2 =	srdreg.scid  }
0x2: {  	s0 =	rddreg [dreg:$0x1];
	s1 =	stileid.u32  }
0x3: {  	s9 =	simm.s32 $0x2000;
	s10 =	simm.s32 $0x6000;
	s11 =	simm.s32 $0x1  }
0x4: {  	s12 =	simm.s32 $0x2;
	s13 =	simm.s32 $0x0;
	s5 =	sand.u32 $0x1, s2  }
0x5: {  	s2 =	simm.s32 $0x0;
	s3 =	sshll.u32 s1, $0xE;
	s7 =	sshll.u32 s1, $0x12  }
0x6: {  	s6 =	sshll.u32 s5, $0xD;
	[smem:$0x7FF] =	sst s2;
	s8 =	ssub.s32 $0x2, s5  }
0x7: {  	s7 =	sadd.s32 s7, s4;
	s5 =	sshll.u32 s5, $0x11;
	s6 =	sor.u32 s6, s3  }
0x8: {  	_ =	strace $0x80000053;
	s3 =	sadd.s32 $0xD200, s4;
	s30 =	sshrl.u32 s8, $0x1  }
0x9: {  	s31 =	sadd.s32 s5, s7;
	s6 =	sshrl.u32 s6, $0x3;
	s8 =	ssub.s32 s8, s30  }
0xa: {  	s7 =	simm.s32 $0x3;
	s6 =	sadd.s32 s6, s4;
	s5 =	smax.u32 s8, $0x1  }
0xb: {  	s8 =	simm.s32 $0x80;
	s4 =	sadd.s32 $0x5200, s6;
	s6 =	sadd.s32 $0x411C00, s31  }
.LBB2_1:
0xc: {  	[tilespmem:s2], [sflag:$0x3] =	stream.linear.gather [hbm4b:s4+s2], $0x2000, $0x38;
	[tilespmem:$0xA000] =	vst v63  }
0xd: {  	_ =	swait.ge [sflag:s7], $0x2000  }
0xe: {  	[sflag:s7] =	ssyncset.done $0x0  }
0xf: {  	s14 =	simm.s32 $0x0;
	[sflag:s7] =	ssyncadd.s32 $0xFFFFE000  }
0x10: {  	[tilespmem:s9], [sflag:$0x1] =	stream.indirect.gather [hbm4b:s3+s8], $0x80, s14, s8, $0xb8;
	[tilespmem:$0xA000] =	vst v63  }
0x11: {  	s30 =	simm.s32 $0x80  }
0x12: {  	[tilespmem:s10], [sflag:$0x2] =	stream.indirect.gather [hbm4b:s3+s8], $0x80, s30, s8, $0xb8;
	[tilespmem:$0xA000] =	vst v63  }
0x13: {  	_ =	swait.ge [sflag:s11], $0x4000  }
0x14: {  	[sflag:s11] =	ssyncset.done $0x0  }
0x15: {  	s31 =	sadd.s32 $0xFFFFF800, s6;
	[sflag:s11] =	ssyncadd.s32 $0xFFFFC000  }
0x16: {  	[hbm4b:s31+s2] =	stream.linear.scatter [tilespmem:s9], [sflag:$0x3], $0x4000, $0x38;
	[tilespmem:$0xA000] =	vst v63  }
0x17: {  	_ =	swait.ge [sflag:s7], $0x4000  }
0x18: {  	[sflag:s7] =	ssyncset.done $0x0  }
0x19: {  	[sflag:s7] =	ssyncadd.s32 $0xFFFFC000  }
0x1a: {  	_ =	swait.ge [sflag:s12], $0x4000  }
0x1b: {  	[sflag:s12] =	ssyncset.done $0x0  }
0x1c: {  	[sflag:s12] =	ssyncadd.s32 $0xFFFFC000  }
0x1d: {  	[hbm4b:s6+s2] =	stream.linear.scatter [tilespmem:s10], [sflag:$0x3], $0x4000, $0x38;
	[tilespmem:$0xA000] =	vst v63  }
0x1e: {  	s15 =	simm.s32 $0x400;
	_ =	swait.ge [sflag:s7], $0x4000  }
0x1f: {  	s16 =	simm.s32 $0x800;
	s14 =	sadd.s32 $0x1000, s6;
	[sflag:s7] =	ssyncset.done $0x0  }
.LBB2_2:
0x20: {  	s17 =	sshra.s32 s15, $0x2  }
0x21: {  	[sflag:s7] =	ssyncadd.s32 $0xFFFFC000;
	s15 =	smov.u32 s16;
	s18 =	sadd.s32 $0x400, s16  }
0x22: {  	[tilespmem:s9], [sflag:$0x1] =	stream.indirect.gather [hbm4b:s3+s8], $0x80, s17, s8, $0xb8;
	[tilespmem:$0xA000] =	vst v63  }
0x23: {  	p0 =	sne.s32 s16, $0x7C00;
	s16 =	sadd.s32 $0x80, s17  }
0x24: {  	[tilespmem:s10], [sflag:$0x2] =	stream.indirect.gather [hbm4b:s3+s8], $0x80, s16, s8, $0xb8;
	[tilespmem:$0xA000] =	vst v63  }
0x25: {  	_ =	swait.ge [sflag:s11], $0x4000  }
0x26: {  	[sflag:s11] =	ssyncset.done $0x0  }
0x27: {  	s16 =	sadd.s32 $0xFFFFF800, s14;
	[sflag:s11] =	ssyncadd.s32 $0xFFFFC000  }
0x28: {  	[hbm4b:s16+s2] =	stream.linear.scatter [tilespmem:s9], [sflag:$0x3], $0x4000, $0x38;
	[tilespmem:$0xA000] =	vst v63  }
0x29: {  	_ =	swait.ge [sflag:s7], $0x4000  }
0x2a: {  	[sflag:s7] =	ssyncset.done $0x0  }
0x2b: {  	[sflag:s7] =	ssyncadd.s32 $0xFFFFC000  }
0x2c: {  	_ =	swait.ge [sflag:s12], $0x4000  }
.Ltmp0:
0x2d: {  	[sflag:s12] =	ssyncset.done $0x0;
	(pc) =	sbr.rel @p0 .LBB2_2-.Ltmp0, $4  }
0x2e: {  	[sflag:s12] =	ssyncadd.s32 $0xFFFFC000  }
0x2f: {  	[hbm4b:s14+s2] =	stream.linear.scatter [tilespmem:s10], [sflag:$0x3], $0x4000, $0x38;
	[tilespmem:$0xA000] =	vst v63  }
0x30: {  	_ =	swait.ge [sflag:s7], $0x4000  }
0x31: {  	s16 =	smov.u32 s18;
	s14 =	sadd.s32 $0x1000, s14;
	[sflag:s7] =	ssyncset.done $0x0  }
0x32: {  	s15 =	sshra.s32 s15, $0x2;
	[sflag:s7] =	ssyncadd.s32 $0xFFFFC000  }
0x33: {  	[tilespmem:s9], [sflag:$0x1] =	stream.indirect.gather [hbm4b:s3+s8], $0x80, s15, s8, $0xb8;
	[tilespmem:$0xA000] =	vst v63  }
0x34: {  	s15 =	sadd.s32 $0x80, s15  }
0x35: {  	[tilespmem:s10], [sflag:$0x2] =	stream.indirect.gather [hbm4b:s3+s8], $0x80, s15, s8, $0xb8;
	[tilespmem:$0xA000] =	vst v63  }
0x36: {  	_ =	swait.ge [sflag:s11], $0x4000  }
0x37: {  	[sflag:s11] =	ssyncset.done $0x0  }
0x38: {  	s31 =	sadd.s32 $0xFFFFF800, s14;
	[sflag:s11] =	ssyncadd.s32 $0xFFFFC000  }
0x39: {  	[hbm4b:s31+s2] =	stream.linear.scatter [tilespmem:s9], [sflag:$0x3], $0x4000, $0x38;
	[tilespmem:$0xA000] =	vst v63  }
0x3a: {  	_ =	swait.ge [sflag:s7], $0x4000  }
0x3b: {  	[sflag:s7] =	ssyncset.done $0x0  }
0x3c: {  	[sflag:s7] =	ssyncadd.s32 $0xFFFFC000  }
0x3d: {  	s13 =	sadd.s32 $0x1, s13;
	_ =	swait.ge [sflag:s12], $0x4000  }
0x3e: {  	p0 =	sne.s32 s13, s5;
	[sflag:s12] =	ssyncset.done $0x0  }
.Ltmp1:
0x3f: {  	[sflag:s12] =	ssyncadd.s32 $0xFFFFC000;
	(pc) =	sbr.rel @p0 .LBB2_1-.Ltmp1, $4  }
0x40: {  	[hbm4b:s14+s2] =	stream.linear.scatter [tilespmem:s10], [sflag:$0x3], $0x4000, $0x38;
	[tilespmem:$0xA000] =	vst v63  }
0x41: {  	_ =	swait.ge [sflag:s7], $0x4000  }
0x42: {  	[sflag:s7] =	ssyncset.done $0x0  }
0x43: {  	[sflag:s7] =	ssyncadd.s32 $0xFFFFC000  }
0x44: {  	_ =	sfence.sel $0x180000  }
0x45: {  	[bflag:$0x0] =	sbarrier.arrive $0xFFFF  }
0x46: {  	p0 =	sne.s32 s1, $0x0;
	_ =	strace $0x90000053  }
0x47: {  	s0 =	sadd.s32 @!p0 $0x100000, s0;
	[bflag:$0x2] =	sbarrier.arrive $0xFFFF  }
0x48: {  	[sflag:s0] =	ssyncadd.tile.s32 @!p0 $0x1;
	_ =	shalt  }
.Lfunc_end2:
_tile_overlayer_lowered:
.L_overlay_start_2:
0x49: {  	(tag) =	ssettag $0x2  }
0x4a: {  	s0 =	rddreg [dreg:$0x0];
	s2 =	stileid.u32  }
0x4b: {  	s1 =	rddreg [dreg:$0x1];
	p0 =	sne.s32 s2, $0x0  }
0x4c: {  	s3 =	rddreg [dreg:$0x2];
	[bflag:$0x3] =	sbarrier.arrive $0xFFFF;
	s2 =	simm.s32 @!p0 $0x1C03  }
0x4d: {  	[timem:s3], [sflag:s2] =	dma.local @!p0 [hbm:s0], s1  }
0x4e: {  	s0 =	simm.s32 @!p0 $0x3  }
0x4f: {  	_ =	swait.ge @!p0 [sflag:s0], s1  }
0x50: {  	s1 =	ssub.s32 @!p0 $0x0, s1;
	[sflag:s0] =	ssyncset.done @!p0 $0x0  }
0x51: {  	[sflag:s0] =	ssyncadd.s32 @!p0 s1  }
0x52: {  	[bflag:$0x3] =	sbarrier.arrive $0xFFFF  }
0x53: {  	_ =	shalt  }

// kernel: kernel.33.cloned.1.call-start
scs
__scs_entry_jumppad:
0x0: {  	(pc) =	sbr.rel $0x88, $3  }
0x1: {  	(tag) =	ssettag $0x0;
	lr =	simm.s32 $0x1  }
0x2: {  	[smem:$0x3F91] =	sst lr;
	_ =	strace $0xD0000000  }
0x3: {  	_ = 	snop  }
0x4: {  	_ = 	snop  }
0x5: {  	_ = 	snop  }
0x6: {  	_ = 	snop  }
0x7: {  	_ = 	snop  }
__scs_overlays_trampoline_lowered:
0x8: {  	[smem:$0x3FA0] =	sst s0  }
0x9: {  	[smem:$0x3FA1] =	sst s1  }
0xa: {  	[smem:$0x3FA2] =	sst s2  }
0xb: {  	[smem:$0x3FA3] =	sst s3  }
0xc: {  	[smem:$0x3FA4] =	sst s4  }
0xd: {  	[smem:$0x3FA5] =	sst s5  }
0xe: {  	[smem:$0x3FA6] =	sst s6  }
0xf: {  	[smem:$0x3FA7] =	sst s7  }
0x10: {  	[smem:$0x3FA8] =	sst s8  }
0x11: {  	[smem:$0x3FA9] =	sst s9;
	s0 =	simm.s32 @!p0 $0x0  }
0x12: {  	s1 =	sld [smem:$0x3F8F];
	s0 =	simm.s32 @p0 $0x1  }
0x13: {  	[smem:$0x3FAA] =	sst s0;
	s0 =	simm.s32 @!p1 $0x0  }
0x14: {  	s2 =	sld [smem:$0x3F8E];
	s0 =	simm.s32 @p1 $0x1  }
0x15: {  	[smem:$0x3FAB] =	sst s0;
	s0 =	simm.s32 @!p2 $0x0  }
0x16: {  	s3 =	sld [smem:$0x3FDB];
	s0 =	simm.s32 @p2 $0x1  }
0x17: {  	s4 =	simm.s32 $0x1BF5;
	[smem:$0x3FAD] =	sst s0  }
0x18: {  	s0 =	sld [smem:$0x3F90];
	_ =	swait.ge [sflag:s4], $0x0  }
0x19: {  	s7 =	sld [smem:$0x3F91]  }
0x1a: {  	s8 =	sadd.s32 $0xFFFFE003, lr  }
0x1b: {  	s9 =	sadd.s32 $0xFFFFFEF7, lr;
	s5 =	simm.s32 $0xFFFFFFFF;
	p2 =	slt.u32 s8, $0xFFFFF086  }
0x1c: {  	p1 =	slt.u32 s9, $0xF7A;
	s5 =	simm.s32 @!p2 $0x0  }
0x1d: {  	s5 =	simm.s32 @p1 $0x1;
	p0 =	seq.s32 s7, s2  }
0x1e: {  	s7 =	smul.u32 @!p0 $0xF7A, s2;
	p2 =	seq.s32 @!p0 s5, $0x0  }
0x1f: {  	s9 =	smul.u32 $0xF7A, s1;
	s8 =	simm.s32 @!p0 $0x1BF5;
	p2 =	por !p2, p0  }
0x20: {  	[sflag:s8] =	ssyncset.s32 @!p0 $0xFFFFF086;
	s6 =	sadd.s32 @!p0 s3, s7;
	s7 =	simm.s32 @!p0 $0x108  }
0x21: {  	s3 =	sadd.s32 s3, s9;
	s6 =	sadd.s32 @!p0 $0x88, s6;
	s7 =	simm.s32 @p2 $0x1082  }
0x22: {  	[simem:s7], [sflag:s8] =	dma.local @!p0 [hbm:s6], $0xF7A  }
0x23: {  	s9 =	sor.u32 $0xD0000000, s2;
	s6 =	simm.s32 $0x108;
	_ =	swait.ge @!p0 [sflag:s8], $0x0  }
0x24: {  	s3 =	sadd.s32 $0x88, s3;
	s6 =	simm.s32 @!p1 $0x1082;
	[sflag:s4] =	ssyncset.s32 $0xFFFFF086  }
0x25: {  	[simem:s6], [sflag:s4] =	dma.local [hbm:s3], $0xF7A  }
0x26: {  	[smem:$0x3F91] =	sst s1;
	(tag) =	ssettag s2;
	_ =	strace s9  }
0x27: {  	s1 =	sld [smem:$0x3FA1]  }
0x28: {  	s2 =	sld [smem:$0x3FA2]  }
0x29: {  	s4 =	sld [smem:$0x3FA4]  }
0x2a: {  	p0 =	seq.s32 s5, $0x0;
	s5 =	sld [smem:$0x3FA5]  }
0x2b: {  	s6 =	sld [smem:$0x3FA6]  }
0x2c: {  	s7 =	sld [smem:$0x3FA7]  }
0x2d: {  	s3 =	simm.s32 $0x108;
	s8 =	sld [smem:$0x3FA8]  }
0x2e: {  	s3 =	simm.s32 @!p0 $0x1082;
	s9 =	sld [smem:$0x3FA9]  }
0x2f: {  	lr =	sadd.s32 s0, s3;
	s0 =	sld [smem:$0x3FA0]  }
0x30: {  	s3 =	sld [smem:$0x3FA3]  }
0x31: {  	[smem:$0x3FAC] =	sst s10  }
0x32: {  	s10 =	sld [smem:$0x3FAA];
	_ =	sdelay $0x3  }
0x33: {  	p0 =	seq.s32 s10, $0x1;
	s10 =	sld [smem:$0x3FAC];
	_ =	sdelay $0x3  }
0x34: {  	[smem:$0x3FAC] =	sst s10  }
0x35: {  	s10 =	sld [smem:$0x3FAB];
	_ =	sdelay $0x3  }
0x36: {  	p1 =	seq.s32 s10, $0x1;
	s10 =	sld [smem:$0x3FAC];
	_ =	sdelay $0x3  }
0x37: {  	[smem:$0x3FAC] =	sst s10  }
0x38: {  	s10 =	sld [smem:$0x3FAD]  }
0x39: {  	_ = 	snop;
	(pc) =	sbr.ind lr, $3  }
0x3a: {  	_ = 	snop  }
0x3b: {  	_ = 	snop  }
0x3c: {  	p2 =	seq.s32 s10, $0x1;
	s10 =	sld [smem:$0x3FAC]  }
0x3d: {  	_ =	shalt  }
0x3e: {  	_ =	shalt  }
0x3f: {  	_ =	shalt  }
0x40: {  	_ =	shalt  }
0x41: {  	_ =	shalt  }
0x42: {  	_ =	shalt  }
0x43: {  	_ =	shalt  }
0x44: {  	_ =	shalt  }
0x45: {  	_ =	shalt  }
0x46: {  	_ =	shalt  }
0x47: {  	_ =	shalt  }
0x48: {  	_ =	shalt  }
0x49: {  	_ =	shalt  }
0x4a: {  	_ =	shalt  }
0x4b: {  	_ =	shalt  }
0x4c: {  	_ =	shalt  }
0x4d: {  	_ =	shalt  }
0x4e: {  	_ =	shalt  }
0x4f: {  	_ =	shalt  }
0x50: {  	_ =	shalt  }
0x51: {  	_ =	shalt  }
0x52: {  	_ =	shalt  }
0x53: {  	_ =	shalt  }
0x54: {  	_ =	shalt  }
0x55: {  	_ =	shalt  }
0x56: {  	_ =	shalt  }
0x57: {  	_ =	shalt  }
0x58: {  	_ =	shalt  }
0x59: {  	_ =	shalt  }
0x5a: {  	_ =	shalt  }
0x5b: {  	_ =	shalt  }
0x5c: {  	_ =	shalt  }
0x5d: {  	_ =	shalt  }
0x5e: {  	_ =	shalt  }
0x5f: {  	_ =	shalt  }
0x60: {  	_ =	shalt  }
0x61: {  	_ =	shalt  }
0x62: {  	_ =	shalt  }
0x63: {  	_ =	shalt  }
0x64: {  	_ =	shalt  }
0x65: {  	_ =	shalt  }
0x66: {  	_ =	shalt  }
0x67: {  	_ =	shalt  }
0x68: {  	_ =	shalt  }
0x69: {  	_ =	shalt  }
0x6a: {  	_ =	shalt  }
0x6b: {  	_ =	shalt  }
0x6c: {  	_ =	shalt  }
0x6d: {  	_ =	shalt  }
0x6e: {  	_ =	shalt  }
0x6f: {  	_ =	shalt  }
0x70: {  	_ =	shalt  }
0x71: {  	_ =	shalt  }
0x72: {  	_ =	shalt  }
0x73: {  	_ =	shalt  }
0x74: {  	_ =	shalt  }
0x75: {  	_ =	shalt  }
0x76: {  	_ =	shalt  }
0x77: {  	_ =	shalt  }
0x78: {  	_ =	shalt  }
0x79: {  	_ =	shalt  }
0x7a: {  	_ =	shalt  }
0x7b: {  	_ =	shalt  }
0x7c: {  	_ =	shalt  }
0x7d: {  	_ =	shalt  }
0x7e: {  	_ =	shalt  }
0x7f: {  	_ =	shalt  }
0x80: {  	_ =	shalt  }
0x81: {  	_ =	shalt  }
0x82: {  	_ =	shalt  }
0x83: {  	_ =	shalt  }
0x84: {  	_ =	shalt  }
0x85: {  	_ =	shalt  }
0x86: {  	_ =	shalt  }
0x87: {  	_ =	shalt  }
.Lfunc_end0:
.L_simem_size_0:
called_computation.5_lowered:
.L_overlay_start_0:
0x88: {  	s2 =	sld [smem:$0x3FD9]  }
0x89: {  	s3 =	sld [smem:$0x3FFE];
	_ =	sdelay $0x1  }
0x8a: {  	s1 =	srdreg.scid  }
0x8b: {  	s0 =	sand.u32 $0x1, s1  }
0x8c: {  	s17 =	sshll.u32 s0, $0xA;
	s2 =	sadd.s32 s3, s2  }
0x8d: {  	s2 =	sadd.s32 s2, s17  }
0x8e: {  	[smem:$0x3FB8] =	sst s2  }
0x8f: {  	_ = 	snop  }
0x90: {  	s2 =	sld [smem:$0x3FD0];
	(tm) =	ssettm $0x1  }
0x91: {  	s18 =	sld [smem:$0x3FFB];
	_ =	sdelay $0x3  }
0x92: {  	_ =	strace s18  }
0x93: {  	s3 =	sld [smem:$0x3FFC];
	_ =	sdelay $0x3  }
0x94: {  	_ =	strace s3  }
0x95: {  	s3 =	sld [smem:$0x3FFD];
	_ =	sdelay $0x3  }
0x96: {  	_ =	strace s3  }
0x97: {  	_ =	strace $0x8FFFFFFF  }
0x98: {  	s19 =	sld [smem:$0x3FDB];
	_ =	sdelay $0x1  }
0x99: {  	s4 =	simm.s32 $_scs_section_size  }
0x9a: {  	s5 =	simm.s32 $_size__tile_overlayer_lowered;
	s6 =	simm.s32 $_tile_overlayer_lowered  }
0x9b: {  	s22 =	simm.s32 $0x1BFF;
	s21 =	sshll.u32 s6, $0x1;
	s3 =	sadd.s32 s4, s19  }
0x9c: {  	s7 =	simm.s32 $0x0;
	s20 =	sshll.u32 s5, $0x1;
	s5 =	sadd.s32 s21, s3  }
0x9d: {  	[timem:s7], [sflag:s22] =	dma.local [hbm:s5], s20  }
0x9e: {  	_ =	swait.ge [sflag:s22], s20  }
0x9f: {  	s4 =	ssub.s32 $0x0, s20;
	[sflag:s22] =	ssyncset.done $0x0  }
0xa0: {  	[sflag:s22] =	ssyncadd.s32 s4;
	_ =	sdelay $0x1  }
0xa1: {  	s23 =	simm.s32 $0x1B8B  }
0xa2: {  	_ =	swait.ge [sflag:s23], $0x1  }
0xa3: {  	[sflag:s23] =	ssyncset.done $0x0  }
0xa4: {  	s25 =	simm.s32 $0x1B8E;
	s24 =	sld [smem:$0x3FFE];
	[sflag:s23] =	ssyncadd.s32 $0xFFFFFFFF  }
0xa5: {  	s26 =	simm.s32 $execute0_lowered;
	[smem:$0x3FD2] =	sst s25  }
0xa6: {  	s5 =	sshll.u32 s26, $0x1;
	_ =	strace $0x80000055;
	[dreg:$0x1] =	wrdreg $0xFFFFFFFF  }
0xa7: {  	s28 =	simm.s32 $_size_execute0_lowered;
	s3 =	sadd.s32 s3, s5;
	[dreg:$0x0] =	wrdreg $0x0  }
0xa8: {  	s5 =	sshll.u32 s28, $0x1;
	[dreg:$0x2] =	wrdreg s3  }
0xa9: {  	[dreg:$0x3] =	wrdreg s5  }
0xaa: {  	[dreg:$0x4] =	wrdreg $0xC0  }
0xab: {  	_ =	task [dreg:s7], $0x5FFFF  }
0xac: {  	[dreg:$0x1] =	wrdreg $0xFFFFFFFF  }
0xad: {  	[dreg:$0x0] =	wrdreg $0x60  }
0xae: {  	[dreg:$0x2] =	wrdreg s24  }
0xaf: {  	[dreg:$0x3] =	wrdreg s2  }
0xb0: {  	[dreg:$0x4] =	wrdreg $0xA0000  }
0xb1: {  	[dreg:$0x5] =	wrdreg $0x9  }
0xb2: {  	_ =	task.clear_ibuf [dreg:s7], $0x6FFFF;
	_ =	strace $0x90000055  }
0xb3: {  	s29 =	simm.s32 $0x9;
	_ =	strace $0x80000057  }
0xb4: {  	_ =	swait.ge [sflag:s29], $0x1  }
0xb5: {  	[sflag:s29] =	ssyncadd.s32 $0xFFFFFFFF  }
0xb6: {  	_ =	strace $0x90000057  }
0xb7: {  	_ =	sfence  }
0xb8: {  	s30 =	sld [smem:$0x0];
	_ =	sdelay $0x2  }
0xb9: {  	s31 =	sshll.u32 s1, $0xD;
	s1 =	sshrl.u32 s1, $0x2  }
0xba: {  	s3 =	sand.u32 $0x4000, s31;
	s1 =	sadd.s32 s1, s30  }
0xbb: {  	s0 =	sor.u32 s3, s0;
	s1 =	sshll.u32 s1, $0x11  }
0xbc: {  	s0 =	sor.u32 s1, s0  }
0xbd: {  	s0 =	sadd.s32 $0x8F2B, s0  }
0xbe: {  	[sflag:s0] =	ssyncadd.remote.s32 $0x1  }
0xbf: {  	_ =	sfence.sel $0xFFFF  }
0xc0: {  	[dreg:$0x0] =	wrdreg $0xFFFFFFFF;
	(pc) =	sbr.abs _section_cstart, $3  }
0xc1: {  	[dreg:$0x1] =	wrdreg $0xFFFFFFFF  }
0xc2: {  	_ =	task.clear_ibuf [dreg:s7], $0x2FFFF;
	_ =	strace $0x9FFFFFFF  }
0xc3: {  	(tm) =	ssettm $0x7FFFFFFF  }
tec
execute0_lowered:
.L_overlay_start_1:
0x0: {  	(tag) =	ssettag $0x1  }
0x1: {  	s4 =	rddreg [dreg:$0x0]  }
0x2: {  	s5 =	rddreg [dreg:$0x1]  }
0x3: {  	s1 =	rddreg [dreg:$0x2]  }
0x4: {  	s0 =	rddreg [dreg:$0x3];
	s2 =	simm.s32 $0x0;
	s7 =	stileid.u32  }
0x5: {  	s6 =	srdreg.scid;
	s13 =	simm.s32 $0x80;
	s14 =	simm.s32 $0x2  }
0x6: {  	s15 =	simm.s32 $0x0;
	[smem:$0x7FF] =	sst s2;
	s3 =	sshll.u32 s7, $0x12  }
0x7: {  	s6 =	sand.u32 $0x1, s6;
	s11 =	sshll.u32 s7, $0xE;
	p0 =	sne.s32 s7, $0x0  }
0x8: {  	_ =	strace $0x80000056;
	s8 =	sadd.s32 s3, s4;
	s9 =	sshll.u32 s6, $0xD  }
0x9: {  	s10 =	ssub.s32 $0x2, s6;
	s3 =	sadd.s32 $0x40F400, s4;
	s31 =	sshll.u32 s6, $0x11  }
0xa: {  	s12 =	sshrl.u32 s10, $0x1;
	s11 =	sor.u32 s9, s11;
	s9 =	sadd.s32 s9, s4  }
0xb: {  	s8 =	sadd.s32 s31, s8;
	s10 =	ssub.s32 s10, s12;
	s30 =	sshrl.u32 s11, $0x3  }
0xc: {  	s7 =	sadd.s32 $0x811C00, s8;
	s8 =	sshrl.u32 @!p0 s1, $0x3;
	s11 =	simm.s32 $0x6000  }
0xd: {  	s12 =	simm.s32 $0x1;
	s4 =	sadd.s32 s5, s30;
	s5 =	sadd.s32 $0x4E00, s9  }
0xe: {  	s6 =	smax.u32 s10, $0x1;
	s9 =	simm.s32 $0x3;
	s10 =	simm.s32 $0x2000  }
.LBB2_1:
0xf: {  	s16 =	simm.s32 @!p0 $0x1C03  }
0x10: {  	[spmem:s8], [sflag:s16] =	dma.local @!p0 [hbm:s3], $0x2000  }
0x11: {  	s16 =	simm.s32 @!p0 $0x3  }
0x12: {  	_ =	swait.ge @!p0 [sflag:s16], $0x2000  }
0x13: {  	[sflag:s16] =	ssyncset.done @!p0 $0x0  }
0x14: {  	[sflag:s16] =	ssyncadd.s32 @!p0 $0xFFFFE000  }
0x15: {  	[bflag:$0x0] =	sbarrier.arrive $0xFFFF  }
0x16: {  	[tilespmem:s2], [sflag:$0x3] =	stream.linear.gather [hbm4b:s4+s2], $0x2000, $0x38;
	[tilespmem:$0xB000] =	vst v63  }
0x17: {  	_ =	swait.ge [sflag:s9], $0x2000  }
0x18: {  	[sflag:s9] =	ssyncset.done $0x0  }
0x19: {  	s29 =	sadd.s32 $0xFFFFF800, s7;
	[sflag:s9] =	ssyncadd.s32 $0xFFFFE000  }
0x1a: {  	[tilespmem:s10], [sflag:$0x1] =	stream.linear.gather [hbm4b:s29+s2], $0x4000, $0x38;
	[tilespmem:$0xB000] =	vst v63  }
0x1b: {  	_ = 	snop  }
0x1c: {  	[tilespmem:s11], [sflag:$0x2] =	stream.linear.gather [hbm4b:s7+s2], $0x4000, $0x38;
	[tilespmem:$0xB000] =	vst v63  }
0x1d: {  	_ =	swait.ge [sflag:s12], $0x4000  }
0x1e: {  	[sflag:s12] =	ssyncset.done $0x0  }
0x1f: {  	s30 =	simm.s32 $0x0;
	[sflag:s12] =	ssyncadd.s32 $0xFFFFC000  }
0x20: {  	[spmem:s1] =	stream.indirect.scatter.add.f32 [tilespmem:s10], [sflag:$0x3], $0x80, s30, s13, $0xb8;
	[tilespmem:$0xB000] =	vst v63  }
0x21: {  	_ =	swait.ge [sflag:s9], $0x4000  }
0x22: {  	[sflag:s9] =	ssyncset.done $0x0  }
0x23: {  	[sflag:s9] =	ssyncadd.s32 $0xFFFFC000  }
0x24: {  	_ =	swait.ge [sflag:s14], $0x4000  }
0x25: {  	[sflag:s14] =	ssyncset.done $0x0  }
0x26: {  	s31 =	simm.s32 $0x80;
	[sflag:s14] =	ssyncadd.s32 $0xFFFFC000  }
0x27: {  	[spmem:s1] =	stream.indirect.scatter.add.f32 [tilespmem:s11], [sflag:$0x3], $0x80, s31, s13, $0xb8;
	[tilespmem:$0xB000] =	vst v63  }
0x28: {  	s18 =	simm.s32 $0x800;
	_ =	swait.ge [sflag:s9], $0x4000  }
0x29: {  	s17 =	sadd.s32 $0x1000, s7;
	s16 =	simm.s32 $0x400;
	[sflag:s9] =	ssyncset.done $0x0  }
.LBB2_2:
0x2a: {  	p1 =	sne.s32 s18, $0x7C00;
	s19 =	sadd.s32 $0xFFFFF800, s17;
	[sflag:s9] =	ssyncadd.s32 $0xFFFFC000  }
0x2b: {  	[tilespmem:s10], [sflag:$0x1] =	stream.linear.gather [hbm4b:s19+s2], $0x4000, $0x38;
	[tilespmem:$0xB000] =	vst v63  }
0x2c: {  	s19 =	smov.u32 s18;
	s18 =	sadd.s32 $0x400, s18  }
0x2d: {  	[tilespmem:s11], [sflag:$0x2] =	stream.linear.gather [hbm4b:s17+s2], $0x4000, $0x38;
	[tilespmem:$0xB000] =	vst v63  }
0x2e: {  	_ =	swait.ge [sflag:s12], $0x4000  }
0x2f: {  	[sflag:s12] =	ssyncset.done $0x0  }
0x30: {  	s20 =	sshra.s32 s16, $0x2;
	s16 =	smov.u32 s19;
	[sflag:s12] =	ssyncadd.s32 $0xFFFFC000  }
0x31: {  	[spmem:s1] =	stream.indirect.scatter.add.f32 [tilespmem:s10], [sflag:$0x3], $0x80, s20, s13, $0xb8;
	[tilespmem:$0xB000] =	vst v63  }
0x32: {  	_ =	swait.ge [sflag:s9], $0x4000  }
0x33: {  	[sflag:s9] =	ssyncset.done $0x0  }
0x34: {  	[sflag:s9] =	ssyncadd.s32 $0xFFFFC000  }
0x35: {  	_ =	swait.ge [sflag:s14], $0x4000  }
.Ltmp0:
0x36: {  	[sflag:s14] =	ssyncset.done $0x0;
	(pc) =	sbr.rel @p1 .LBB2_2-.Ltmp0, $4  }
0x37: {  	s19 =	sadd.s32 $0x80, s20;
	[sflag:s14] =	ssyncadd.s32 $0xFFFFC000  }
0x38: {  	[spmem:s1] =	stream.indirect.scatter.add.f32 [tilespmem:s11], [sflag:$0x3], $0x80, s19, s13, $0xb8;
	[tilespmem:$0xB000] =	vst v63  }
0x39: {  	_ =	swait.ge [sflag:s9], $0x4000  }
0x3a: {  	s17 =	sadd.s32 $0x1000, s17;
	[sflag:s9] =	ssyncset.done $0x0  }
0x3b: {  	s18 =	sadd.s32 $0xFFFFF800, s17;
	[sflag:s9] =	ssyncadd.s32 $0xFFFFC000  }
0x3c: {  	[tilespmem:s10], [sflag:$0x1] =	stream.linear.gather [hbm4b:s18+s2], $0x4000, $0x38;
	[tilespmem:$0xB000] =	vst v63  }
0x3d: {  	_ = 	snop  }
0x3e: {  	[tilespmem:s11], [sflag:$0x2] =	stream.linear.gather [hbm4b:s17+s2], $0x4000, $0x38;
	[tilespmem:$0xB000] =	vst v63  }
0x3f: {  	_ =	swait.ge [sflag:s12], $0x4000  }
0x40: {  	[sflag:s12] =	ssyncset.done $0x0  }
0x41: {  	s16 =	sshra.s32 s16, $0x2;
	[sflag:s12] =	ssyncadd.s32 $0xFFFFC000  }
0x42: {  	[spmem:s1] =	stream.indirect.scatter.add.f32 [tilespmem:s10], [sflag:$0x3], $0x80, s16, s13, $0xb8;
	[tilespmem:$0xB000] =	vst v63  }
0x43: {  	_ =	swait.ge [sflag:s9], $0x4000  }
0x44: {  	[sflag:s9] =	ssyncset.done $0x0  }
0x45: {  	[sflag:s9] =	ssyncadd.s32 $0xFFFFC000  }
0x46: {  	_ =	swait.ge [sflag:s14], $0x4000  }
0x47: {  	[sflag:s14] =	ssyncset.done $0x0  }
0x48: {  	s16 =	sadd.s32 $0x80, s16;
	[sflag:s14] =	ssyncadd.s32 $0xFFFFC000  }
0x49: {  	[spmem:s1] =	stream.indirect.scatter.add.f32 [tilespmem:s11], [sflag:$0x3], $0x80, s16, s13, $0xb8;
	[tilespmem:$0xB000] =	vst v63  }
0x4a: {  	_ =	swait.ge [sflag:s9], $0x4000  }
0x4b: {  	[sflag:s9] =	ssyncset.done $0x0  }
0x4c: {  	s15 =	sadd.s32 $0x1, s15;
	[sflag:s9] =	ssyncadd.s32 $0xFFFFC000  }
0x4d: {  	p1 =	sne.s32 s15, s6;
	s16 =	simm.s32 @!p0 $0x1C03;
	[bflag:$0x0] =	sbarrier.arrive $0xFFFF  }
0x4e: {  	[hbm:s5], [sflag:s16] =	dma.local @!p0 [spmem:s8], $0x2000  }
.Ltmp1:
0x4f: {  	_ = 	snop;
	(pc) =	sbr.rel @p1 .LBB2_1-.Ltmp1, $4  }
0x50: {  	s16 =	simm.s32 @!p0 $0x3  }
0x51: {  	_ =	swait.ge @!p0 [sflag:s16], $0x2000  }
0x52: {  	[sflag:s16] =	ssyncset.done @!p0 $0x0  }
0x53: {  	[sflag:s16] =	ssyncadd.s32 @!p0 $0xFFFFE000  }
0x54: {  	_ =	sfence.sel $0x180000  }
0x55: {  	[bflag:$0x0] =	sbarrier.arrive $0xFFFF  }
0x56: {  	_ =	strace $0x90000056  }
0x57: {  	s0 =	sadd.s32 @!p0 $0x100000, s0;
	[bflag:$0x2] =	sbarrier.arrive $0xFFFF  }
0x58: {  	[sflag:s0] =	ssyncadd.tile.s32 @!p0 $0x1;
	_ =	shalt  }
.Lfunc_end2:
_tile_overlayer_lowered:
.L_overlay_start_2:
0x59: {  	(tag) =	ssettag $0x2  }
0x5a: {  	s0 =	rddreg [dreg:$0x0];
	s2 =	stileid.u32  }
0x5b: {  	s1 =	rddreg [dreg:$0x1];
	p0 =	sne.s32 s2, $0x0  }
0x5c: {  	s3 =	rddreg [dreg:$0x2];
	[bflag:$0x3] =	sbarrier.arrive $0xFFFF;
	s2 =	simm.s32 @!p0 $0x1C03  }
0x5d: {  	[timem:s3], [sflag:s2] =	dma.local @!p0 [hbm:s0], s1  }
0x5e: {  	s0 =	simm.s32 @!p0 $0x3  }
0x5f: {  	_ =	swait.ge @!p0 [sflag:s0], s1  }
0x60: {  	s1 =	ssub.s32 @!p0 $0x0, s1;
	[sflag:s0] =	ssyncset.done @!p0 $0x0  }
0x61: {  	[sflag:s0] =	ssyncadd.s32 @!p0 s1  }
0x62: {  	[bflag:$0x3] =	sbarrier.arrive $0xFFFF  }
0x63: {  	_ =	shalt  }

</sc_bundles>
